<compile_context>
chip_gen: v7x
topology: tpu7x:2x2x1
jax: 0.10.2.dev20260603
libtpu: 0.0.44.dev20260713+nightly
codegen_flags: <defaults>
</compile_context>

<pallas_src>
import functools

import jax
import jax.numpy as jnp
from jax import lax
from jax.experimental import pallas as pl
from jax.experimental.pallas import tpu as pltpu
from jax.experimental.pallas import tpu_sc as plsc

N = 10000
E = 320000
D = 128
DE = 16

NC = 2
NS = 16
NW = NC * NS
C = 128

N_PAD = 10112
ROWS_PER_TILE = N_PAD // NS

BE = 8000

K = 6
NGRP = 13
KS = 3
NGRPS = 26


def _xw_body(x_ref, w_ref, b_ref, o_ref):
    o_ref[...] = (
        jnp.dot(x_ref[...], w_ref[...], preferred_element_type=jnp.float32)
        + b_ref[...]
    )


def _edge_body(g_ref, ea_ref, w_ref, g1_ref, bt1_ref, o_ref):
    f = g_ref[...] + jnp.dot(
        ea_ref[...], w_ref[...], preferred_element_type=jnp.float32
    )
    m = jnp.mean(f, axis=-1, keepdims=True)
    cgap = f - m
    v = jnp.mean(cgap * cgap, axis=-1, keepdims=True)
    h = cgap * lax.rsqrt(v + 1e-5) * g1_ref[...] + bt1_ref[...]
    o_ref[...] = jnp.maximum(h, 0.0)


def _node_body(p_ref, wn_ref, bn_ref, gn_ref, btn_ref, o_ref):
    ft = p_ref[0, :N, :] + p_ref[1, :N, :]
    f = jnp.dot(ft, wn_ref[...], preferred_element_type=jnp.float32) + bn_ref[...]
    m = jnp.mean(f, axis=-1, keepdims=True)
    cgap = f - m
    v = jnp.mean(cgap * cgap, axis=-1, keepdims=True)
    h = cgap * lax.rsqrt(v + 1e-5) * gn_ref[...] + btn_ref[...]
    o_ref[...] = jnp.maximum(h, 0.0)


_sc_mesh = plsc.VectorSubcoreMesh(core_axis_name="c", subcore_axis_name="s")


@functools.partial(
    pl.kernel,
    out_type=jax.ShapeDtypeStruct((E, D), jnp.float32),
    mesh=_sc_mesh,
    scratch_types=[
        pltpu.VMEM((K, C), jnp.int32),
        pltpu.VMEM((K, C, D), jnp.float32),
        pltpu.SemaphoreType.DMA((K,)),
        pltpu.SemaphoreType.DMA((K,)),
        pltpu.SemaphoreType.DMA((K,)),
    ],
)
def _gather_sc(xw_hbm, col_hbm, g_hbm, idx_v, rows_v, sem_i, sem_g, sem_s):
    wid = lax.axis_index("s") * NC + lax.axis_index("c")
    nchunks = E // C

    def body(grp, carry):
        for i in range(K):
            chunk = wid + (grp * K + i) * NW
            pltpu.async_copy(
                col_hbm.at[pl.ds(chunk * C, C)], idx_v.at[i], sem_i.at[i]
            )
        for i in range(K):
            @pl.when(grp > 0)
            def _():
                pltpu.make_async_copy(
                    rows_v.at[i], g_hbm.at[pl.ds(0, C)], sem_s.at[i]
                ).wait()
        for i in range(K):
            pltpu.make_async_copy(
                col_hbm.at[pl.ds(0, C)], idx_v.at[i], sem_i.at[i]
            ).wait()
            pltpu.async_copy(xw_hbm.at[idx_v.at[i]], rows_v.at[i], sem_g.at[i])
        for i in range(K):
            chunk = wid + (grp * K + i) * NW
            pltpu.make_async_copy(
                xw_hbm.at[idx_v.at[i]], rows_v.at[i], sem_g.at[i]
            ).wait()
            pltpu.async_copy(
                rows_v.at[i], g_hbm.at[pl.ds(chunk * C, C)], sem_s.at[i]
            )
        return carry

    lax.fori_loop(0, NGRP, body, 0)
    for i in range(K):
        pltpu.make_async_copy(
            rows_v.at[i], g_hbm.at[pl.ds(0, C)], sem_s.at[i]
        ).wait()

    @pl.when(wid < nchunks - NGRP * K * NW)
    def _():
        base = (NGRP * K * NW + wid) * C
        pltpu.sync_copy(col_hbm.at[pl.ds(base, C)], idx_v.at[0])
        pltpu.async_copy(xw_hbm.at[idx_v.at[0]], rows_v.at[0], sem_g.at[0]).wait()
        pltpu.sync_copy(rows_v.at[0], g_hbm.at[pl.ds(base, C)])


@functools.partial(
    pl.kernel,
    out_type=jax.ShapeDtypeStruct((NC, N_PAD, D), jnp.float32),
    mesh=_sc_mesh,
    scratch_types=[
        pltpu.VMEM((2 * KS, C), jnp.int32),
        pltpu.VMEM((KS, C, D), jnp.float32),
        pltpu.VMEM_SHARED((N_PAD, D), jnp.float32),
        pltpu.SemaphoreType.DMA((KS,)),
        pltpu.SemaphoreType.DMA((KS,)),
        pltpu.SemaphoreType.DMA((KS,)),
    ],
)
def _scatter_sc(
    f_hbm, row_hbm, col_hbm, zeros_hbm, out_hbm,
    idx_v, fbuf, flow_sh, sem_i, sem_f, sem_sc,
):
    cid = lax.axis_index("c")
    sid = lax.axis_index("s")

    pltpu.sync_copy(zeros_hbm, flow_sh.at[pl.ds(sid * ROWS_PER_TILE, ROWS_PER_TILE)])
    plsc.subcore_barrier()

    nchunks_half = (E // C) // NC

    def _select_trash(i):
        for ii in range(C // 16):
            r = idx_v[2 * i, pl.ds(ii * 16, 16)]
            cc = idx_v[2 * i + 1, pl.ds(ii * 16, 16)]
            trash = jnp.full((16,), N, jnp.int32)
            idx_v[2 * i, pl.ds(ii * 16, 16)] = jnp.where(r == cc, trash, r)

    def body(grp, carry):
        for i in range(KS):
            @pl.when(grp > 0)
            def _():
                pltpu.make_async_copy(
                    fbuf.at[i], flow_sh.at[idx_v.at[2 * i]], sem_sc.at[i]
                ).wait()
            chunk_local = sid + (grp * KS + i) * NS
            base = (cid * nchunks_half + chunk_local) * C
            pltpu.async_copy(row_hbm.at[pl.ds(base, C)], idx_v.at[2 * i], sem_i.at[i])
            pltpu.async_copy(col_hbm.at[pl.ds(base, C)], idx_v.at[2 * i + 1], sem_i.at[i])
            pltpu.async_copy(f_hbm.at[pl.ds(base, C)], fbuf.at[i], sem_f.at[i])
        for i in range(KS):
            pltpu.make_async_copy(
                row_hbm.at[pl.ds(0, C)], idx_v.at[2 * i], sem_i.at[i]
            ).wait()
            pltpu.make_async_copy(
                col_hbm.at[pl.ds(0, C)], idx_v.at[2 * i + 1], sem_i.at[i]
            ).wait()
            _select_trash(i)
            pltpu.make_async_copy(
                f_hbm.at[pl.ds(0, C)], fbuf.at[i], sem_f.at[i]
            ).wait()
            pltpu.async_copy(
                fbuf.at[i], flow_sh.at[idx_v.at[2 * i]], sem_sc.at[i], add=True
            )
        return carry

    lax.fori_loop(0, NGRPS, body, 0)
    for i in range(KS):
        pltpu.make_async_copy(
            fbuf.at[i], flow_sh.at[idx_v.at[2 * i]], sem_sc.at[i]
        ).wait()

    @pl.when(sid < nchunks_half - NGRPS * KS * NS)
    def _():
        base = (cid * nchunks_half + NGRPS * KS * NS + sid) * C
        pltpu.sync_copy(row_hbm.at[pl.ds(base, C)], idx_v.at[0])
        pltpu.sync_copy(col_hbm.at[pl.ds(base, C)], idx_v.at[1])
        _select_trash(0)
        pltpu.sync_copy(f_hbm.at[pl.ds(base, C)], fbuf.at[0])
        pltpu.sync_copy(fbuf.at[0], flow_sh.at[idx_v.at[0]], add=True)

    plsc.subcore_barrier()
    pltpu.sync_copy(
        flow_sh.at[pl.ds(sid * ROWS_PER_TILE, ROWS_PER_TILE)],
        out_hbm.at[cid, pl.ds(sid * ROWS_PER_TILE, ROWS_PER_TILE)],
    )


def kernel(x, edge_index, edge_attr, W1, b1, g1, bt1, Wn, bn, gn, btn):
    row = edge_index[0]
    col = edge_index[1]
    W1a = W1[:D]
    W1b = W1[D:]

    xw = pl.pallas_call(
        _xw_body,
        out_shape=jax.ShapeDtypeStruct((N, D), jnp.float32),
    )(x, W1a, b1.reshape(1, D))

    g = _gather_sc(xw, col)

    nblk = E // BE
    f = pl.pallas_call(
        _edge_body,
        grid=(nblk,),
        in_specs=[
            pl.BlockSpec((BE, D), lambda i: (i, 0)),
            pl.BlockSpec((BE, DE), lambda i: (i, 0)),
            pl.BlockSpec((DE, D), lambda i: (0, 0)),
            pl.BlockSpec((1, D), lambda i: (0, 0)),
            pl.BlockSpec((1, D), lambda i: (0, 0)),
        ],
        out_specs=pl.BlockSpec((BE, D), lambda i: (i, 0)),
        out_shape=jax.ShapeDtypeStruct((E, D), jnp.float32),
    )(g, edge_attr, W1b, g1.reshape(1, D), bt1.reshape(1, D))

    zeros = jnp.zeros((ROWS_PER_TILE, D), jnp.float32)
    partials = _scatter_sc(f, row, col, zeros)

    out = pl.pallas_call(
        _node_body,
        out_shape=jax.ShapeDtypeStruct((N, D), jnp.float32),
    )(partials, Wn, bn.reshape(1, D), gn.reshape(1, D), btn.reshape(1, D))
    return out

# --- scband reference (transcript-rebuilt; emitter-appended) ---
"""Pipeline reference for scband-node-update-net-43112881717683 (READ-ONLY COPY).

The authoritative reference and input builder live on the scoring server;
editing this copy changes nothing except your own understanding.
"""

import jax, jax.numpy as jnp
import numpy as np


def _ln(h, g, b):
    m = jnp.mean(h, axis=-1, keepdims=True)
    v = jnp.var(h, axis=-1, keepdims=True)
    return (h - m) / jnp.sqrt(v + 1e-5) * g + b


def setup_inputs(seed: int = 0):
    key = jax.random.key(seed)
    ks = jax.random.split(key, 10)
    N, E, D, DE = 10000, 320000, 128, 16
    DIN = D + DE
    x = jax.random.normal(ks[0], (N, D), dtype=jnp.float32)
    edge_index = jax.random.randint(ks[1], (2, E), 0, N, dtype=jnp.int32)
    edge_attr = jax.random.normal(ks[2], (E, DE), dtype=jnp.float32)
    W1 = jax.random.normal(ks[3], (DIN, D), dtype=jnp.float32) * (DIN ** -0.5)
    b1 = jnp.zeros((D,), jnp.float32)
    g1 = jnp.ones((D,), jnp.float32)
    bt1 = jnp.zeros((D,), jnp.float32)
    Wn = jax.random.normal(ks[4], (D, D), dtype=jnp.float32) * (D ** -0.5)
    bn = jnp.zeros((D,), jnp.float32)
    gn = jnp.ones((D,), jnp.float32)
    btn = jnp.zeros((D,), jnp.float32)
    return {"x": x, "edge_index": edge_index, "edge_attr": edge_attr,
            "W1": W1, "b1": b1, "g1": g1, "bt1": bt1,
            "Wn": Wn, "bn": bn, "gn": gn, "btn": btn}


def reference(x, edge_index, edge_attr, W1, b1, g1, bt1, Wn, bn, gn, btn):
    # NodeUpdateNet.forward with SHARED_FLAG=True, SELF_LOOP=False, TMPNN_FLAG=False,
    # dropout_p=0, node_agg_fn = scatter-sum over dst node (row).
    row, col = edge_index[0], edge_index[1]
    N = x.shape[0]
    # shared flow MLP applied per edge: cat([x[col], edge_attr]) -> Linear -> LN -> ReLU
    h = jnp.concatenate([x[col], edge_attr], axis=1)
    f = jax.nn.relu(_ln(h @ W1 + b1, g1, bt1))
    # torch code filters edges by row<col / row>col then scatter-sums into `row`.
    # Since the MLP is per-edge and agg is sum, masked segment_sum is exactly equivalent
    # (and keeps shapes static for jax).
    m_d2t = (row < col).astype(f.dtype)[:, None]
    m_t2d = (row > col).astype(f.dtype)[:, None]
    flow_d2t = jax.ops.segment_sum(f * m_d2t, row, num_segments=N)
    flow_t2d = jax.ops.segment_sum(f * m_t2d, row, num_segments=N)
    flow_total = flow_t2d + flow_d2t
    out = jax.nn.relu(_ln(flow_total @ Wn + bn, gn, btn))
    return out

if __name__ == "__main__":
    import jax
    _d = setup_inputs()
    print(jax.jit(kernel)(*tuple(_d.values())))

</pallas_src>

<mosaic_0001>
#map = affine_map<(d0, d1) -> (0, 0)>
#map1 = affine_map<(d0, d1) -> (0)>
#map2 = affine_map<(d0, d1) -> (0, 0, 0)>
module attributes {stable_mosaic.version = 14 : i64} {
  func.func @_scatter_sc(%arg0: i32, %arg1: i32, %arg2: memref<320000x128xf32, #tpu.memory_space<hbm>>, %arg3: memref<320000xi32, #tpu.memory_space<hbm>>, %arg4: memref<320000xi32, #tpu.memory_space<hbm>>, %arg5: memref<632x128xf32, #tpu.memory_space<hbm>>, %arg6: memref<2x10112x128xf32, #tpu.memory_space<hbm>>, %arg7: memref<6x128xi32, #tpu.memory_space<vmem>>, %arg8: memref<3x128x128xf32, #tpu.memory_space<vmem>>, %arg9: memref<10112x128xf32, #tpu.memory_space<vmem_shared>>, %arg10: memref<3x!tpu.dma_semaphore, #tpu.memory_space<semaphore_mem>>, %arg11: memref<3x!tpu.dma_semaphore, #tpu.memory_space<semaphore_mem>>, %arg12: memref<3x!tpu.dma_semaphore, #tpu.memory_space<semaphore_mem>>) attributes {dimension_semantics = [#tpu.dimension_semantics<core_parallel>, #tpu.dimension_semantics<subcore_parallel>], iteration_bounds = array<i64: 2, 16>, scalar_prefetch = 0 : i64, scratch_operands = 6 : i64, tpu.core_type = #tpu.core_type<sc_vector_subcore>, window_params = [{transform_indices = #map}, {transform_indices = #map1}, {transform_indices = #map1}, {transform_indices = #map}, {transform_indices = #map2}]} {
    %mul3A = arith.constant 632 : i32
    %mul3A_0 = arith.muli %arg1, %mul3A : i32
    "tpu.region"() ({
      %run_scoped3A = tpu.sem_alloc : memref<!tpu.dma_semaphore, #tpu.memory_space<semaphore_mem>>
      %dma_start3A = arith.constant 0 : i32
      %dma_start3A_57 = tpu.memref_slice %arg9[%mul3A_0, %dma_start3A] : memref<10112x128xf32, #tpu.memory_space<vmem_shared>> -> memref<632x128xf32, #tpu.memory_space<vmem_shared>>
      tpu.enqueue_dma source(%arg5 : memref<632x128xf32, #tpu.memory_space<hbm>>) target(%dma_start3A_57 : memref<632x128xf32, #tpu.memory_space<vmem_shared>>) target_semaphore(%run_scoped3A : memref<!tpu.dma_semaphore, #tpu.memory_space<semaphore_mem>>)
      %dma_wait3A_58 = arith.constant 0 : i32
      %dma_wait3A_59 = tpu.memref_slice %arg9[%mul3A_0, %dma_wait3A_58] : memref<10112x128xf32, #tpu.memory_space<vmem_shared>> -> memref<632x128xf32, #tpu.memory_space<vmem_shared>>
      tpu.wait_dma2 semaphore(%run_scoped3A : memref<!tpu.dma_semaphore, #tpu.memory_space<semaphore_mem>>) src(%arg5 : memref<632x128xf32, #tpu.memory_space<hbm>>) dst(%dma_wait3A_59 : memref<632x128xf32, #tpu.memory_space<vmem_shared>>)
      tpu.yield
    }) : () -> ()
    %barrier3A = arith.constant 0 : index
    tpu.barrier barrier_id(%barrier3A)
    %scan3A = arith.constant 0 : i32
    %scan3A_1 = arith.constant 0 : i32
    %scan3A_2 = arith.constant 26 : i32
    %scan3A_3 = arith.addi %scan3A_1, %scan3A_2 : i32
    %scan3A_4 = arith.constant 1 : i32
    scf.for %scan3A_57 = %scan3A_1 to %scan3A_3 step %scan3A_4  : i32 {
      %gt3A = arith.constant 0 : i32
      %gt3A_58 = arith.cmpi sgt, %scan3A_57, %gt3A : i32
      %convert_element_type3A_59 = arith.extui %gt3A_58 : i1 to i32
      %cond3A_60 = arith.constant 0 : i32
      %cond3A_61 = arith.cmpi ne, %convert_element_type3A_59, %cond3A_60 : i32
      scf.if %cond3A_61 {
        %dma_wait3A_884 = arith.constant 0 : i32
        %dma_wait3A_885 = arith.constant 0 : i32
        %dma_wait3A_886 = arith.constant 0 : i32
        %dma_wait3A_887 = arith.constant 0 : i32
        %dma_wait3A_888 = arith.constant 0 : i32
        %dma_wait3A_889 = tpu.memref_slice %arg8[%dma_wait3A_884, %dma_wait3A_887, %dma_wait3A_888] : memref<3x128x128xf32, #tpu.memory_space<vmem>> -> memref<1x128x128xf32, #tpu.memory_space<vmem>>
        %dma_wait3A_890 = tpu.memref_squeeze %dma_wait3A_889 : memref<1x128x128xf32, #tpu.memory_space<vmem>> -> memref<128x128xf32, #tpu.memory_space<vmem>>
        %dma_wait3A_891 = arith.constant 0 : i32
        %dma_wait3A_892 = tpu.memref_slice %arg7[%dma_wait3A_885, %dma_wait3A_891] : memref<6x128xi32, #tpu.memory_space<vmem>> -> memref<1x128xi32, #tpu.memory_space<vmem>>
        %dma_wait3A_893 = tpu.memref_squeeze %dma_wait3A_892 : memref<1x128xi32, #tpu.memory_space<vmem>> -> memref<128xi32, #tpu.memory_space<vmem>>
        %dma_wait3A_894 = arith.constant 0 : i32
        %dma_wait3A_895 = arith.constant 0 : i32
        %dma_wait3A_896 = tpu.memref_slice %arg9[%dma_wait3A_894, %dma_wait3A_895] : memref<10112x128xf32, #tpu.memory_space<vmem_shared>> -> memref<10112x128xf32, #tpu.memory_space<vmem_shared>>
        %dma_wait3A_897 = tpu.memref_slice %arg12[%dma_wait3A_886] : memref<3x!tpu.dma_semaphore, #tpu.memory_space<semaphore_mem>> -> memref<1x!tpu.dma_semaphore, #tpu.memory_space<semaphore_mem>>
        %dma_wait3A_898 = tpu.memref_squeeze %dma_wait3A_897 : memref<1x!tpu.dma_semaphore, #tpu.memory_space<semaphore_mem>> -> memref<!tpu.dma_semaphore, #tpu.memory_space<semaphore_mem>>
        tpu.wait_indirect_dma semaphore(%dma_wait3A_898 : memref<!tpu.dma_semaphore, #tpu.memory_space<semaphore_mem>>) src(%dma_wait3A_890 : memref<128x128xf32, #tpu.memory_space<vmem>>) dst(%dma_wait3A_896 : memref<10112x128xf32, #tpu.memory_space<vmem_shared>>)
      } else {
      }
      %mul3A_62 = arith.constant 3 : i32
      %mul3A_63 = arith.muli %scan3A_57, %mul3A_62 : i32
      %add3A = arith.constant 0 : i32
      %add3A_64 = arith.addi %mul3A_63, %add3A : i32
      %mul3A_65 = arith.constant 16 : i32
      %mul3A_66 = arith.muli %add3A_64, %mul3A_65 : i32
      %add3A_67 = arith.addi %arg1, %mul3A_66 : i32
      %mul3A_68 = arith.constant 1250 : i32
      %mul3A_69 = arith.muli %arg0, %mul3A_68 : i32
      %add3A_70 = arith.addi %mul3A_69, %add3A_67 : i32
      %mul3A_71 = arith.constant 128 : i32
      %mul3A_72 = arith.muli %add3A_70, %mul3A_71 : i32
      %dma_start3A = arith.constant 0 : i32
      %dma_start3A_73 = arith.constant 0 : i32
      %dma_start3A_74 = arith.constant 0 : i32
      %dma_start3A_75 = tpu.memref_slice %arg7[%dma_start3A, %dma_start3A_74] : memref<6x128xi32, #tpu.memory_space<vmem>> -> memref<1x128xi32, #tpu.memory_space<vmem>>
      %dma_start3A_76 = tpu.memref_squeeze %dma_start3A_75 : memref<1x128xi32, #tpu.memory_space<vmem>> -> memref<128xi32, #tpu.memory_space<vmem>>
      %dma_start3A_77 = tpu.memref_slice %arg3[%mul3A_72] : memref<320000xi32, #tpu.memory_space<hbm>> -> memref<128xi32, #tpu.memory_space<hbm>>
      %dma_start3A_78 = tpu.memref_slice %arg10[%dma_start3A_73] : memref<3x!tpu.dma_semaphore, #tpu.memory_space<semaphore_mem>> -> memref<1x!tpu.dma_semaphore, #tpu.memory_space<semaphore_mem>>
      %dma_start3A_79 = tpu.memref_squeeze %dma_start3A_78 : memref<1x!tpu.dma_semaphore, #tpu.memory_space<semaphore_mem>> -> memref<!tpu.dma_semaphore, #tpu.memory_space<semaphore_mem>>
      %dma_start3A_80 = arith.constant 0 : i32
      %dma_start3A_81 = tpu.memref_slice %arg7[%dma_start3A, %dma_start3A_80] : memref<6x128xi32, #tpu.memory_space<vmem>> -> memref<1x128xi32, #tpu.memory_space<vmem>>
      %dma_start3A_82 = tpu.memref_squeeze %dma_start3A_81 : memref<1x128xi32, #tpu.memory_space<vmem>> -> memref<128xi32, #tpu.memory_space<vmem>>
      %dma_start3A_83 = tpu.memref_slice %arg3[%mul3A_72] : memref<320000xi32, #tpu.memory_space<hbm>> -> memref<128xi32, #tpu.memory_space<hbm>>
      tpu.enqueue_dma source(%dma_start3A_83 : memref<128xi32, #tpu.memory_space<hbm>>) target(%dma_start3A_82 : memref<128xi32, #tpu.memory_space<vmem>>) target_semaphore(%dma_start3A_79 : memref<!tpu.dma_semaphore, #tpu.memory_space<semaphore_mem>>)
      %dma_start3A_84 = arith.constant 1 : i32
      %dma_start3A_85 = arith.constant 0 : i32
      %dma_start3A_86 = arith.constant 0 : i32
      %dma_start3A_87 = tpu.memref_slice %arg7[%dma_start3A_84, %dma_start3A_86] : memref<6x128xi32, #tpu.memory_space<vmem>> -> memref<1x128xi32, #tpu.memory_space<vmem>>
      %dma_start3A_88 = tpu.memref_squeeze %dma_start3A_87 : memref<1x128xi32, #tpu.memory_space<vmem>> -> memref<128xi32, #tpu.memory_space<vmem>>
      %dma_start3A_89 = tpu.memref_slice %arg4[%mul3A_72] : memref<320000xi32, #tpu.memory_space<hbm>> -> memref<128xi32, #tpu.memory_space<hbm>>
      %dma_start3A_90 = tpu.memref_slice %arg10[%dma_start3A_85] : memref<3x!tpu.dma_semaphore, #tpu.memory_space<semaphore_mem>> -> memref<1x!tpu.dma_semaphore, #tpu.memory_space<semaphore_mem>>
      %dma_start3A_91 = tpu.memref_squeeze %dma_start3A_90 : memref<1x!tpu.dma_semaphore, #tpu.memory_space<semaphore_mem>> -> memref<!tpu.dma_semaphore, #tpu.memory_space<semaphore_mem>>
      %dma_start3A_92 = arith.constant 0 : i32
      %dma_start3A_93 = tpu.memref_slice %arg7[%dma_start3A_84, %dma_start3A_92] : memref<6x128xi32, #tpu.memory_space<vmem>> -> memref<1x128xi32, #tpu.memory_space<vmem>>
      %dma_start3A_94 = tpu.memref_squeeze %dma_start3A_93 : memref<1x128xi32, #tpu.memory_space<vmem>> -> memref<128xi32, #tpu.memory_space<vmem>>
      %dma_start3A_95 = tpu.memref_slice %arg4[%mul3A_72] : memref<320000xi32, #tpu.memory_space<hbm>> -> memref<128xi32, #tpu.memory_space<hbm>>
      tpu.enqueue_dma source(%dma_start3A_95 : memref<128xi32, #tpu.memory_space<hbm>>) target(%dma_start3A_94 : memref<128xi32, #tpu.memory_space<vmem>>) target_semaphore(%dma_start3A_91 : memref<!tpu.dma_semaphore, #tpu.memory_space<semaphore_mem>>)
      %dma_start3A_96 = arith.constant 0 : i32
      %dma_start3A_97 = arith.constant 0 : i32
      %dma_start3A_98 = arith.constant 0 : i32
      %dma_start3A_99 = arith.constant 0 : i32
      %dma_start3A_100 = tpu.memref_slice %arg8[%dma_start3A_96, %dma_start3A_98, %dma_start3A_99] : memref<3x128x128xf32, #tpu.memory_space<vmem>> -> memref<1x128x128xf32, #tpu.memory_space<vmem>>
      %dma_start3A_101 = tpu.memref_squeeze %dma_start3A_100 : memref<1x128x128xf32, #tpu.memory_space<vmem>> -> memref<128x128xf32, #tpu.memory_space<vmem>>
      %dma_start3A_102 = arith.constant 0 : i32
      %dma_start3A_103 = tpu.memref_slice %arg2[%mul3A_72, %dma_start3A_102] : memref<320000x128xf32, #tpu.memory_space<hbm>> -> memref<128x128xf32, #tpu.memory_space<hbm>>
      %dma_start3A_104 = tpu.memref_slice %arg11[%dma_start3A_97] : memref<3x!tpu.dma_semaphore, #tpu.memory_space<semaphore_mem>> -> memref<1x!tpu.dma_semaphore, #tpu.memory_space<semaphore_mem>>
      %dma_start3A_105 = tpu.memref_squeeze %dma_start3A_104 : memref<1x!tpu.dma_semaphore, #tpu.memory_space<semaphore_mem>> -> memref<!tpu.dma_semaphore, #tpu.memory_space<semaphore_mem>>
      %dma_start3A_106 = arith.constant 0 : i32
      %dma_start3A_107 = arith.constant 0 : i32
      %dma_start3A_108 = tpu.memref_slice %arg8[%dma_start3A_96, %dma_start3A_106, %dma_start3A_107] : memref<3x128x128xf32, #tpu.memory_space<vmem>> -> memref<1x128x128xf32, #tpu.memory_space<vmem>>
      %dma_start3A_109 = tpu.memref_squeeze %dma_start3A_108 : memref<1x128x128xf32, #tpu.memory_space<vmem>> -> memref<128x128xf32, #tpu.memory_space<vmem>>
      %dma_start3A_110 = arith.constant 0 : i32
      %dma_start3A_111 = tpu.memref_slice %arg2[%mul3A_72, %dma_start3A_110] : memref<320000x128xf32, #tpu.memory_space<hbm>> -> memref<128x128xf32, #tpu.memory_space<hbm>>
      tpu.enqueue_dma source(%dma_start3A_111 : memref<128x128xf32, #tpu.memory_space<hbm>>) target(%dma_start3A_109 : memref<128x128xf32, #tpu.memory_space<vmem>>) target_semaphore(%dma_start3A_105 : memref<!tpu.dma_semaphore, #tpu.memory_space<semaphore_mem>>)
      %gt3A_112 = arith.constant 0 : i32
      %gt3A_113 = arith.cmpi sgt, %scan3A_57, %gt3A_112 : i32
      %convert_element_type3A_114 = arith.extui %gt3A_113 : i1 to i32
      %cond3A_115 = arith.constant 0 : i32
      %cond3A_116 = arith.cmpi ne, %convert_element_type3A_114, %cond3A_115 : i32
      scf.if %cond3A_116 {
        %dma_wait3A_884 = arith.constant 1 : i32
        %dma_wait3A_885 = arith.constant 2 : i32
        %dma_wait3A_886 = arith.constant 1 : i32
        %dma_wait3A_887 = arith.constant 0 : i32
        %dma_wait3A_888 = arith.constant 0 : i32
        %dma_wait3A_889 = tpu.memref_slice %arg8[%dma_wait3A_884, %dma_wait3A_887, %dma_wait3A_888] : memref<3x128x128xf32, #tpu.memory_space<vmem>> -> memref<1x128x128xf32, #tpu.memory_space<vmem>>
        %dma_wait3A_890 = tpu.memref_squeeze %dma_wait3A_889 : memref<1x128x128xf32, #tpu.memory_space<vmem>> -> memref<128x128xf32, #tpu.memory_space<vmem>>
        %dma_wait3A_891 = arith.constant 0 : i32
        %dma_wait3A_892 = tpu.memref_slice %arg7[%dma_wait3A_885, %dma_wait3A_891] : memref<6x128xi32, #tpu.memory_space<vmem>> -> memref<1x128xi32, #tpu.memory_space<vmem>>
        %dma_wait3A_893 = tpu.memref_squeeze %dma_wait3A_892 : memref<1x128xi32, #tpu.memory_space<vmem>> -> memref<128xi32, #tpu.memory_space<vmem>>
        %dma_wait3A_894 = arith.constant 0 : i32
        %dma_wait3A_895 = arith.constant 0 : i32
        %dma_wait3A_896 = tpu.memref_slice %arg9[%dma_wait3A_894, %dma_wait3A_895] : memref<10112x128xf32, #tpu.memory_space<vmem_shared>> -> memref<10112x128xf32, #tpu.memory_space<vmem_shared>>
        %dma_wait3A_897 = tpu.memref_slice %arg12[%dma_wait3A_886] : memref<3x!tpu.dma_semaphore, #tpu.memory_space<semaphore_mem>> -> memref<1x!tpu.dma_semaphore, #tpu.memory_space<semaphore_mem>>
        %dma_wait3A_898 = tpu.memref_squeeze %dma_wait3A_897 : memref<1x!tpu.dma_semaphore, #tpu.memory_space<semaphore_mem>> -> memref<!tpu.dma_semaphore, #tpu.memory_space<semaphore_mem>>
        tpu.wait_indirect_dma semaphore(%dma_wait3A_898 : memref<!tpu.dma_semaphore, #tpu.memory_space<semaphore_mem>>) src(%dma_wait3A_890 : memref<128x128xf32, #tpu.memory_space<vmem>>) dst(%dma_wait3A_896 : memref<10112x128xf32, #tpu.memory_space<vmem_shared>>)
      } else {
      }
      %mul3A_117 = arith.constant 3 : i32
      %mul3A_118 = arith.muli %scan3A_57, %mul3A_117 : i32
      %add3A_119 = arith.constant 1 : i32
      %add3A_120 = arith.addi %mul3A_118, %add3A_119 : i32
      %mul3A_121 = arith.constant 16 : i32
      %mul3A_122 = arith.muli %add3A_120, %mul3A_121 : i32
      %add3A_123 = arith.addi %arg1, %mul3A_122 : i32
      %mul3A_124 = arith.constant 1250 : i32
      %mul3A_125 = arith.muli %arg0, %mul3A_124 : i32
      %add3A_126 = arith.addi %mul3A_125, %add3A_123 : i32
      %mul3A_127 = arith.constant 128 : i32
      %mul3A_128 = arith.muli %add3A_126, %mul3A_127 : i32
      %dma_start3A_129 = arith.constant 2 : i32
      %dma_start3A_130 = arith.constant 1 : i32
      %dma_start3A_131 = arith.constant 0 : i32
      %dma_start3A_132 = tpu.memref_slice %arg7[%dma_start3A_129, %dma_start3A_131] : memref<6x128xi32, #tpu.memory_space<vmem>> -> memref<1x128xi32, #tpu.memory_space<vmem>>
      %dma_start3A_133 = tpu.memref_squeeze %dma_start3A_132 : memref<1x128xi32, #tpu.memory_space<vmem>> -> memref<128xi32, #tpu.memory_space<vmem>>
      %dma_start3A_134 = tpu.memref_slice %arg3[%mul3A_128] : memref<320000xi32, #tpu.memory_space<hbm>> -> memref<128xi32, #tpu.memory_space<hbm>>
      %dma_start3A_135 = tpu.memref_slice %arg10[%dma_start3A_130] : memref<3x!tpu.dma_semaphore, #tpu.memory_space<semaphore_mem>> -> memref<1x!tpu.dma_semaphore, #tpu.memory_space<semaphore_mem>>
      %dma_start3A_136 = tpu.memref_squeeze %dma_start3A_135 : memref<1x!tpu.dma_semaphore, #tpu.memory_space<semaphore_mem>> -> memref<!tpu.dma_semaphore, #tpu.memory_space<semaphore_mem>>
      %dma_start3A_137 = arith.constant 0 : i32
      %dma_start3A_138 = tpu.memref_slice %arg7[%dma_start3A_129, %dma_start3A_137] : memref<6x128xi32, #tpu.memory_space<vmem>> -> memref<1x128xi32, #tpu.memory_space<vmem>>
      %dma_start3A_139 = tpu.memref_squeeze %dma_start3A_138 : memref<1x128xi32, #tpu.memory_space<vmem>> -> memref<128xi32, #tpu.memory_space<vmem>>
      %dma_start3A_140 = tpu.memref_slice %arg3[%mul3A_128] : memref<320000xi32, #tpu.memory_space<hbm>> -> memref<128xi32, #tpu.memory_space<hbm>>
      tpu.enqueue_dma source(%dma_start3A_140 : memref<128xi32, #tpu.memory_space<hbm>>) target(%dma_start3A_139 : memref<128xi32, #tpu.memory_space<vmem>>) target_semaphore(%dma_start3A_136 : memref<!tpu.dma_semaphore, #tpu.memory_space<semaphore_mem>>)
      %dma_start3A_141 = arith.constant 3 : i32
      %dma_start3A_142 = arith.constant 1 : i32
      %dma_start3A_143 = arith.constant 0 : i32
      %dma_start3A_144 = tpu.memref_slice %arg7[%dma_start3A_141, %dma_start3A_143] : memref<6x128xi32, #tpu.memory_space<vmem>> -> memref<1x128xi32, #tpu.memory_space<vmem>>
      %dma_start3A_145 = tpu.memref_squeeze %dma_start3A_144 : memref<1x128xi32, #tpu.memory_space<vmem>> -> memref<128xi32, #tpu.memory_space<vmem>>
      %dma_start3A_146 = tpu.memref_slice %arg4[%mul3A_128] : memref<320000xi32, #tpu.memory_space<hbm>> -> memref<128xi32, #tpu.memory_space<hbm>>
      %dma_start3A_147 = tpu.memref_slice %arg10[%dma_start3A_142] : memref<3x!tpu.dma_semaphore, #tpu.memory_space<semaphore_mem>> -> memref<1x!tpu.dma_semaphore, #tpu.memory_space<semaphore_mem>>
      %dma_start3A_148 = tpu.memref_squeeze %dma_start3A_147 : memref<1x!tpu.dma_semaphore, #tpu.memory_space<semaphore_mem>> -> memref<!tpu.dma_semaphore, #tpu.memory_space<semaphore_mem>>
      %dma_start3A_149 = arith.constant 0 : i32
      %dma_start3A_150 = tpu.memref_slice %arg7[%dma_start3A_141, %dma_start3A_149] : memref<6x128xi32, #tpu.memory_space<vmem>> -> memref<1x128xi32, #tpu.memory_space<vmem>>
      %dma_start3A_151 = tpu.memref_squeeze %dma_start3A_150 : memref<1x128xi32, #tpu.memory_space<vmem>> -> memref<128xi32, #tpu.memory_space<vmem>>
      %dma_start3A_152 = tpu.memref_slice %arg4[%mul3A_128] : memref<320000xi32, #tpu.memory_space<hbm>> -> memref<128xi32, #tpu.memory_space<hbm>>
      tpu.enqueue_dma source(%dma_start3A_152 : memref<128xi32, #tpu.memory_space<hbm>>) target(%dma_start3A_151 : memref<128xi32, #tpu.memory_space<vmem>>) target_semaphore(%dma_start3A_148 : memref<!tpu.dma_semaphore, #tpu.memory_space<semaphore_mem>>)
      %dma_start3A_153 = arith.constant 1 : i32
      %dma_start3A_154 = arith.constant 1 : i32
      %dma_start3A_155 = arith.constant 0 : i32
      %dma_start3A_156 = arith.constant 0 : i32
      %dma_start3A_157 = tpu.memref_slice %arg8[%dma_start3A_153, %dma_start3A_155, %dma_start3A_156] : memref<3x128x128xf32, #tpu.memory_space<vmem>> -> memref<1x128x128xf32, #tpu.memory_space<vmem>>
      %dma_start3A_158 = tpu.memref_squeeze %dma_start3A_157 : memref<1x128x128xf32, #tpu.memory_space<vmem>> -> memref<128x128xf32, #tpu.memory_space<vmem>>
      %dma_start3A_159 = arith.constant 0 : i32
      %dma_start3A_160 = tpu.memref_slice %arg2[%mul3A_128, %dma_start3A_159] : memref<320000x128xf32, #tpu.memory_space<hbm>> -> memref<128x128xf32, #tpu.memory_space<hbm>>
      %dma_start3A_161 = tpu.memref_slice %arg11[%dma_start3A_154] : memref<3x!tpu.dma_semaphore, #tpu.memory_space<semaphore_mem>> -> memref<1x!tpu.dma_semaphore, #tpu.memory_space<semaphore_mem>>
      %dma_start3A_162 = tpu.memref_squeeze %dma_start3A_161 : memref<1x!tpu.dma_semaphore, #tpu.memory_space<semaphore_mem>> -> memref<!tpu.dma_semaphore, #tpu.memory_space<semaphore_mem>>
      %dma_start3A_163 = arith.constant 0 : i32
      %dma_start3A_164 = arith.constant 0 : i32
      %dma_start3A_165 = tpu.memref_slice %arg8[%dma_start3A_153, %dma_start3A_163, %dma_start3A_164] : memref<3x128x128xf32, #tpu.memory_space<vmem>> -> memref<1x128x128xf32, #tpu.memory_space<vmem>>
      %dma_start3A_166 = tpu.memref_squeeze %dma_start3A_165 : memref<1x128x128xf32, #tpu.memory_space<vmem>> -> memref<128x128xf32, #tpu.memory_space<vmem>>
      %dma_start3A_167 = arith.constant 0 : i32
      %dma_start3A_168 = tpu.memref_slice %arg2[%mul3A_128, %dma_start3A_167] : memref<320000x128xf32, #tpu.memory_space<hbm>> -> memref<128x128xf32, #tpu.memory_space<hbm>>
      tpu.enqueue_dma source(%dma_start3A_168 : memref<128x128xf32, #tpu.memory_space<hbm>>) target(%dma_start3A_166 : memref<128x128xf32, #tpu.memory_space<vmem>>) target_semaphore(%dma_start3A_162 : memref<!tpu.dma_semaphore, #tpu.memory_space<semaphore_mem>>)
      %gt3A_169 = arith.constant 0 : i32
      %gt3A_170 = arith.cmpi sgt, %scan3A_57, %gt3A_169 : i32
      %convert_element_type3A_171 = arith.extui %gt3A_170 : i1 to i32
      %cond3A_172 = arith.constant 0 : i32
      %cond3A_173 = arith.cmpi ne, %convert_element_type3A_171, %cond3A_172 : i32
      scf.if %cond3A_173 {
        %dma_wait3A_884 = arith.constant 2 : i32
        %dma_wait3A_885 = arith.constant 4 : i32
        %dma_wait3A_886 = arith.constant 2 : i32
        %dma_wait3A_887 = arith.constant 0 : i32
        %dma_wait3A_888 = arith.constant 0 : i32
        %dma_wait3A_889 = tpu.memref_slice %arg8[%dma_wait3A_884, %dma_wait3A_887, %dma_wait3A_888] : memref<3x128x128xf32, #tpu.memory_space<vmem>> -> memref<1x128x128xf32, #tpu.memory_space<vmem>>
        %dma_wait3A_890 = tpu.memref_squeeze %dma_wait3A_889 : memref<1x128x128xf32, #tpu.memory_space<vmem>> -> memref<128x128xf32, #tpu.memory_space<vmem>>
        %dma_wait3A_891 = arith.constant 0 : i32
        %dma_wait3A_892 = tpu.memref_slice %arg7[%dma_wait3A_885, %dma_wait3A_891] : memref<6x128xi32, #tpu.memory_space<vmem>> -> memref<1x128xi32, #tpu.memory_space<vmem>>
        %dma_wait3A_893 = tpu.memref_squeeze %dma_wait3A_892 : memref<1x128xi32, #tpu.memory_space<vmem>> -> memref<128xi32, #tpu.memory_space<vmem>>
        %dma_wait3A_894 = arith.constant 0 : i32
        %dma_wait3A_895 = arith.constant 0 : i32
        %dma_wait3A_896 = tpu.memref_slice %arg9[%dma_wait3A_894, %dma_wait3A_895] : memref<10112x128xf32, #tpu.memory_space<vmem_shared>> -> memref<10112x128xf32, #tpu.memory_space<vmem_shared>>
        %dma_wait3A_897 = tpu.memref_slice %arg12[%dma_wait3A_886] : memref<3x!tpu.dma_semaphore, #tpu.memory_space<semaphore_mem>> -> memref<1x!tpu.dma_semaphore, #tpu.memory_space<semaphore_mem>>
        %dma_wait3A_898 = tpu.memref_squeeze %dma_wait3A_897 : memref<1x!tpu.dma_semaphore, #tpu.memory_space<semaphore_mem>> -> memref<!tpu.dma_semaphore, #tpu.memory_space<semaphore_mem>>
        tpu.wait_indirect_dma semaphore(%dma_wait3A_898 : memref<!tpu.dma_semaphore, #tpu.memory_space<semaphore_mem>>) src(%dma_wait3A_890 : memref<128x128xf32, #tpu.memory_space<vmem>>) dst(%dma_wait3A_896 : memref<10112x128xf32, #tpu.memory_space<vmem_shared>>)
      } else {
      }
      %mul3A_174 = arith.constant 3 : i32
      %mul3A_175 = arith.muli %scan3A_57, %mul3A_174 : i32
      %add3A_176 = arith.constant 2 : i32
      %add3A_177 = arith.addi %mul3A_175, %add3A_176 : i32
      %mul3A_178 = arith.constant 16 : i32
      %mul3A_179 = arith.muli %add3A_177, %mul3A_178 : i32
      %add3A_180 = arith.addi %arg1, %mul3A_179 : i32
      %mul3A_181 = arith.constant 1250 : i32
      %mul3A_182 = arith.muli %arg0, %mul3A_181 : i32
      %add3A_183 = arith.addi %mul3A_182, %add3A_180 : i32
      %mul3A_184 = arith.constant 128 : i32
      %mul3A_185 = arith.muli %add3A_183, %mul3A_184 : i32
      %dma_start3A_186 = arith.constant 4 : i32
      %dma_start3A_187 = arith.constant 2 : i32
      %dma_start3A_188 = arith.constant 0 : i32
      %dma_start3A_189 = tpu.memref_slice %arg7[%dma_start3A_186, %dma_start3A_188] : memref<6x128xi32, #tpu.memory_space<vmem>> -> memref<1x128xi32, #tpu.memory_space<vmem>>
      %dma_start3A_190 = tpu.memref_squeeze %dma_start3A_189 : memref<1x128xi32, #tpu.memory_space<vmem>> -> memref<128xi32, #tpu.memory_space<vmem>>
      %dma_start3A_191 = tpu.memref_slice %arg3[%mul3A_185] : memref<320000xi32, #tpu.memory_space<hbm>> -> memref<128xi32, #tpu.memory_space<hbm>>
      %dma_start3A_192 = tpu.memref_slice %arg10[%dma_start3A_187] : memref<3x!tpu.dma_semaphore, #tpu.memory_space<semaphore_mem>> -> memref<1x!tpu.dma_semaphore, #tpu.memory_space<semaphore_mem>>
      %dma_start3A_193 = tpu.memref_squeeze %dma_start3A_192 : memref<1x!tpu.dma_semaphore, #tpu.memory_space<semaphore_mem>> -> memref<!tpu.dma_semaphore, #tpu.memory_space<semaphore_mem>>
      %dma_start3A_194 = arith.constant 0 : i32
      %dma_start3A_195 = tpu.memref_slice %arg7[%dma_start3A_186, %dma_start3A_194] : memref<6x128xi32, #tpu.memory_space<vmem>> -> memref<1x128xi32, #tpu.memory_space<vmem>>
      %dma_start3A_196 = tpu.memref_squeeze %dma_start3A_195 : memref<1x128xi32, #tpu.memory_space<vmem>> -> memref<128xi32, #tpu.memory_space<vmem>>
      %dma_start3A_197 = tpu.memref_slice %arg3[%mul3A_185] : memref<320000xi32, #tpu.memory_space<hbm>> -> memref<128xi32, #tpu.memory_space<hbm>>
      tpu.enqueue_dma source(%dma_start3A_197 : memref<128xi32, #tpu.memory_space<hbm>>) target(%dma_start3A_196 : memref<128xi32, #tpu.memory_space<vmem>>) target_semaphore(%dma_start3A_193 : memref<!tpu.dma_semaphore, #tpu.memory_space<semaphore_mem>>)
      %dma_start3A_198 = arith.constant 5 : i32
      %dma_start3A_199 = arith.constant 2 : i32
      %dma_start3A_200 = arith.constant 0 : i32
      %dma_start3A_201 = tpu.memref_slice %arg7[%dma_start3A_198, %dma_start3A_200] : memref<6x128xi32, #tpu.memory_space<vmem>> -> memref<1x128xi32, #tpu.memory_space<vmem>>
      %dma_start3A_202 = tpu.memref_squeeze %dma_start3A_201 : memref<1x128xi32, #tpu.memory_space<vmem>> -> memref<128xi32, #tpu.memory_space<vmem>>
      %dma_start3A_203 = tpu.memref_slice %arg4[%mul3A_185] : memref<320000xi32, #tpu.memory_space<hbm>> -> memref<128xi32, #tpu.memory_space<hbm>>
      %dma_start3A_204 = tpu.memref_slice %arg10[%dma_start3A_199] : memref<3x!tpu.dma_semaphore, #tpu.memory_space<semaphore_mem>> -> memref<1x!tpu.dma_semaphore, #tpu.memory_space<semaphore_mem>>
      %dma_start3A_205 = tpu.memref_squeeze %dma_start3A_204 : memref<1x!tpu.dma_semaphore, #tpu.memory_space<semaphore_mem>> -> memref<!tpu.dma_semaphore, #tpu.memory_space<semaphore_mem>>
      %dma_start3A_206 = arith.constant 0 : i32
      %dma_start3A_207 = tpu.memref_slice %arg7[%dma_start3A_198, %dma_start3A_206] : memref<6x128xi32, #tpu.memory_space<vmem>> -> memref<1x128xi32, #tpu.memory_space<vmem>>
      %dma_start3A_208 = tpu.memref_squeeze %dma_start3A_207 : memref<1x128xi32, #tpu.memory_space<vmem>> -> memref<128xi32, #tpu.memory_space<vmem>>
      %dma_start3A_209 = tpu.memref_slice %arg4[%mul3A_185] : memref<320000xi32, #tpu.memory_space<hbm>> -> memref<128xi32, #tpu.memory_space<hbm>>
      tpu.enqueue_dma source(%dma_start3A_209 : memref<128xi32, #tpu.memory_space<hbm>>) target(%dma_start3A_208 : memref<128xi32, #tpu.memory_space<vmem>>) target_semaphore(%dma_start3A_205 : memref<!tpu.dma_semaphore, #tpu.memory_space<semaphore_mem>>)
      %dma_start3A_210 = arith.constant 2 : i32
      %dma_start3A_211 = arith.constant 2 : i32
      %dma_start3A_212 = arith.constant 0 : i32
      %dma_start3A_213 = arith.constant 0 : i32
      %dma_start3A_214 = tpu.memref_slice %arg8[%dma_start3A_210, %dma_start3A_212, %dma_start3A_213] : memref<3x128x128xf32, #tpu.memory_space<vmem>> -> memref<1x128x128xf32, #tpu.memory_space<vmem>>
      %dma_start3A_215 = tpu.memref_squeeze %dma_start3A_214 : memref<1x128x128xf32, #tpu.memory_space<vmem>> -> memref<128x128xf32, #tpu.memory_space<vmem>>
      %dma_start3A_216 = arith.constant 0 : i32
      %dma_start3A_217 = tpu.memref_slice %arg2[%mul3A_185, %dma_start3A_216] : memref<320000x128xf32, #tpu.memory_space<hbm>> -> memref<128x128xf32, #tpu.memory_space<hbm>>
      %dma_start3A_218 = tpu.memref_slice %arg11[%dma_start3A_211] : memref<3x!tpu.dma_semaphore, #tpu.memory_space<semaphore_mem>> -> memref<1x!tpu.dma_semaphore, #tpu.memory_space<semaphore_mem>>
      %dma_start3A_219 = tpu.memref_squeeze %dma_start3A_218 : memref<1x!tpu.dma_semaphore, #tpu.memory_space<semaphore_mem>> -> memref<!tpu.dma_semaphore, #tpu.memory_space<semaphore_mem>>
      %dma_start3A_220 = arith.constant 0 : i32
      %dma_start3A_221 = arith.constant 0 : i32
      %dma_start3A_222 = tpu.memref_slice %arg8[%dma_start3A_210, %dma_start3A_220, %dma_start3A_221] : memref<3x128x128xf32, #tpu.memory_space<vmem>> -> memref<1x128x128xf32, #tpu.memory_space<vmem>>
      %dma_start3A_223 = tpu.memref_squeeze %dma_start3A_222 : memref<1x128x128xf32, #tpu.memory_space<vmem>> -> memref<128x128xf32, #tpu.memory_space<vmem>>
      %dma_start3A_224 = arith.constant 0 : i32
      %dma_start3A_225 = tpu.memref_slice %arg2[%mul3A_185, %dma_start3A_224] : memref<320000x128xf32, #tpu.memory_space<hbm>> -> memref<128x128xf32, #tpu.memory_space<hbm>>
      tpu.enqueue_dma source(%dma_start3A_225 : memref<128x128xf32, #tpu.memory_space<hbm>>) target(%dma_start3A_223 : memref<128x128xf32, #tpu.memory_space<vmem>>) target_semaphore(%dma_start3A_219 : memref<!tpu.dma_semaphore, #tpu.memory_space<semaphore_mem>>)
      %dma_wait3A_226 = arith.constant 0 : i32
      %dma_wait3A_227 = arith.constant 0 : i32
      %dma_wait3A_228 = arith.constant 0 : i32
      %dma_wait3A_229 = tpu.memref_slice %arg7[%dma_wait3A_226, %dma_wait3A_228] : memref<6x128xi32, #tpu.memory_space<vmem>> -> memref<1x128xi32, #tpu.memory_space<vmem>>
      %dma_wait3A_230 = tpu.memref_squeeze %dma_wait3A_229 : memref<1x128xi32, #tpu.memory_space<vmem>> -> memref<128xi32, #tpu.memory_space<vmem>>
      %dma_wait3A_231 = arith.constant 0 : i32
      %dma_wait3A_232 = tpu.memref_slice %arg3[%dma_wait3A_231] : memref<320000xi32, #tpu.memory_space<hbm>> -> memref<128xi32, #tpu.memory_space<hbm>>
      %dma_wait3A_233 = tpu.memref_slice %arg10[%dma_wait3A_227] : memref<3x!tpu.dma_semaphore, #tpu.memory_space<semaphore_mem>> -> memref<1x!tpu.dma_semaphore, #tpu.memory_space<semaphore_mem>>
      %dma_wait3A_234 = tpu.memref_squeeze %dma_wait3A_233 : memref<1x!tpu.dma_semaphore, #tpu.memory_space<semaphore_mem>> -> memref<!tpu.dma_semaphore, #tpu.memory_space<semaphore_mem>>
      %dma_wait3A_235 = arith.constant 0 : i32
      %dma_wait3A_236 = tpu.memref_slice %arg7[%dma_wait3A_226, %dma_wait3A_235] : memref<6x128xi32, #tpu.memory_space<vmem>> -> memref<1x128xi32, #tpu.memory_space<vmem>>
      %dma_wait3A_237 = tpu.memref_squeeze %dma_wait3A_236 : memref<1x128xi32, #tpu.memory_space<vmem>> -> memref<128xi32, #tpu.memory_space<vmem>>
      %dma_wait3A_238 = arith.constant 0 : i32
      %dma_wait3A_239 = tpu.memref_slice %arg3[%dma_wait3A_238] : memref<320000xi32, #tpu.memory_space<hbm>> -> memref<128xi32, #tpu.memory_space<hbm>>
      tpu.wait_dma2 semaphore(%dma_wait3A_234 : memref<!tpu.dma_semaphore, #tpu.memory_space<semaphore_mem>>) src(%dma_wait3A_239 : memref<128xi32, #tpu.memory_space<hbm>>) dst(%dma_wait3A_237 : memref<128xi32, #tpu.memory_space<vmem>>)
      %dma_wait3A_240 = arith.constant 1 : i32
      %dma_wait3A_241 = arith.constant 0 : i32
      %dma_wait3A_242 = arith.constant 0 : i32
      %dma_wait3A_243 = tpu.memref_slice %arg7[%dma_wait3A_240, %dma_wait3A_242] : memref<6x128xi32, #tpu.memory_space<vmem>> -> memref<1x128xi32, #tpu.memory_space<vmem>>
      %dma_wait3A_244 = tpu.memref_squeeze %dma_wait3A_243 : memref<1x128xi32, #tpu.memory_space<vmem>> -> memref<128xi32, #tpu.memory_space<vmem>>
      %dma_wait3A_245 = arith.constant 0 : i32
      %dma_wait3A_246 = tpu.memref_slice %arg4[%dma_wait3A_245] : memref<320000xi32, #tpu.memory_space<hbm>> -> memref<128xi32, #tpu.memory_space<hbm>>
      %dma_wait3A_247 = tpu.memref_slice %arg10[%dma_wait3A_241] : memref<3x!tpu.dma_semaphore, #tpu.memory_space<semaphore_mem>> -> memref<1x!tpu.dma_semaphore, #tpu.memory_space<semaphore_mem>>
      %dma_wait3A_248 = tpu.memref_squeeze %dma_wait3A_247 : memref<1x!tpu.dma_semaphore, #tpu.memory_space<semaphore_mem>> -> memref<!tpu.dma_semaphore, #tpu.memory_space<semaphore_mem>>
      %dma_wait3A_249 = arith.constant 0 : i32
      %dma_wait3A_250 = tpu.memref_slice %arg7[%dma_wait3A_240, %dma_wait3A_249] : memref<6x128xi32, #tpu.memory_space<vmem>> -> memref<1x128xi32, #tpu.memory_space<vmem>>
      %dma_wait3A_251 = tpu.memref_squeeze %dma_wait3A_250 : memref<1x128xi32, #tpu.memory_space<vmem>> -> memref<128xi32, #tpu.memory_space<vmem>>
      %dma_wait3A_252 = arith.constant 0 : i32
      %dma_wait3A_253 = tpu.memref_slice %arg4[%dma_wait3A_252] : memref<320000xi32, #tpu.memory_space<hbm>> -> memref<128xi32, #tpu.memory_space<hbm>>
      tpu.wait_dma2 semaphore(%dma_wait3A_248 : memref<!tpu.dma_semaphore, #tpu.memory_space<semaphore_mem>>) src(%dma_wait3A_253 : memref<128xi32, #tpu.memory_space<hbm>>) dst(%dma_wait3A_251 : memref<128xi32, #tpu.memory_space<vmem>>)
      %get3A = arith.constant 0 : i32
      %get3A_254 = arith.index_cast %get3A : i32 to index
      %get3A_255 = arith.constant 0 : index
      %get3A_256 = tpu.vector_load %arg7[%get3A_254, %get3A_255] {strides = array<i32>} : memref<6x128xi32, #tpu.memory_space<vmem>>, vector<1x16xi32>,
      %get3A_257 = vector.shape_cast %get3A_256 : vector<1x16xi32> to vector<16xi32>
      %get3A_258 = arith.constant 1 : i32
      %get3A_259 = arith.index_cast %get3A_258 : i32 to index
      %get3A_260 = arith.constant 0 : index
      %get3A_261 = tpu.vector_load %arg7[%get3A_259, %get3A_260] {strides = array<i32>} : memref<6x128xi32, #tpu.memory_space<vmem>>, vector<1x16xi32>,
      %get3A_262 = vector.shape_cast %get3A_261 : vector<1x16xi32> to vector<16xi32>
      %broadcast_in_dim3A = arith.constant 10000 : i32
      %broadcast_in_dim3A_263 = vector.broadcast %broadcast_in_dim3A : i32 to vector<16xi32>
      %eq3A = arith.cmpi eq, %get3A_257, %get3A_262 : vector<16xi32>
      %select_n3A = arith.select %eq3A, %broadcast_in_dim3A_263, %get3A_257 : vector<16xi1>, vector<16xi32>
      %swap3A = arith.constant 0 : i32
      %swap3A_264 = arith.index_cast %swap3A : i32 to index
      %swap3A_265 = arith.constant 0 : index
      %swap3A_266 = tpu.vector_load %arg7[%swap3A_264, %swap3A_265] {strides = array<i32>} : memref<6x128xi32, #tpu.memory_space<vmem>>, vector<1x16xi32>,
      %swap3A_267 = vector.shape_cast %swap3A_266 : vector<1x16xi32> to vector<16xi32>
      %swap3A_268 = vector.shape_cast %select_n3A : vector<16xi32> to vector<1x16xi32>
      tpu.vector_store %arg7[%swap3A_264, %swap3A_265], %swap3A_268 {strides = array<i32>} : memref<6x128xi32, #tpu.memory_space<vmem>>, vector<1x16xi32>,
      %get3A_269 = arith.constant 0 : i32
      %get3A_270 = arith.index_cast %get3A_269 : i32 to index
      %get3A_271 = arith.constant 16 : index
      %get3A_272 = tpu.vector_load %arg7[%get3A_270, %get3A_271] {strides = array<i32>} : memref<6x128xi32, #tpu.memory_space<vmem>>, vector<1x16xi32>,
      %get3A_273 = vector.shape_cast %get3A_272 : vector<1x16xi32> to vector<16xi32>
      %get3A_274 = arith.constant 1 : i32
      %get3A_275 = arith.index_cast %get3A_274 : i32 to index
      %get3A_276 = arith.constant 16 : index
      %get3A_277 = tpu.vector_load %arg7[%get3A_275, %get3A_276] {strides = array<i32>} : memref<6x128xi32, #tpu.memory_space<vmem>>, vector<1x16xi32>,
      %get3A_278 = vector.shape_cast %get3A_277 : vector<1x16xi32> to vector<16xi32>
      %broadcast_in_dim3A_279 = arith.constant 10000 : i32
      %broadcast_in_dim3A_280 = vector.broadcast %broadcast_in_dim3A_279 : i32 to vector<16xi32>
      %eq3A_281 = arith.cmpi eq, %get3A_273, %get3A_278 : vector<16xi32>
      %select_n3A_282 = arith.select %eq3A_281, %broadcast_in_dim3A_280, %get3A_273 : vector<16xi1>, vector<16xi32>
      %swap3A_283 = arith.constant 0 : i32
      %swap3A_284 = arith.index_cast %swap3A_283 : i32 to index
      %swap3A_285 = arith.constant 16 : index
      %swap3A_286 = tpu.vector_load %arg7[%swap3A_284, %swap3A_285] {strides = array<i32>} : memref<6x128xi32, #tpu.memory_space<vmem>>, vector<1x16xi32>,
      %swap3A_287 = vector.shape_cast %swap3A_286 : vector<1x16xi32> to vector<16xi32>
      %swap3A_288 = vector.shape_cast %select_n3A_282 : vector<16xi32> to vector<1x16xi32>
      tpu.vector_store %arg7[%swap3A_284, %swap3A_285], %swap3A_288 {strides = array<i32>} : memref<6x128xi32, #tpu.memory_space<vmem>>, vector<1x16xi32>,
      %get3A_289 = arith.constant 0 : i32
      %get3A_290 = arith.index_cast %get3A_289 : i32 to index
      %get3A_291 = arith.constant 32 : index
      %get3A_292 = tpu.vector_load %arg7[%get3A_290, %get3A_291] {strides = array<i32>} : memref<6x128xi32, #tpu.memory_space<vmem>>, vector<1x16xi32>,
      %get3A_293 = vector.shape_cast %get3A_292 : vector<1x16xi32> to vector<16xi32>
      %get3A_294 = arith.constant 1 : i32
      %get3A_295 = arith.index_cast %get3A_294 : i32 to index
      %get3A_296 = arith.constant 32 : index
      %get3A_297 = tpu.vector_load %arg7[%get3A_295, %get3A_296] {strides = array<i32>} : memref<6x128xi32, #tpu.memory_space<vmem>>, vector<1x16xi32>,
      %get3A_298 = vector.shape_cast %get3A_297 : vector<1x16xi32> to vector<16xi32>
      %broadcast_in_dim3A_299 = arith.constant 10000 : i32
      %broadcast_in_dim3A_300 = vector.broadcast %broadcast_in_dim3A_299 : i32 to vector<16xi32>
      %eq3A_301 = arith.cmpi eq, %get3A_293, %get3A_298 : vector<16xi32>
      %select_n3A_302 = arith.select %eq3A_301, %broadcast_in_dim3A_300, %get3A_293 : vector<16xi1>, vector<16xi32>
      %swap3A_303 = arith.constant 0 : i32
      %swap3A_304 = arith.index_cast %swap3A_303 : i32 to index
      %swap3A_305 = arith.constant 32 : index
      %swap3A_306 = tpu.vector_load %arg7[%swap3A_304, %swap3A_305] {strides = array<i32>} : memref<6x128xi32, #tpu.memory_space<vmem>>, vector<1x16xi32>,
      %swap3A_307 = vector.shape_cast %swap3A_306 : vector<1x16xi32> to vector<16xi32>
      %swap3A_308 = vector.shape_cast %select_n3A_302 : vector<16xi32> to vector<1x16xi32>
      tpu.vector_store %arg7[%swap3A_304, %swap3A_305], %swap3A_308 {strides = array<i32>} : memref<6x128xi32, #tpu.memory_space<vmem>>, vector<1x16xi32>,
      %get3A_309 = arith.constant 0 : i32
      %get3A_310 = arith.index_cast %get3A_309 : i32 to index
      %get3A_311 = arith.constant 48 : index
      %get3A_312 = tpu.vector_load %arg7[%get3A_310, %get3A_311] {strides = array<i32>} : memref<6x128xi32, #tpu.memory_space<vmem>>, vector<1x16xi32>,
      %get3A_313 = vector.shape_cast %get3A_312 : vector<1x16xi32> to vector<16xi32>
      %get3A_314 = arith.constant 1 : i32
      %get3A_315 = arith.index_cast %get3A_314 : i32 to index
      %get3A_316 = arith.constant 48 : index
      %get3A_317 = tpu.vector_load %arg7[%get3A_315, %get3A_316] {strides = array<i32>} : memref<6x128xi32, #tpu.memory_space<vmem>>, vector<1x16xi32>,
      %get3A_318 = vector.shape_cast %get3A_317 : vector<1x16xi32> to vector<16xi32>
      %broadcast_in_dim3A_319 = arith.constant 10000 : i32
      %broadcast_in_dim3A_320 = vector.broadcast %broadcast_in_dim3A_319 : i32 to vector<16xi32>
      %eq3A_321 = arith.cmpi eq, %get3A_313, %get3A_318 : vector<16xi32>
      %select_n3A_322 = arith.select %eq3A_321, %broadcast_in_dim3A_320, %get3A_313 : vector<16xi1>, vector<16xi32>
      %swap3A_323 = arith.constant 0 : i32
      %swap3A_324 = arith.index_cast %swap3A_323 : i32 to index
      %swap3A_325 = arith.constant 48 : index
      %swap3A_326 = tpu.vector_load %arg7[%swap3A_324, %swap3A_325] {strides = array<i32>} : memref<6x128xi32, #tpu.memory_space<vmem>>, vector<1x16xi32>,
      %swap3A_327 = vector.shape_cast %swap3A_326 : vector<1x16xi32> to vector<16xi32>
      %swap3A_328 = vector.shape_cast %select_n3A_322 : vector<16xi32> to vector<1x16xi32>
      tpu.vector_store %arg7[%swap3A_324, %swap3A_325], %swap3A_328 {strides = array<i32>} : memref<6x128xi32, #tpu.memory_space<vmem>>, vector<1x16xi32>,
      %get3A_329 = arith.constant 0 : i32
      %get3A_330 = arith.index_cast %get3A_329 : i32 to index
      %get3A_331 = arith.constant 64 : index
      %get3A_332 = tpu.vector_load %arg7[%get3A_330, %get3A_331] {strides = array<i32>} : memref<6x128xi32, #tpu.memory_space<vmem>>, vector<1x16xi32>,
      %get3A_333 = vector.shape_cast %get3A_332 : vector<1x16xi32> to vector<16xi32>
      %get3A_334 = arith.constant 1 : i32
      %get3A_335 = arith.index_cast %get3A_334 : i32 to index
      %get3A_336 = arith.constant 64 : index
      %get3A_337 = tpu.vector_load %arg7[%get3A_335, %get3A_336] {strides = array<i32>} : memref<6x128xi32, #tpu.memory_space<vmem>>, vector<1x16xi32>,
      %get3A_338 = vector.shape_cast %get3A_337 : vector<1x16xi32> to vector<16xi32>
      %broadcast_in_dim3A_339 = arith.constant 10000 : i32
      %broadcast_in_dim3A_340 = vector.broadcast %broadcast_in_dim3A_339 : i32 to vector<16xi32>
      %eq3A_341 = arith.cmpi eq, %get3A_333, %get3A_338 : vector<16xi32>
      %select_n3A_342 = arith.select %eq3A_341, %broadcast_in_dim3A_340, %get3A_333 : vector<16xi1>, vector<16xi32>
      %swap3A_343 = arith.constant 0 : i32
      %swap3A_344 = arith.index_cast %swap3A_343 : i32 to index
      %swap3A_345 = arith.constant 64 : index
      %swap3A_346 = tpu.vector_load %arg7[%swap3A_344, %swap3A_345] {strides = array<i32>} : memref<6x128xi32, #tpu.memory_space<vmem>>, vector<1x16xi32>,
      %swap3A_347 = vector.shape_cast %swap3A_346 : vector<1x16xi32> to vector<16xi32>
      %swap3A_348 = vector.shape_cast %select_n3A_342 : vector<16xi32> to vector<1x16xi32>
      tpu.vector_store %arg7[%swap3A_344, %swap3A_345], %swap3A_348 {strides = array<i32>} : memref<6x128xi32, #tpu.memory_space<vmem>>, vector<1x16xi32>,
      %get3A_349 = arith.constant 0 : i32
      %get3A_350 = arith.index_cast %get3A_349 : i32 to index
      %get3A_351 = arith.constant 80 : index
      %get3A_352 = tpu.vector_load %arg7[%get3A_350, %get3A_351] {strides = array<i32>} : memref<6x128xi32, #tpu.memory_space<vmem>>, vector<1x16xi32>,
      %get3A_353 = vector.shape_cast %get3A_352 : vector<1x16xi32> to vector<16xi32>
      %get3A_354 = arith.constant 1 : i32
      %get3A_355 = arith.index_cast %get3A_354 : i32 to index
      %get3A_356 = arith.constant 80 : index
      %get3A_357 = tpu.vector_load %arg7[%get3A_355, %get3A_356] {strides = array<i32>} : memref<6x128xi32, #tpu.memory_space<vmem>>, vector<1x16xi32>,
      %get3A_358 = vector.shape_cast %get3A_357 : vector<1x16xi32> to vector<16xi32>
      %broadcast_in_dim3A_359 = arith.constant 10000 : i32
      %broadcast_in_dim3A_360 = vector.broadcast %broadcast_in_dim3A_359 : i32 to vector<16xi32>
      %eq3A_361 = arith.cmpi eq, %get3A_353, %get3A_358 : vector<16xi32>
      %select_n3A_362 = arith.select %eq3A_361, %broadcast_in_dim3A_360, %get3A_353 : vector<16xi1>, vector<16xi32>
      %swap3A_363 = arith.constant 0 : i32
      %swap3A_364 = arith.index_cast %swap3A_363 : i32 to index
      %swap3A_365 = arith.constant 80 : index
      %swap3A_366 = tpu.vector_load %arg7[%swap3A_364, %swap3A_365] {strides = array<i32>} : memref<6x128xi32, #tpu.memory_space<vmem>>, vector<1x16xi32>,
      %swap3A_367 = vector.shape_cast %swap3A_366 : vector<1x16xi32> to vector<16xi32>
      %swap3A_368 = vector.shape_cast %select_n3A_362 : vector<16xi32> to vector<1x16xi32>
      tpu.vector_store %arg7[%swap3A_364, %swap3A_365], %swap3A_368 {strides = array<i32>} : memref<6x128xi32, #tpu.memory_space<vmem>>, vector<1x16xi32>,
      %get3A_369 = arith.constant 0 : i32
      %get3A_370 = arith.index_cast %get3A_369 : i32 to index
      %get3A_371 = arith.constant 96 : index
      %get3A_372 = tpu.vector_load %arg7[%get3A_370, %get3A_371] {strides = array<i32>} : memref<6x128xi32, #tpu.memory_space<vmem>>, vector<1x16xi32>,
      %get3A_373 = vector.shape_cast %get3A_372 : vector<1x16xi32> to vector<16xi32>
      %get3A_374 = arith.constant 1 : i32
      %get3A_375 = arith.index_cast %get3A_374 : i32 to index
      %get3A_376 = arith.constant 96 : index
      %get3A_377 = tpu.vector_load %arg7[%get3A_375, %get3A_376] {strides = array<i32>} : memref<6x128xi32, #tpu.memory_space<vmem>>, vector<1x16xi32>,
      %get3A_378 = vector.shape_cast %get3A_377 : vector<1x16xi32> to vector<16xi32>
      %broadcast_in_dim3A_379 = arith.constant 10000 : i32
      %broadcast_in_dim3A_380 = vector.broadcast %broadcast_in_dim3A_379 : i32 to vector<16xi32>
      %eq3A_381 = arith.cmpi eq, %get3A_373, %get3A_378 : vector<16xi32>
      %select_n3A_382 = arith.select %eq3A_381, %broadcast_in_dim3A_380, %get3A_373 : vector<16xi1>, vector<16xi32>
      %swap3A_383 = arith.constant 0 : i32
      %swap3A_384 = arith.index_cast %swap3A_383 : i32 to index
      %swap3A_385 = arith.constant 96 : index
      %swap3A_386 = tpu.vector_load %arg7[%swap3A_384, %swap3A_385] {strides = array<i32>} : memref<6x128xi32, #tpu.memory_space<vmem>>, vector<1x16xi32>,
      %swap3A_387 = vector.shape_cast %swap3A_386 : vector<1x16xi32> to vector<16xi32>
      %swap3A_388 = vector.shape_cast %select_n3A_382 : vector<16xi32> to vector<1x16xi32>
      tpu.vector_store %arg7[%swap3A_384, %swap3A_385], %swap3A_388 {strides = array<i32>} : memref<6x128xi32, #tpu.memory_space<vmem>>, vector<1x16xi32>,
      %get3A_389 = arith.constant 0 : i32
      %get3A_390 = arith.index_cast %get3A_389 : i32 to index
      %get3A_391 = arith.constant 112 : index
      %get3A_392 = tpu.vector_load %arg7[%get3A_390, %get3A_391] {strides = array<i32>} : memref<6x128xi32, #tpu.memory_space<vmem>>, vector<1x16xi32>,
      %get3A_393 = vector.shape_cast %get3A_392 : vector<1x16xi32> to vector<16xi32>
      %get3A_394 = arith.constant 1 : i32
      %get3A_395 = arith.index_cast %get3A_394 : i32 to index
      %get3A_396 = arith.constant 112 : index
      %get3A_397 = tpu.vector_load %arg7[%get3A_395, %get3A_396] {strides = array<i32>} : memref<6x128xi32, #tpu.memory_space<vmem>>, vector<1x16xi32>,
      %get3A_398 = vector.shape_cast %get3A_397 : vector<1x16xi32> to vector<16xi32>
      %broadcast_in_dim3A_399 = arith.constant 10000 : i32
      %broadcast_in_dim3A_400 = vector.broadcast %broadcast_in_dim3A_399 : i32 to vector<16xi32>
      %eq3A_401 = arith.cmpi eq, %get3A_393, %get3A_398 : vector<16xi32>
      %select_n3A_402 = arith.select %eq3A_401, %broadcast_in_dim3A_400, %get3A_393 : vector<16xi1>, vector<16xi32>
      %swap3A_403 = arith.constant 0 : i32
      %swap3A_404 = arith.index_cast %swap3A_403 : i32 to index
      %swap3A_405 = arith.constant 112 : index
      %swap3A_406 = tpu.vector_load %arg7[%swap3A_404, %swap3A_405] {strides = array<i32>} : memref<6x128xi32, #tpu.memory_space<vmem>>, vector<1x16xi32>,
      %swap3A_407 = vector.shape_cast %swap3A_406 : vector<1x16xi32> to vector<16xi32>
      %swap3A_408 = vector.shape_cast %select_n3A_402 : vector<16xi32> to vector<1x16xi32>
      tpu.vector_store %arg7[%swap3A_404, %swap3A_405], %swap3A_408 {strides = array<i32>} : memref<6x128xi32, #tpu.memory_space<vmem>>, vector<1x16xi32>,
      %dma_wait3A_409 = arith.constant 0 : i32
      %dma_wait3A_410 = arith.constant 0 : i32
      %dma_wait3A_411 = arith.constant 0 : i32
      %dma_wait3A_412 = arith.constant 0 : i32
      %dma_wait3A_413 = tpu.memref_slice %arg8[%dma_wait3A_409, %dma_wait3A_411, %dma_wait3A_412] : memref<3x128x128xf32, #tpu.memory_space<vmem>> -> memref<1x128x128xf32, #tpu.memory_space<vmem>>
      %dma_wait3A_414 = tpu.memref_squeeze %dma_wait3A_413 : memref<1x128x128xf32, #tpu.memory_space<vmem>> -> memref<128x128xf32, #tpu.memory_space<vmem>>
      %dma_wait3A_415 = arith.constant 0 : i32
      %dma_wait3A_416 = arith.constant 0 : i32
      %dma_wait3A_417 = tpu.memref_slice %arg2[%dma_wait3A_415, %dma_wait3A_416] : memref<320000x128xf32, #tpu.memory_space<hbm>> -> memref<128x128xf32, #tpu.memory_space<hbm>>
      %dma_wait3A_418 = tpu.memref_slice %arg11[%dma_wait3A_410] : memref<3x!tpu.dma_semaphore, #tpu.memory_space<semaphore_mem>> -> memref<1x!tpu.dma_semaphore, #tpu.memory_space<semaphore_mem>>
      %dma_wait3A_419 = tpu.memref_squeeze %dma_wait3A_418 : memref<1x!tpu.dma_semaphore, #tpu.memory_space<semaphore_mem>> -> memref<!tpu.dma_semaphore, #tpu.memory_space<semaphore_mem>>
      %dma_wait3A_420 = arith.constant 0 : i32
      %dma_wait3A_421 = arith.constant 0 : i32
      %dma_wait3A_422 = tpu.memref_slice %arg8[%dma_wait3A_409, %dma_wait3A_420, %dma_wait3A_421] : memref<3x128x128xf32, #tpu.memory_space<vmem>> -> memref<1x128x128xf32, #tpu.memory_space<vmem>>
      %dma_wait3A_423 = tpu.memref_squeeze %dma_wait3A_422 : memref<1x128x128xf32, #tpu.memory_space<vmem>> -> memref<128x128xf32, #tpu.memory_space<vmem>>
      %dma_wait3A_424 = arith.constant 0 : i32
      %dma_wait3A_425 = arith.constant 0 : i32
      %dma_wait3A_426 = tpu.memref_slice %arg2[%dma_wait3A_424, %dma_wait3A_425] : memref<320000x128xf32, #tpu.memory_space<hbm>> -> memref<128x128xf32, #tpu.memory_space<hbm>>
      tpu.wait_dma2 semaphore(%dma_wait3A_419 : memref<!tpu.dma_semaphore, #tpu.memory_space<semaphore_mem>>) src(%dma_wait3A_426 : memref<128x128xf32, #tpu.memory_space<hbm>>) dst(%dma_wait3A_423 : memref<128x128xf32, #tpu.memory_space<vmem>>)
      %dma_start3A_427 = arith.constant 0 : i32
      %dma_start3A_428 = arith.constant 0 : i32
      %dma_start3A_429 = arith.constant 0 : i32
      %dma_start3A_430 = arith.constant 0 : i32
      %dma_start3A_431 = arith.constant 0 : i32
      %dma_start3A_432 = tpu.memref_slice %arg8[%dma_start3A_427, %dma_start3A_430, %dma_start3A_431] : memref<3x128x128xf32, #tpu.memory_space<vmem>> -> memref<1x128x128xf32, #tpu.memory_space<vmem>>
      %dma_start3A_433 = tpu.memref_squeeze %dma_start3A_432 : memref<1x128x128xf32, #tpu.memory_space<vmem>> -> memref<128x128xf32, #tpu.memory_space<vmem>>
      %dma_start3A_434 = arith.constant 0 : i32
      %dma_start3A_435 = tpu.memref_slice %arg7[%dma_start3A_428, %dma_start3A_434] : memref<6x128xi32, #tpu.memory_space<vmem>> -> memref<1x128xi32, #tpu.memory_space<vmem>>
      %dma_start3A_436 = tpu.memref_squeeze %dma_start3A_435 : memref<1x128xi32, #tpu.memory_space<vmem>> -> memref<128xi32, #tpu.memory_space<vmem>>
      %dma_start3A_437 = arith.constant 0 : i32
      %dma_start3A_438 = arith.constant 0 : i32
      %dma_start3A_439 = tpu.memref_slice %arg9[%dma_start3A_437, %dma_start3A_438] : memref<10112x128xf32, #tpu.memory_space<vmem_shared>> -> memref<10112x128xf32, #tpu.memory_space<vmem_shared>>
      %dma_start3A_440 = tpu.memref_slice %arg12[%dma_start3A_429] : memref<3x!tpu.dma_semaphore, #tpu.memory_space<semaphore_mem>> -> memref<1x!tpu.dma_semaphore, #tpu.memory_space<semaphore_mem>>
      %dma_start3A_441 = tpu.memref_squeeze %dma_start3A_440 : memref<1x!tpu.dma_semaphore, #tpu.memory_space<semaphore_mem>> -> memref<!tpu.dma_semaphore, #tpu.memory_space<semaphore_mem>>
      tpu.enqueue_indirect_dma source(%dma_start3A_433 : memref<128x128xf32, #tpu.memory_space<vmem>>) target(%dma_start3A_439 : memref<10112x128xf32, #tpu.memory_space<vmem_shared>>) offsets(%dma_start3A_436 : memref<128xi32, #tpu.memory_space<vmem>>) semaphore(%dma_start3A_441 : memref<!tpu.dma_semaphore, #tpu.memory_space<semaphore_mem>>) {add = true}
      %dma_wait3A_442 = arith.constant 2 : i32
      %dma_wait3A_443 = arith.constant 1 : i32
      %dma_wait3A_444 = arith.constant 0 : i32
      %dma_wait3A_445 = tpu.memref_slice %arg7[%dma_wait3A_442, %dma_wait3A_444] : memref<6x128xi32, #tpu.memory_space<vmem>> -> memref<1x128xi32, #tpu.memory_space<vmem>>
      %dma_wait3A_446 = tpu.memref_squeeze %dma_wait3A_445 : memref<1x128xi32, #tpu.memory_space<vmem>> -> memref<128xi32, #tpu.memory_space<vmem>>
      %dma_wait3A_447 = arith.constant 0 : i32
      %dma_wait3A_448 = tpu.memref_slice %arg3[%dma_wait3A_447] : memref<320000xi32, #tpu.memory_space<hbm>> -> memref<128xi32, #tpu.memory_space<hbm>>
      %dma_wait3A_449 = tpu.memref_slice %arg10[%dma_wait3A_443] : memref<3x!tpu.dma_semaphore, #tpu.memory_space<semaphore_mem>> -> memref<1x!tpu.dma_semaphore, #tpu.memory_space<semaphore_mem>>
      %dma_wait3A_450 = tpu.memref_squeeze %dma_wait3A_449 : memref<1x!tpu.dma_semaphore, #tpu.memory_space<semaphore_mem>> -> memref<!tpu.dma_semaphore, #tpu.memory_space<semaphore_mem>>
      %dma_wait3A_451 = arith.constant 0 : i32
      %dma_wait3A_452 = tpu.memref_slice %arg7[%dma_wait3A_442, %dma_wait3A_451] : memref<6x128xi32, #tpu.memory_space<vmem>> -> memref<1x128xi32, #tpu.memory_space<vmem>>
      %dma_wait3A_453 = tpu.memref_squeeze %dma_wait3A_452 : memref<1x128xi32, #tpu.memory_space<vmem>> -> memref<128xi32, #tpu.memory_space<vmem>>
      %dma_wait3A_454 = arith.constant 0 : i32
      %dma_wait3A_455 = tpu.memref_slice %arg3[%dma_wait3A_454] : memref<320000xi32, #tpu.memory_space<hbm>> -> memref<128xi32, #tpu.memory_space<hbm>>
      tpu.wait_dma2 semaphore(%dma_wait3A_450 : memref<!tpu.dma_semaphore, #tpu.memory_space<semaphore_mem>>) src(%dma_wait3A_455 : memref<128xi32, #tpu.memory_space<hbm>>) dst(%dma_wait3A_453 : memref<128xi32, #tpu.memory_space<vmem>>)
      %dma_wait3A_456 = arith.constant 3 : i32
      %dma_wait3A_457 = arith.constant 1 : i32
      %dma_wait3A_458 = arith.constant 0 : i32
      %dma_wait3A_459 = tpu.memref_slice %arg7[%dma_wait3A_456, %dma_wait3A_458] : memref<6x128xi32, #tpu.memory_space<vmem>> -> memref<1x128xi32, #tpu.memory_space<vmem>>
      %dma_wait3A_460 = tpu.memref_squeeze %dma_wait3A_459 : memref<1x128xi32, #tpu.memory_space<vmem>> -> memref<128xi32, #tpu.memory_space<vmem>>
      %dma_wait3A_461 = arith.constant 0 : i32
      %dma_wait3A_462 = tpu.memref_slice %arg4[%dma_wait3A_461] : memref<320000xi32, #tpu.memory_space<hbm>> -> memref<128xi32, #tpu.memory_space<hbm>>
      %dma_wait3A_463 = tpu.memref_slice %arg10[%dma_wait3A_457] : memref<3x!tpu.dma_semaphore, #tpu.memory_space<semaphore_mem>> -> memref<1x!tpu.dma_semaphore, #tpu.memory_space<semaphore_mem>>
      %dma_wait3A_464 = tpu.memref_squeeze %dma_wait3A_463 : memref<1x!tpu.dma_semaphore, #tpu.memory_space<semaphore_mem>> -> memref<!tpu.dma_semaphore, #tpu.memory_space<semaphore_mem>>
      %dma_wait3A_465 = arith.constant 0 : i32
      %dma_wait3A_466 = tpu.memref_slice %arg7[%dma_wait3A_456, %dma_wait3A_465] : memref<6x128xi32, #tpu.memory_space<vmem>> -> memref<1x128xi32, #tpu.memory_space<vmem>>
      %dma_wait3A_467 = tpu.memref_squeeze %dma_wait3A_466 : memref<1x128xi32, #tpu.memory_space<vmem>> -> memref<128xi32, #tpu.memory_space<vmem>>
      %dma_wait3A_468 = arith.constant 0 : i32
      %dma_wait3A_469 = tpu.memref_slice %arg4[%dma_wait3A_468] : memref<320000xi32, #tpu.memory_space<hbm>> -> memref<128xi32, #tpu.memory_space<hbm>>
      tpu.wait_dma2 semaphore(%dma_wait3A_464 : memref<!tpu.dma_semaphore, #tpu.memory_space<semaphore_mem>>) src(%dma_wait3A_469 : memref<128xi32, #tpu.memory_space<hbm>>) dst(%dma_wait3A_467 : memref<128xi32, #tpu.memory_space<vmem>>)
      %get3A_470 = arith.constant 2 : i32
      %get3A_471 = arith.index_cast %get3A_470 : i32 to index
      %get3A_472 = arith.constant 0 : index
      %get3A_473 = tpu.vector_load %arg7[%get3A_471, %get3A_472] {strides = array<i32>} : memref<6x128xi32, #tpu.memory_space<vmem>>, vector<1x16xi32>,
      %get3A_474 = vector.shape_cast %get3A_473 : vector<1x16xi32> to vector<16xi32>
      %get3A_475 = arith.constant 3 : i32
      %get3A_476 = arith.index_cast %get3A_475 : i32 to index
      %get3A_477 = arith.constant 0 : index
      %get3A_478 = tpu.vector_load %arg7[%get3A_476, %get3A_477] {strides = array<i32>} : memref<6x128xi32, #tpu.memory_space<vmem>>, vector<1x16xi32>,
      %get3A_479 = vector.shape_cast %get3A_478 : vector<1x16xi32> to vector<16xi32>
      %broadcast_in_dim3A_480 = arith.constant 10000 : i32
      %broadcast_in_dim3A_481 = vector.broadcast %broadcast_in_dim3A_480 : i32 to vector<16xi32>
      %eq3A_482 = arith.cmpi eq, %get3A_474, %get3A_479 : vector<16xi32>
      %select_n3A_483 = arith.select %eq3A_482, %broadcast_in_dim3A_481, %get3A_474 : vector<16xi1>, vector<16xi32>
      %swap3A_484 = arith.constant 2 : i32
      %swap3A_485 = arith.index_cast %swap3A_484 : i32 to index
      %swap3A_486 = arith.constant 0 : index
      %swap3A_487 = tpu.vector_load %arg7[%swap3A_485, %swap3A_486] {strides = array<i32>} : memref<6x128xi32, #tpu.memory_space<vmem>>, vector<1x16xi32>,
      %swap3A_488 = vector.shape_cast %swap3A_487 : vector<1x16xi32> to vector<16xi32>
      %swap3A_489 = vector.shape_cast %select_n3A_483 : vector<16xi32> to vector<1x16xi32>
      tpu.vector_store %arg7[%swap3A_485, %swap3A_486], %swap3A_489 {strides = array<i32>} : memref<6x128xi32, #tpu.memory_space<vmem>>, vector<1x16xi32>,
      %get3A_490 = arith.constant 2 : i32
      %get3A_491 = arith.index_cast %get3A_490 : i32 to index
      %get3A_492 = arith.constant 16 : index
      %get3A_493 = tpu.vector_load %arg7[%get3A_491, %get3A_492] {strides = array<i32>} : memref<6x128xi32, #tpu.memory_space<vmem>>, vector<1x16xi32>,
      %get3A_494 = vector.shape_cast %get3A_493 : vector<1x16xi32> to vector<16xi32>
      %get3A_495 = arith.constant 3 : i32
      %get3A_496 = arith.index_cast %get3A_495 : i32 to index
      %get3A_497 = arith.constant 16 : index
      %get3A_498 = tpu.vector_load %arg7[%get3A_496, %get3A_497] {strides = array<i32>} : memref<6x128xi32, #tpu.memory_space<vmem>>, vector<1x16xi32>,
      %get3A_499 = vector.shape_cast %get3A_498 : vector<1x16xi32> to vector<16xi32>
      %broadcast_in_dim3A_500 = arith.constant 10000 : i32
      %broadcast_in_dim3A_501 = vector.broadcast %broadcast_in_dim3A_500 : i32 to vector<16xi32>
      %eq3A_502 = arith.cmpi eq, %get3A_494, %get3A_499 : vector<16xi32>
      %select_n3A_503 = arith.select %eq3A_502, %broadcast_in_dim3A_501, %get3A_494 : vector<16xi1>, vector<16xi32>
      %swap3A_504 = arith.constant 2 : i32
      %swap3A_505 = arith.index_cast %swap3A_504 : i32 to index
      %swap3A_506 = arith.constant 16 : index
      %swap3A_507 = tpu.vector_load %arg7[%swap3A_505, %swap3A_506] {strides = array<i32>} : memref<6x128xi32, #tpu.memory_space<vmem>>, vector<1x16xi32>,
      %swap3A_508 = vector.shape_cast %swap3A_507 : vector<1x16xi32> to vector<16xi32>
      %swap3A_509 = vector.shape_cast %select_n3A_503 : vector<16xi32> to vector<1x16xi32>
      tpu.vector_store %arg7[%swap3A_505, %swap3A_506], %swap3A_509 {strides = array<i32>} : memref<6x128xi32, #tpu.memory_space<vmem>>, vector<1x16xi32>,
      %get3A_510 = arith.constant 2 : i32
      %get3A_511 = arith.index_cast %get3A_510 : i32 to index
      %get3A_512 = arith.constant 32 : index
      %get3A_513 = tpu.vector_load %arg7[%get3A_511, %get3A_512] {strides = array<i32>} : memref<6x128xi32, #tpu.memory_space<vmem>>, vector<1x16xi32>,
      %get3A_514 = vector.shape_cast %get3A_513 : vector<1x16xi32> to vector<16xi32>
      %get3A_515 = arith.constant 3 : i32
      %get3A_516 = arith.index_cast %get3A_515 : i32 to index
      %get3A_517 = arith.constant 32 : index
      %get3A_518 = tpu.vector_load %arg7[%get3A_516, %get3A_517] {strides = array<i32>} : memref<6x128xi32, #tpu.memory_space<vmem>>, vector<1x16xi32>,
      %get3A_519 = vector.shape_cast %get3A_518 : vector<1x16xi32> to vector<16xi32>
      %broadcast_in_dim3A_520 = arith.constant 10000 : i32
      %broadcast_in_dim3A_521 = vector.broadcast %broadcast_in_dim3A_520 : i32 to vector<16xi32>
      %eq3A_522 = arith.cmpi eq, %get3A_514, %get3A_519 : vector<16xi32>
      %select_n3A_523 = arith.select %eq3A_522, %broadcast_in_dim3A_521, %get3A_514 : vector<16xi1>, vector<16xi32>
      %swap3A_524 = arith.constant 2 : i32
      %swap3A_525 = arith.index_cast %swap3A_524 : i32 to index
      %swap3A_526 = arith.constant 32 : index
      %swap3A_527 = tpu.vector_load %arg7[%swap3A_525, %swap3A_526] {strides = array<i32>} : memref<6x128xi32, #tpu.memory_space<vmem>>, vector<1x16xi32>,
      %swap3A_528 = vector.shape_cast %swap3A_527 : vector<1x16xi32> to vector<16xi32>
      %swap3A_529 = vector.shape_cast %select_n3A_523 : vector<16xi32> to vector<1x16xi32>
      tpu.vector_store %arg7[%swap3A_525, %swap3A_526], %swap3A_529 {strides = array<i32>} : memref<6x128xi32, #tpu.memory_space<vmem>>, vector<1x16xi32>,
      %get3A_530 = arith.constant 2 : i32
      %get3A_531 = arith.index_cast %get3A_530 : i32 to index
      %get3A_532 = arith.constant 48 : index
      %get3A_533 = tpu.vector_load %arg7[%get3A_531, %get3A_532] {strides = array<i32>} : memref<6x128xi32, #tpu.memory_space<vmem>>, vector<1x16xi32>,
      %get3A_534 = vector.shape_cast %get3A_533 : vector<1x16xi32> to vector<16xi32>
      %get3A_535 = arith.constant 3 : i32
      %get3A_536 = arith.index_cast %get3A_535 : i32 to index
      %get3A_537 = arith.constant 48 : index
      %get3A_538 = tpu.vector_load %arg7[%get3A_536, %get3A_537] {strides = array<i32>} : memref<6x128xi32, #tpu.memory_space<vmem>>, vector<1x16xi32>,
      %get3A_539 = vector.shape_cast %get3A_538 : vector<1x16xi32> to vector<16xi32>
      %broadcast_in_dim3A_540 = arith.constant 10000 : i32
      %broadcast_in_dim3A_541 = vector.broadcast %broadcast_in_dim3A_540 : i32 to vector<16xi32>
      %eq3A_542 = arith.cmpi eq, %get3A_534, %get3A_539 : vector<16xi32>
      %select_n3A_543 = arith.select %eq3A_542, %broadcast_in_dim3A_541, %get3A_534 : vector<16xi1>, vector<16xi32>
      %swap3A_544 = arith.constant 2 : i32
      %swap3A_545 = arith.index_cast %swap3A_544 : i32 to index
      %swap3A_546 = arith.constant 48 : index
      %swap3A_547 = tpu.vector_load %arg7[%swap3A_545, %swap3A_546] {strides = array<i32>} : memref<6x128xi32, #tpu.memory_space<vmem>>, vector<1x16xi32>,
      %swap3A_548 = vector.shape_cast %swap3A_547 : vector<1x16xi32> to vector<16xi32>
      %swap3A_549 = vector.shape_cast %select_n3A_543 : vector<16xi32> to vector<1x16xi32>
      tpu.vector_store %arg7[%swap3A_545, %swap3A_546], %swap3A_549 {strides = array<i32>} : memref<6x128xi32, #tpu.memory_space<vmem>>, vector<1x16xi32>,
      %get3A_550 = arith.constant 2 : i32
      %get3A_551 = arith.index_cast %get3A_550 : i32 to index
      %get3A_552 = arith.constant 64 : index
      %get3A_553 = tpu.vector_load %arg7[%get3A_551, %get3A_552] {strides = array<i32>} : memref<6x128xi32, #tpu.memory_space<vmem>>, vector<1x16xi32>,
      %get3A_554 = vector.shape_cast %get3A_553 : vector<1x16xi32> to vector<16xi32>
      %get3A_555 = arith.constant 3 : i32
      %get3A_556 = arith.index_cast %get3A_555 : i32 to index
      %get3A_557 = arith.constant 64 : index
      %get3A_558 = tpu.vector_load %arg7[%get3A_556, %get3A_557] {strides = array<i32>} : memref<6x128xi32, #tpu.memory_space<vmem>>, vector<1x16xi32>,
      %get3A_559 = vector.shape_cast %get3A_558 : vector<1x16xi32> to vector<16xi32>
      %broadcast_in_dim3A_560 = arith.constant 10000 : i32
      %broadcast_in_dim3A_561 = vector.broadcast %broadcast_in_dim3A_560 : i32 to vector<16xi32>
      %eq3A_562 = arith.cmpi eq, %get3A_554, %get3A_559 : vector<16xi32>
      %select_n3A_563 = arith.select %eq3A_562, %broadcast_in_dim3A_561, %get3A_554 : vector<16xi1>, vector<16xi32>
      %swap3A_564 = arith.constant 2 : i32
      %swap3A_565 = arith.index_cast %swap3A_564 : i32 to index
      %swap3A_566 = arith.constant 64 : index
      %swap3A_567 = tpu.vector_load %arg7[%swap3A_565, %swap3A_566] {strides = array<i32>} : memref<6x128xi32, #tpu.memory_space<vmem>>, vector<1x16xi32>,
      %swap3A_568 = vector.shape_cast %swap3A_567 : vector<1x16xi32> to vector<16xi32>
      %swap3A_569 = vector.shape_cast %select_n3A_563 : vector<16xi32> to vector<1x16xi32>
      tpu.vector_store %arg7[%swap3A_565, %swap3A_566], %swap3A_569 {strides = array<i32>} : memref<6x128xi32, #tpu.memory_space<vmem>>, vector<1x16xi32>,
      %get3A_570 = arith.constant 2 : i32
      %get3A_571 = arith.index_cast %get3A_570 : i32 to index
      %get3A_572 = arith.constant 80 : index
      %get3A_573 = tpu.vector_load %arg7[%get3A_571, %get3A_572] {strides = array<i32>} : memref<6x128xi32, #tpu.memory_space<vmem>>, vector<1x16xi32>,
      %get3A_574 = vector.shape_cast %get3A_573 : vector<1x16xi32> to vector<16xi32>
      %get3A_575 = arith.constant 3 : i32
      %get3A_576 = arith.index_cast %get3A_575 : i32 to index
      %get3A_577 = arith.constant 80 : index
      %get3A_578 = tpu.vector_load %arg7[%get3A_576, %get3A_577] {strides = array<i32>} : memref<6x128xi32, #tpu.memory_space<vmem>>, vector<1x16xi32>,
      %get3A_579 = vector.shape_cast %get3A_578 : vector<1x16xi32> to vector<16xi32>
      %broadcast_in_dim3A_580 = arith.constant 10000 : i32
      %broadcast_in_dim3A_581 = vector.broadcast %broadcast_in_dim3A_580 : i32 to vector<16xi32>
      %eq3A_582 = arith.cmpi eq, %get3A_574, %get3A_579 : vector<16xi32>
      %select_n3A_583 = arith.select %eq3A_582, %broadcast_in_dim3A_581, %get3A_574 : vector<16xi1>, vector<16xi32>
      %swap3A_584 = arith.constant 2 : i32
      %swap3A_585 = arith.index_cast %swap3A_584 : i32 to index
      %swap3A_586 = arith.constant 80 : index
      %swap3A_587 = tpu.vector_load %arg7[%swap3A_585, %swap3A_586] {strides = array<i32>} : memref<6x128xi32, #tpu.memory_space<vmem>>, vector<1x16xi32>,
      %swap3A_588 = vector.shape_cast %swap3A_587 : vector<1x16xi32> to vector<16xi32>
      %swap3A_589 = vector.shape_cast %select_n3A_583 : vector<16xi32> to vector<1x16xi32>
      tpu.vector_store %arg7[%swap3A_585, %swap3A_586], %swap3A_589 {strides = array<i32>} : memref<6x128xi32, #tpu.memory_space<vmem>>, vector<1x16xi32>,
      %get3A_590 = arith.constant 2 : i32
      %get3A_591 = arith.index_cast %get3A_590 : i32 to index
      %get3A_592 = arith.constant 96 : index
      %get3A_593 = tpu.vector_load %arg7[%get3A_591, %get3A_592] {strides = array<i32>} : memref<6x128xi32, #tpu.memory_space<vmem>>, vector<1x16xi32>,
      %get3A_594 = vector.shape_cast %get3A_593 : vector<1x16xi32> to vector<16xi32>
      %get3A_595 = arith.constant 3 : i32
      %get3A_596 = arith.index_cast %get3A_595 : i32 to index
      %get3A_597 = arith.constant 96 : index
      %get3A_598 = tpu.vector_load %arg7[%get3A_596, %get3A_597] {strides = array<i32>} : memref<6x128xi32, #tpu.memory_space<vmem>>, vector<1x16xi32>,
      %get3A_599 = vector.shape_cast %get3A_598 : vector<1x16xi32> to vector<16xi32>
      %broadcast_in_dim3A_600 = arith.constant 10000 : i32
      %broadcast_in_dim3A_601 = vector.broadcast %broadcast_in_dim3A_600 : i32 to vector<16xi32>
      %eq3A_602 = arith.cmpi eq, %get3A_594, %get3A_599 : vector<16xi32>
      %select_n3A_603 = arith.select %eq3A_602, %broadcast_in_dim3A_601, %get3A_594 : vector<16xi1>, vector<16xi32>
      %swap3A_604 = arith.constant 2 : i32
      %swap3A_605 = arith.index_cast %swap3A_604 : i32 to index
      %swap3A_606 = arith.constant 96 : index
      %swap3A_607 = tpu.vector_load %arg7[%swap3A_605, %swap3A_606] {strides = array<i32>} : memref<6x128xi32, #tpu.memory_space<vmem>>, vector<1x16xi32>,
      %swap3A_608 = vector.shape_cast %swap3A_607 : vector<1x16xi32> to vector<16xi32>
      %swap3A_609 = vector.shape_cast %select_n3A_603 : vector<16xi32> to vector<1x16xi32>
      tpu.vector_store %arg7[%swap3A_605, %swap3A_606], %swap3A_609 {strides = array<i32>} : memref<6x128xi32, #tpu.memory_space<vmem>>, vector<1x16xi32>,
      %get3A_610 = arith.constant 2 : i32
      %get3A_611 = arith.index_cast %get3A_610 : i32 to index
      %get3A_612 = arith.constant 112 : index
      %get3A_613 = tpu.vector_load %arg7[%get3A_611, %get3A_612] {strides = array<i32>} : memref<6x128xi32, #tpu.memory_space<vmem>>, vector<1x16xi32>,
      %get3A_614 = vector.shape_cast %get3A_613 : vector<1x16xi32> to vector<16xi32>
      %get3A_615 = arith.constant 3 : i32
      %get3A_616 = arith.index_cast %get3A_615 : i32 to index
      %get3A_617 = arith.constant 112 : index
      %get3A_618 = tpu.vector_load %arg7[%get3A_616, %get3A_617] {strides = array<i32>} : memref<6x128xi32, #tpu.memory_space<vmem>>, vector<1x16xi32>,
      %get3A_619 = vector.shape_cast %get3A_618 : vector<1x16xi32> to vector<16xi32>
      %broadcast_in_dim3A_620 = arith.constant 10000 : i32
      %broadcast_in_dim3A_621 = vector.broadcast %broadcast_in_dim3A_620 : i32 to vector<16xi32>
      %eq3A_622 = arith.cmpi eq, %get3A_614, %get3A_619 : vector<16xi32>
      %select_n3A_623 = arith.select %eq3A_622, %broadcast_in_dim3A_621, %get3A_614 : vector<16xi1>, vector<16xi32>
      %swap3A_624 = arith.constant 2 : i32
      %swap3A_625 = arith.index_cast %swap3A_624 : i32 to index
      %swap3A_626 = arith.constant 112 : index
      %swap3A_627 = tpu.vector_load %arg7[%swap3A_625, %swap3A_626] {strides = array<i32>} : memref<6x128xi32, #tpu.memory_space<vmem>>, vector<1x16xi32>,
      %swap3A_628 = vector.shape_cast %swap3A_627 : vector<1x16xi32> to vector<16xi32>
      %swap3A_629 = vector.shape_cast %select_n3A_623 : vector<16xi32> to vector<1x16xi32>
      tpu.vector_store %arg7[%swap3A_625, %swap3A_626], %swap3A_629 {strides = array<i32>} : memref<6x128xi32, #tpu.memory_space<vmem>>, vector<1x16xi32>,
      %dma_wait3A_630 = arith.constant 1 : i32
      %dma_wait3A_631 = arith.constant 1 : i32
      %dma_wait3A_632 = arith.constant 0 : i32
      %dma_wait3A_633 = arith.constant 0 : i32
      %dma_wait3A_634 = tpu.memref_slice %arg8[%dma_wait3A_630, %dma_wait3A_632, %dma_wait3A_633] : memref<3x128x128xf32, #tpu.memory_space<vmem>> -> memref<1x128x128xf32, #tpu.memory_space<vmem>>
      %dma_wait3A_635 = tpu.memref_squeeze %dma_wait3A_634 : memref<1x128x128xf32, #tpu.memory_space<vmem>> -> memref<128x128xf32, #tpu.memory_space<vmem>>
      %dma_wait3A_636 = arith.constant 0 : i32
      %dma_wait3A_637 = arith.constant 0 : i32
      %dma_wait3A_638 = tpu.memref_slice %arg2[%dma_wait3A_636, %dma_wait3A_637] : memref<320000x128xf32, #tpu.memory_space<hbm>> -> memref<128x128xf32, #tpu.memory_space<hbm>>
      %dma_wait3A_639 = tpu.memref_slice %arg11[%dma_wait3A_631] : memref<3x!tpu.dma_semaphore, #tpu.memory_space<semaphore_mem>> -> memref<1x!tpu.dma_semaphore, #tpu.memory_space<semaphore_mem>>
      %dma_wait3A_640 = tpu.memref_squeeze %dma_wait3A_639 : memref<1x!tpu.dma_semaphore, #tpu.memory_space<semaphore_mem>> -> memref<!tpu.dma_semaphore, #tpu.memory_space<semaphore_mem>>
      %dma_wait3A_641 = arith.constant 0 : i32
      %dma_wait3A_642 = arith.constant 0 : i32
      %dma_wait3A_643 = tpu.memref_slice %arg8[%dma_wait3A_630, %dma_wait3A_641, %dma_wait3A_642] : memref<3x128x128xf32, #tpu.memory_space<vmem>> -> memref<1x128x128xf32, #tpu.memory_space<vmem>>
      %dma_wait3A_644 = tpu.memref_squeeze %dma_wait3A_643 : memref<1x128x128xf32, #tpu.memory_space<vmem>> -> memref<128x128xf32, #tpu.memory_space<vmem>>
      %dma_wait3A_645 = arith.constant 0 : i32
      %dma_wait3A_646 = arith.constant 0 : i32
      %dma_wait3A_647 = tpu.memref_slice %arg2[%dma_wait3A_645, %dma_wait3A_646] : memref<320000x128xf32, #tpu.memory_space<hbm>> -> memref<128x128xf32, #tpu.memory_space<hbm>>
      tpu.wait_dma2 semaphore(%dma_wait3A_640 : memref<!tpu.dma_semaphore, #tpu.memory_space<semaphore_mem>>) src(%dma_wait3A_647 : memref<128x128xf32, #tpu.memory_space<hbm>>) dst(%dma_wait3A_644 : memref<128x128xf32, #tpu.memory_space<vmem>>)
      %dma_start3A_648 = arith.constant 1 : i32
      %dma_start3A_649 = arith.constant 2 : i32
      %dma_start3A_650 = arith.constant 1 : i32
      %dma_start3A_651 = arith.constant 0 : i32
      %dma_start3A_652 = arith.constant 0 : i32
      %dma_start3A_653 = tpu.memref_slice %arg8[%dma_start3A_648, %dma_start3A_651, %dma_start3A_652] : memref<3x128x128xf32, #tpu.memory_space<vmem>> -> memref<1x128x128xf32, #tpu.memory_space<vmem>>
      %dma_start3A_654 = tpu.memref_squeeze %dma_start3A_653 : memref<1x128x128xf32, #tpu.memory_space<vmem>> -> memref<128x128xf32, #tpu.memory_space<vmem>>
      %dma_start3A_655 = arith.constant 0 : i32
      %dma_start3A_656 = tpu.memref_slice %arg7[%dma_start3A_649, %dma_start3A_655] : memref<6x128xi32, #tpu.memory_space<vmem>> -> memref<1x128xi32, #tpu.memory_space<vmem>>
      %dma_start3A_657 = tpu.memref_squeeze %dma_start3A_656 : memref<1x128xi32, #tpu.memory_space<vmem>> -> memref<128xi32, #tpu.memory_space<vmem>>
      %dma_start3A_658 = arith.constant 0 : i32
      %dma_start3A_659 = arith.constant 0 : i32
      %dma_start3A_660 = tpu.memref_slice %arg9[%dma_start3A_658, %dma_start3A_659] : memref<10112x128xf32, #tpu.memory_space<vmem_shared>> -> memref<10112x128xf32, #tpu.memory_space<vmem_shared>>
      %dma_start3A_661 = tpu.memref_slice %arg12[%dma_start3A_650] : memref<3x!tpu.dma_semaphore, #tpu.memory_space<semaphore_mem>> -> memref<1x!tpu.dma_semaphore, #tpu.memory_space<semaphore_mem>>
      %dma_start3A_662 = tpu.memref_squeeze %dma_start3A_661 : memref<1x!tpu.dma_semaphore, #tpu.memory_space<semaphore_mem>> -> memref<!tpu.dma_semaphore, #tpu.memory_space<semaphore_mem>>
      tpu.enqueue_indirect_dma source(%dma_start3A_654 : memref<128x128xf32, #tpu.memory_space<vmem>>) target(%dma_start3A_660 : memref<10112x128xf32, #tpu.memory_space<vmem_shared>>) offsets(%dma_start3A_657 : memref<128xi32, #tpu.memory_space<vmem>>) semaphore(%dma_start3A_662 : memref<!tpu.dma_semaphore, #tpu.memory_space<semaphore_mem>>) {add = true}
      %dma_wait3A_663 = arith.constant 4 : i32
      %dma_wait3A_664 = arith.constant 2 : i32
      %dma_wait3A_665 = arith.constant 0 : i32
      %dma_wait3A_666 = tpu.memref_slice %arg7[%dma_wait3A_663, %dma_wait3A_665] : memref<6x128xi32, #tpu.memory_space<vmem>> -> memref<1x128xi32, #tpu.memory_space<vmem>>
      %dma_wait3A_667 = tpu.memref_squeeze %dma_wait3A_666 : memref<1x128xi32, #tpu.memory_space<vmem>> -> memref<128xi32, #tpu.memory_space<vmem>>
      %dma_wait3A_668 = arith.constant 0 : i32
      %dma_wait3A_669 = tpu.memref_slice %arg3[%dma_wait3A_668] : memref<320000xi32, #tpu.memory_space<hbm>> -> memref<128xi32, #tpu.memory_space<hbm>>
      %dma_wait3A_670 = tpu.memref_slice %arg10[%dma_wait3A_664] : memref<3x!tpu.dma_semaphore, #tpu.memory_space<semaphore_mem>> -> memref<1x!tpu.dma_semaphore, #tpu.memory_space<semaphore_mem>>
      %dma_wait3A_671 = tpu.memref_squeeze %dma_wait3A_670 : memref<1x!tpu.dma_semaphore, #tpu.memory_space<semaphore_mem>> -> memref<!tpu.dma_semaphore, #tpu.memory_space<semaphore_mem>>
      %dma_wait3A_672 = arith.constant 0 : i32
      %dma_wait3A_673 = tpu.memref_slice %arg7[%dma_wait3A_663, %dma_wait3A_672] : memref<6x128xi32, #tpu.memory_space<vmem>> -> memref<1x128xi32, #tpu.memory_space<vmem>>
      %dma_wait3A_674 = tpu.memref_squeeze %dma_wait3A_673 : memref<1x128xi32, #tpu.memory_space<vmem>> -> memref<128xi32, #tpu.memory_space<vmem>>
      %dma_wait3A_675 = arith.constant 0 : i32
      %dma_wait3A_676 = tpu.memref_slice %arg3[%dma_wait3A_675] : memref<320000xi32, #tpu.memory_space<hbm>> -> memref<128xi32, #tpu.memory_space<hbm>>
      tpu.wait_dma2 semaphore(%dma_wait3A_671 : memref<!tpu.dma_semaphore, #tpu.memory_space<semaphore_mem>>) src(%dma_wait3A_676 : memref<128xi32, #tpu.memory_space<hbm>>) dst(%dma_wait3A_674 : memref<128xi32, #tpu.memory_space<vmem>>)
      %dma_wait3A_677 = arith.constant 5 : i32
      %dma_wait3A_678 = arith.constant 2 : i32
      %dma_wait3A_679 = arith.constant 0 : i32
      %dma_wait3A_680 = tpu.memref_slice %arg7[%dma_wait3A_677, %dma_wait3A_679] : memref<6x128xi32, #tpu.memory_space<vmem>> -> memref<1x128xi32, #tpu.memory_space<vmem>>
      %dma_wait3A_681 = tpu.memref_squeeze %dma_wait3A_680 : memref<1x128xi32, #tpu.memory_space<vmem>> -> memref<128xi32, #tpu.memory_space<vmem>>
      %dma_wait3A_682 = arith.constant 0 : i32
      %dma_wait3A_683 = tpu.memref_slice %arg4[%dma_wait3A_682] : memref<320000xi32, #tpu.memory_space<hbm>> -> memref<128xi32, #tpu.memory_space<hbm>>
      %dma_wait3A_684 = tpu.memref_slice %arg10[%dma_wait3A_678] : memref<3x!tpu.dma_semaphore, #tpu.memory_space<semaphore_mem>> -> memref<1x!tpu.dma_semaphore, #tpu.memory_space<semaphore_mem>>
      %dma_wait3A_685 = tpu.memref_squeeze %dma_wait3A_684 : memref<1x!tpu.dma_semaphore, #tpu.memory_space<semaphore_mem>> -> memref<!tpu.dma_semaphore, #tpu.memory_space<semaphore_mem>>
      %dma_wait3A_686 = arith.constant 0 : i32
      %dma_wait3A_687 = tpu.memref_slice %arg7[%dma_wait3A_677, %dma_wait3A_686] : memref<6x128xi32, #tpu.memory_space<vmem>> -> memref<1x128xi32, #tpu.memory_space<vmem>>
      %dma_wait3A_688 = tpu.memref_squeeze %dma_wait3A_687 : memref<1x128xi32, #tpu.memory_space<vmem>> -> memref<128xi32, #tpu.memory_space<vmem>>
      %dma_wait3A_689 = arith.constant 0 : i32
      %dma_wait3A_690 = tpu.memref_slice %arg4[%dma_wait3A_689] : memref<320000xi32, #tpu.memory_space<hbm>> -> memref<128xi32, #tpu.memory_space<hbm>>
      tpu.wait_dma2 semaphore(%dma_wait3A_685 : memref<!tpu.dma_semaphore, #tpu.memory_space<semaphore_mem>>) src(%dma_wait3A_690 : memref<128xi32, #tpu.memory_space<hbm>>) dst(%dma_wait3A_688 : memref<128xi32, #tpu.memory_space<vmem>>)
      %get3A_691 = arith.constant 4 : i32
      %get3A_692 = arith.index_cast %get3A_691 : i32 to index
      %get3A_693 = arith.constant 0 : index
      %get3A_694 = tpu.vector_load %arg7[%get3A_692, %get3A_693] {strides = array<i32>} : memref<6x128xi32, #tpu.memory_space<vmem>>, vector<1x16xi32>,
      %get3A_695 = vector.shape_cast %get3A_694 : vector<1x16xi32> to vector<16xi32>
      %get3A_696 = arith.constant 5 : i32
      %get3A_697 = arith.index_cast %get3A_696 : i32 to index
      %get3A_698 = arith.constant 0 : index
      %get3A_699 = tpu.vector_load %arg7[%get3A_697, %get3A_698] {strides = array<i32>} : memref<6x128xi32, #tpu.memory_space<vmem>>, vector<1x16xi32>,
      %get3A_700 = vector.shape_cast %get3A_699 : vector<1x16xi32> to vector<16xi32>
      %broadcast_in_dim3A_701 = arith.constant 10000 : i32
      %broadcast_in_dim3A_702 = vector.broadcast %broadcast_in_dim3A_701 : i32 to vector<16xi32>
      %eq3A_703 = arith.cmpi eq, %get3A_695, %get3A_700 : vector<16xi32>
      %select_n3A_704 = arith.select %eq3A_703, %broadcast_in_dim3A_702, %get3A_695 : vector<16xi1>, vector<16xi32>
      %swap3A_705 = arith.constant 4 : i32
      %swap3A_706 = arith.index_cast %swap3A_705 : i32 to index
      %swap3A_707 = arith.constant 0 : index
      %swap3A_708 = tpu.vector_load %arg7[%swap3A_706, %swap3A_707] {strides = array<i32>} : memref<6x128xi32, #tpu.memory_space<vmem>>, vector<1x16xi32>,
      %swap3A_709 = vector.shape_cast %swap3A_708 : vector<1x16xi32> to vector<16xi32>
      %swap3A_710 = vector.shape_cast %select_n3A_704 : vector<16xi32> to vector<1x16xi32>
      tpu.vector_store %arg7[%swap3A_706, %swap3A_707], %swap3A_710 {strides = array<i32>} : memref<6x128xi32, #tpu.memory_space<vmem>>, vector<1x16xi32>,
      %get3A_711 = arith.constant 4 : i32
      %get3A_712 = arith.index_cast %get3A_711 : i32 to index
      %get3A_713 = arith.constant 16 : index
      %get3A_714 = tpu.vector_load %arg7[%get3A_712, %get3A_713] {strides = array<i32>} : memref<6x128xi32, #tpu.memory_space<vmem>>, vector<1x16xi32>,
      %get3A_715 = vector.shape_cast %get3A_714 : vector<1x16xi32> to vector<16xi32>
      %get3A_716 = arith.constant 5 : i32
      %get3A_717 = arith.index_cast %get3A_716 : i32 to index
      %get3A_718 = arith.constant 16 : index
      %get3A_719 = tpu.vector_load %arg7[%get3A_717, %get3A_718] {strides = array<i32>} : memref<6x128xi32, #tpu.memory_space<vmem>>, vector<1x16xi32>,
      %get3A_720 = vector.shape_cast %get3A_719 : vector<1x16xi32> to vector<16xi32>
      %broadcast_in_dim3A_721 = arith.constant 10000 : i32
      %broadcast_in_dim3A_722 = vector.broadcast %broadcast_in_dim3A_721 : i32 to vector<16xi32>
      %eq3A_723 = arith.cmpi eq, %get3A_715, %get3A_720 : vector<16xi32>
      %select_n3A_724 = arith.select %eq3A_723, %broadcast_in_dim3A_722, %get3A_715 : vector<16xi1>, vector<16xi32>
      %swap3A_725 = arith.constant 4 : i32
      %swap3A_726 = arith.index_cast %swap3A_725 : i32 to index
      %swap3A_727 = arith.constant 16 : index
      %swap3A_728 = tpu.vector_load %arg7[%swap3A_726, %swap3A_727] {strides = array<i32>} : memref<6x128xi32, #tpu.memory_space<vmem>>, vector<1x16xi32>,
      %swap3A_729 = vector.shape_cast %swap3A_728 : vector<1x16xi32> to vector<16xi32>
      %swap3A_730 = vector.shape_cast %select_n3A_724 : vector<16xi32> to vector<1x16xi32>
      tpu.vector_store %arg7[%swap3A_726, %swap3A_727], %swap3A_730 {strides = array<i32>} : memref<6x128xi32, #tpu.memory_space<vmem>>, vector<1x16xi32>,
      %get3A_731 = arith.constant 4 : i32
      %get3A_732 = arith.index_cast %get3A_731 : i32 to index
      %get3A_733 = arith.constant 32 : index
      %get3A_734 = tpu.vector_load %arg7[%get3A_732, %get3A_733] {strides = array<i32>} : memref<6x128xi32, #tpu.memory_space<vmem>>, vector<1x16xi32>,
      %get3A_735 = vector.shape_cast %get3A_734 : vector<1x16xi32> to vector<16xi32>
      %get3A_736 = arith.constant 5 : i32
      %get3A_737 = arith.index_cast %get3A_736 : i32 to index
      %get3A_738 = arith.constant 32 : index
      %get3A_739 = tpu.vector_load %arg7[%get3A_737, %get3A_738] {strides = array<i32>} : memref<6x128xi32, #tpu.memory_space<vmem>>, vector<1x16xi32>,
      %get3A_740 = vector.shape_cast %get3A_739 : vector<1x16xi32> to vector<16xi32>
      %broadcast_in_dim3A_741 = arith.constant 10000 : i32
      %broadcast_in_dim3A_742 = vector.broadcast %broadcast_in_dim3A_741 : i32 to vector<16xi32>
      %eq3A_743 = arith.cmpi eq, %get3A_735, %get3A_740 : vector<16xi32>
      %select_n3A_744 = arith.select %eq3A_743, %broadcast_in_dim3A_742, %get3A_735 : vector<16xi1>, vector<16xi32>
      %swap3A_745 = arith.constant 4 : i32
      %swap3A_746 = arith.index_cast %swap3A_745 : i32 to index
      %swap3A_747 = arith.constant 32 : index
      %swap3A_748 = tpu.vector_load %arg7[%swap3A_746, %swap3A_747] {strides = array<i32>} : memref<6x128xi32, #tpu.memory_space<vmem>>, vector<1x16xi32>,
      %swap3A_749 = vector.shape_cast %swap3A_748 : vector<1x16xi32> to vector<16xi32>
      %swap3A_750 = vector.shape_cast %select_n3A_744 : vector<16xi32> to vector<1x16xi32>
      tpu.vector_store %arg7[%swap3A_746, %swap3A_747], %swap3A_750 {strides = array<i32>} : memref<6x128xi32, #tpu.memory_space<vmem>>, vector<1x16xi32>,
      %get3A_751 = arith.constant 4 : i32
      %get3A_752 = arith.index_cast %get3A_751 : i32 to index
      %get3A_753 = arith.constant 48 : index
      %get3A_754 = tpu.vector_load %arg7[%get3A_752, %get3A_753] {strides = array<i32>} : memref<6x128xi32, #tpu.memory_space<vmem>>, vector<1x16xi32>,
      %get3A_755 = vector.shape_cast %get3A_754 : vector<1x16xi32> to vector<16xi32>
      %get3A_756 = arith.constant 5 : i32
      %get3A_757 = arith.index_cast %get3A_756 : i32 to index
      %get3A_758 = arith.constant 48 : index
      %get3A_759 = tpu.vector_load %arg7[%get3A_757, %get3A_758] {strides = array<i32>} : memref<6x128xi32, #tpu.memory_space<vmem>>, vector<1x16xi32>,
      %get3A_760 = vector.shape_cast %get3A_759 : vector<1x16xi32> to vector<16xi32>
      %broadcast_in_dim3A_761 = arith.constant 10000 : i32
      %broadcast_in_dim3A_762 = vector.broadcast %broadcast_in_dim3A_761 : i32 to vector<16xi32>
      %eq3A_763 = arith.cmpi eq, %get3A_755, %get3A_760 : vector<16xi32>
      %select_n3A_764 = arith.select %eq3A_763, %broadcast_in_dim3A_762, %get3A_755 : vector<16xi1>, vector<16xi32>
      %swap3A_765 = arith.constant 4 : i32
      %swap3A_766 = arith.index_cast %swap3A_765 : i32 to index
      %swap3A_767 = arith.constant 48 : index
      %swap3A_768 = tpu.vector_load %arg7[%swap3A_766, %swap3A_767] {strides = array<i32>} : memref<6x128xi32, #tpu.memory_space<vmem>>, vector<1x16xi32>,
      %swap3A_769 = vector.shape_cast %swap3A_768 : vector<1x16xi32> to vector<16xi32>
      %swap3A_770 = vector.shape_cast %select_n3A_764 : vector<16xi32> to vector<1x16xi32>
      tpu.vector_store %arg7[%swap3A_766, %swap3A_767], %swap3A_770 {strides = array<i32>} : memref<6x128xi32, #tpu.memory_space<vmem>>, vector<1x16xi32>,
      %get3A_771 = arith.constant 4 : i32
      %get3A_772 = arith.index_cast %get3A_771 : i32 to index
      %get3A_773 = arith.constant 64 : index
      %get3A_774 = tpu.vector_load %arg7[%get3A_772, %get3A_773] {strides = array<i32>} : memref<6x128xi32, #tpu.memory_space<vmem>>, vector<1x16xi32>,
      %get3A_775 = vector.shape_cast %get3A_774 : vector<1x16xi32> to vector<16xi32>
      %get3A_776 = arith.constant 5 : i32
      %get3A_777 = arith.index_cast %get3A_776 : i32 to index
      %get3A_778 = arith.constant 64 : index
      %get3A_779 = tpu.vector_load %arg7[%get3A_777, %get3A_778] {strides = array<i32>} : memref<6x128xi32, #tpu.memory_space<vmem>>, vector<1x16xi32>,
      %get3A_780 = vector.shape_cast %get3A_779 : vector<1x16xi32> to vector<16xi32>
      %broadcast_in_dim3A_781 = arith.constant 10000 : i32
      %broadcast_in_dim3A_782 = vector.broadcast %broadcast_in_dim3A_781 : i32 to vector<16xi32>
      %eq3A_783 = arith.cmpi eq, %get3A_775, %get3A_780 : vector<16xi32>
      %select_n3A_784 = arith.select %eq3A_783, %broadcast_in_dim3A_782, %get3A_775 : vector<16xi1>, vector<16xi32>
      %swap3A_785 = arith.constant 4 : i32
      %swap3A_786 = arith.index_cast %swap3A_785 : i32 to index
      %swap3A_787 = arith.constant 64 : index
      %swap3A_788 = tpu.vector_load %arg7[%swap3A_786, %swap3A_787] {strides = array<i32>} : memref<6x128xi32, #tpu.memory_space<vmem>>, vector<1x16xi32>,
      %swap3A_789 = vector.shape_cast %swap3A_788 : vector<1x16xi32> to vector<16xi32>
      %swap3A_790 = vector.shape_cast %select_n3A_784 : vector<16xi32> to vector<1x16xi32>
      tpu.vector_store %arg7[%swap3A_786, %swap3A_787], %swap3A_790 {strides = array<i32>} : memref<6x128xi32, #tpu.memory_space<vmem>>, vector<1x16xi32>,
      %get3A_791 = arith.constant 4 : i32
      %get3A_792 = arith.index_cast %get3A_791 : i32 to index
      %get3A_793 = arith.constant 80 : index
      %get3A_794 = tpu.vector_load %arg7[%get3A_792, %get3A_793] {strides = array<i32>} : memref<6x128xi32, #tpu.memory_space<vmem>>, vector<1x16xi32>,
      %get3A_795 = vector.shape_cast %get3A_794 : vector<1x16xi32> to vector<16xi32>
      %get3A_796 = arith.constant 5 : i32
      %get3A_797 = arith.index_cast %get3A_796 : i32 to index
      %get3A_798 = arith.constant 80 : index
      %get3A_799 = tpu.vector_load %arg7[%get3A_797, %get3A_798] {strides = array<i32>} : memref<6x128xi32, #tpu.memory_space<vmem>>, vector<1x16xi32>,
      %get3A_800 = vector.shape_cast %get3A_799 : vector<1x16xi32> to vector<16xi32>
      %broadcast_in_dim3A_801 = arith.constant 10000 : i32
      %broadcast_in_dim3A_802 = vector.broadcast %broadcast_in_dim3A_801 : i32 to vector<16xi32>
      %eq3A_803 = arith.cmpi eq, %get3A_795, %get3A_800 : vector<16xi32>
      %select_n3A_804 = arith.select %eq3A_803, %broadcast_in_dim3A_802, %get3A_795 : vector<16xi1>, vector<16xi32>
      %swap3A_805 = arith.constant 4 : i32
      %swap3A_806 = arith.index_cast %swap3A_805 : i32 to index
      %swap3A_807 = arith.constant 80 : index
      %swap3A_808 = tpu.vector_load %arg7[%swap3A_806, %swap3A_807] {strides = array<i32>} : memref<6x128xi32, #tpu.memory_space<vmem>>, vector<1x16xi32>,
      %swap3A_809 = vector.shape_cast %swap3A_808 : vector<1x16xi32> to vector<16xi32>
      %swap3A_810 = vector.shape_cast %select_n3A_804 : vector<16xi32> to vector<1x16xi32>
      tpu.vector_store %arg7[%swap3A_806, %swap3A_807], %swap3A_810 {strides = array<i32>} : memref<6x128xi32, #tpu.memory_space<vmem>>, vector<1x16xi32>,
      %get3A_811 = arith.constant 4 : i32
      %get3A_812 = arith.index_cast %get3A_811 : i32 to index
      %get3A_813 = arith.constant 96 : index
      %get3A_814 = tpu.vector_load %arg7[%get3A_812, %get3A_813] {strides = array<i32>} : memref<6x128xi32, #tpu.memory_space<vmem>>, vector<1x16xi32>,
      %get3A_815 = vector.shape_cast %get3A_814 : vector<1x16xi32> to vector<16xi32>
      %get3A_816 = arith.constant 5 : i32
      %get3A_817 = arith.index_cast %get3A_816 : i32 to index
      %get3A_818 = arith.constant 96 : index
      %get3A_819 = tpu.vector_load %arg7[%get3A_817, %get3A_818] {strides = array<i32>} : memref<6x128xi32, #tpu.memory_space<vmem>>, vector<1x16xi32>,
      %get3A_820 = vector.shape_cast %get3A_819 : vector<1x16xi32> to vector<16xi32>
      %broadcast_in_dim3A_821 = arith.constant 10000 : i32
      %broadcast_in_dim3A_822 = vector.broadcast %broadcast_in_dim3A_821 : i32 to vector<16xi32>
      %eq3A_823 = arith.cmpi eq, %get3A_815, %get3A_820 : vector<16xi32>
      %select_n3A_824 = arith.select %eq3A_823, %broadcast_in_dim3A_822, %get3A_815 : vector<16xi1>, vector<16xi32>
      %swap3A_825 = arith.constant 4 : i32
      %swap3A_826 = arith.index_cast %swap3A_825 : i32 to index
      %swap3A_827 = arith.constant 96 : index
      %swap3A_828 = tpu.vector_load %arg7[%swap3A_826, %swap3A_827] {strides = array<i32>} : memref<6x128xi32, #tpu.memory_space<vmem>>, vector<1x16xi32>,
      %swap3A_829 = vector.shape_cast %swap3A_828 : vector<1x16xi32> to vector<16xi32>
      %swap3A_830 = vector.shape_cast %select_n3A_824 : vector<16xi32> to vector<1x16xi32>
      tpu.vector_store %arg7[%swap3A_826, %swap3A_827], %swap3A_830 {strides = array<i32>} : memref<6x128xi32, #tpu.memory_space<vmem>>, vector<1x16xi32>,
      %get3A_831 = arith.constant 4 : i32
      %get3A_832 = arith.index_cast %get3A_831 : i32 to index
      %get3A_833 = arith.constant 112 : index
      %get3A_834 = tpu.vector_load %arg7[%get3A_832, %get3A_833] {strides = array<i32>} : memref<6x128xi32, #tpu.memory_space<vmem>>, vector<1x16xi32>,
      %get3A_835 = vector.shape_cast %get3A_834 : vector<1x16xi32> to vector<16xi32>
      %get3A_836 = arith.constant 5 : i32
      %get3A_837 = arith.index_cast %get3A_836 : i32 to index
      %get3A_838 = arith.constant 112 : index
      %get3A_839 = tpu.vector_load %arg7[%get3A_837, %get3A_838] {strides = array<i32>} : memref<6x128xi32, #tpu.memory_space<vmem>>, vector<1x16xi32>,
      %get3A_840 = vector.shape_cast %get3A_839 : vector<1x16xi32> to vector<16xi32>
      %broadcast_in_dim3A_841 = arith.constant 10000 : i32
      %broadcast_in_dim3A_842 = vector.broadcast %broadcast_in_dim3A_841 : i32 to vector<16xi32>
      %eq3A_843 = arith.cmpi eq, %get3A_835, %get3A_840 : vector<16xi32>
      %select_n3A_844 = arith.select %eq3A_843, %broadcast_in_dim3A_842, %get3A_835 : vector<16xi1>, vector<16xi32>
      %swap3A_845 = arith.constant 4 : i32
      %swap3A_846 = arith.index_cast %swap3A_845 : i32 to index
      %swap3A_847 = arith.constant 112 : index
      %swap3A_848 = tpu.vector_load %arg7[%swap3A_846, %swap3A_847] {strides = array<i32>} : memref<6x128xi32, #tpu.memory_space<vmem>>, vector<1x16xi32>,
      %swap3A_849 = vector.shape_cast %swap3A_848 : vector<1x16xi32> to vector<16xi32>
      %swap3A_850 = vector.shape_cast %select_n3A_844 : vector<16xi32> to vector<1x16xi32>
      tpu.vector_store %arg7[%swap3A_846, %swap3A_847], %swap3A_850 {strides = array<i32>} : memref<6x128xi32, #tpu.memory_space<vmem>>, vector<1x16xi32>,
      %dma_wait3A_851 = arith.constant 2 : i32
      %dma_wait3A_852 = arith.constant 2 : i32
      %dma_wait3A_853 = arith.constant 0 : i32
      %dma_wait3A_854 = arith.constant 0 : i32
      %dma_wait3A_855 = tpu.memref_slice %arg8[%dma_wait3A_851, %dma_wait3A_853, %dma_wait3A_854] : memref<3x128x128xf32, #tpu.memory_space<vmem>> -> memref<1x128x128xf32, #tpu.memory_space<vmem>>
      %dma_wait3A_856 = tpu.memref_squeeze %dma_wait3A_855 : memref<1x128x128xf32, #tpu.memory_space<vmem>> -> memref<128x128xf32, #tpu.memory_space<vmem>>
      %dma_wait3A_857 = arith.constant 0 : i32
      %dma_wait3A_858 = arith.constant 0 : i32
      %dma_wait3A_859 = tpu.memref_slice %arg2[%dma_wait3A_857, %dma_wait3A_858] : memref<320000x128xf32, #tpu.memory_space<hbm>> -> memref<128x128xf32, #tpu.memory_space<hbm>>
      %dma_wait3A_860 = tpu.memref_slice %arg11[%dma_wait3A_852] : memref<3x!tpu.dma_semaphore, #tpu.memory_space<semaphore_mem>> -> memref<1x!tpu.dma_semaphore, #tpu.memory_space<semaphore_mem>>
      %dma_wait3A_861 = tpu.memref_squeeze %dma_wait3A_860 : memref<1x!tpu.dma_semaphore, #tpu.memory_space<semaphore_mem>> -> memref<!tpu.dma_semaphore, #tpu.memory_space<semaphore_mem>>
      %dma_wait3A_862 = arith.constant 0 : i32
      %dma_wait3A_863 = arith.constant 0 : i32
      %dma_wait3A_864 = tpu.memref_slice %arg8[%dma_wait3A_851, %dma_wait3A_862, %dma_wait3A_863] : memref<3x128x128xf32, #tpu.memory_space<vmem>> -> memref<1x128x128xf32, #tpu.memory_space<vmem>>
      %dma_wait3A_865 = tpu.memref_squeeze %dma_wait3A_864 : memref<1x128x128xf32, #tpu.memory_space<vmem>> -> memref<128x128xf32, #tpu.memory_space<vmem>>
      %dma_wait3A_866 = arith.constant 0 : i32
      %dma_wait3A_867 = arith.constant 0 : i32
      %dma_wait3A_868 = tpu.memref_slice %arg2[%dma_wait3A_866, %dma_wait3A_867] : memref<320000x128xf32, #tpu.memory_space<hbm>> -> memref<128x128xf32, #tpu.memory_space<hbm>>
      tpu.wait_dma2 semaphore(%dma_wait3A_861 : memref<!tpu.dma_semaphore, #tpu.memory_space<semaphore_mem>>) src(%dma_wait3A_868 : memref<128x128xf32, #tpu.memory_space<hbm>>) dst(%dma_wait3A_865 : memref<128x128xf32, #tpu.memory_space<vmem>>)
      %dma_start3A_869 = arith.constant 2 : i32
      %dma_start3A_870 = arith.constant 4 : i32
      %dma_start3A_871 = arith.constant 2 : i32
      %dma_start3A_872 = arith.constant 0 : i32
      %dma_start3A_873 = arith.constant 0 : i32
      %dma_start3A_874 = tpu.memref_slice %arg8[%dma_start3A_869, %dma_start3A_872, %dma_start3A_873] : memref<3x128x128xf32, #tpu.memory_space<vmem>> -> memref<1x128x128xf32, #tpu.memory_space<vmem>>
      %dma_start3A_875 = tpu.memref_squeeze %dma_start3A_874 : memref<1x128x128xf32, #tpu.memory_space<vmem>> -> memref<128x128xf32, #tpu.memory_space<vmem>>
      %dma_start3A_876 = arith.constant 0 : i32
      %dma_start3A_877 = tpu.memref_slice %arg7[%dma_start3A_870, %dma_start3A_876] : memref<6x128xi32, #tpu.memory_space<vmem>> -> memref<1x128xi32, #tpu.memory_space<vmem>>
      %dma_start3A_878 = tpu.memref_squeeze %dma_start3A_877 : memref<1x128xi32, #tpu.memory_space<vmem>> -> memref<128xi32, #tpu.memory_space<vmem>>
      %dma_start3A_879 = arith.constant 0 : i32
      %dma_start3A_880 = arith.constant 0 : i32
      %dma_start3A_881 = tpu.memref_slice %arg9[%dma_start3A_879, %dma_start3A_880] : memref<10112x128xf32, #tpu.memory_space<vmem_shared>> -> memref<10112x128xf32, #tpu.memory_space<vmem_shared>>
      %dma_start3A_882 = tpu.memref_slice %arg12[%dma_start3A_871] : memref<3x!tpu.dma_semaphore, #tpu.memory_space<semaphore_mem>> -> memref<1x!tpu.dma_semaphore, #tpu.memory_space<semaphore_mem>>
      %dma_start3A_883 = tpu.memref_squeeze %dma_start3A_882 : memref<1x!tpu.dma_semaphore, #tpu.memory_space<semaphore_mem>> -> memref<!tpu.dma_semaphore, #tpu.memory_space<semaphore_mem>>
      tpu.enqueue_indirect_dma source(%dma_start3A_875 : memref<128x128xf32, #tpu.memory_space<vmem>>) target(%dma_start3A_881 : memref<10112x128xf32, #tpu.memory_space<vmem_shared>>) offsets(%dma_start3A_878 : memref<128xi32, #tpu.memory_space<vmem>>) semaphore(%dma_start3A_883 : memref<!tpu.dma_semaphore, #tpu.memory_space<semaphore_mem>>) {add = true}
    }
    %scan3A_5 = arith.constant 26 : i32
    %dma_wait3A = arith.constant 0 : i32
    %dma_wait3A_6 = arith.constant 0 : i32
    %dma_wait3A_7 = arith.constant 0 : i32
    %dma_wait3A_8 = arith.constant 0 : i32
    %dma_wait3A_9 = arith.constant 0 : i32
    %dma_wait3A_10 = tpu.memref_slice %arg8[%dma_wait3A, %dma_wait3A_8, %dma_wait3A_9] : memref<3x128x128xf32, #tpu.memory_space<vmem>> -> memref<1x128x128xf32, #tpu.memory_space<vmem>>
    %dma_wait3A_11 = tpu.memref_squeeze %dma_wait3A_10 : memref<1x128x128xf32, #tpu.memory_space<vmem>> -> memref<128x128xf32, #tpu.memory_space<vmem>>
    %dma_wait3A_12 = arith.constant 0 : i32
    %dma_wait3A_13 = tpu.memref_slice %arg7[%dma_wait3A_6, %dma_wait3A_12] : memref<6x128xi32, #tpu.memory_space<vmem>> -> memref<1x128xi32, #tpu.memory_space<vmem>>
    %dma_wait3A_14 = tpu.memref_squeeze %dma_wait3A_13 : memref<1x128xi32, #tpu.memory_space<vmem>> -> memref<128xi32, #tpu.memory_space<vmem>>
    %dma_wait3A_15 = arith.constant 0 : i32
    %dma_wait3A_16 = arith.constant 0 : i32
    %dma_wait3A_17 = tpu.memref_slice %arg9[%dma_wait3A_15, %dma_wait3A_16] : memref<10112x128xf32, #tpu.memory_space<vmem_shared>> -> memref<10112x128xf32, #tpu.memory_space<vmem_shared>>
    %dma_wait3A_18 = tpu.memref_slice %arg12[%dma_wait3A_7] : memref<3x!tpu.dma_semaphore, #tpu.memory_space<semaphore_mem>> -> memref<1x!tpu.dma_semaphore, #tpu.memory_space<semaphore_mem>>
    %dma_wait3A_19 = tpu.memref_squeeze %dma_wait3A_18 : memref<1x!tpu.dma_semaphore, #tpu.memory_space<semaphore_mem>> -> memref<!tpu.dma_semaphore, #tpu.memory_space<semaphore_mem>>
    tpu.wait_indirect_dma semaphore(%dma_wait3A_19 : memref<!tpu.dma_semaphore, #tpu.memory_space<semaphore_mem>>) src(%dma_wait3A_11 : memref<128x128xf32, #tpu.memory_space<vmem>>) dst(%dma_wait3A_17 : memref<10112x128xf32, #tpu.memory_space<vmem_shared>>)
    %dma_wait3A_20 = arith.constant 1 : i32
    %dma_wait3A_21 = arith.constant 2 : i32
    %dma_wait3A_22 = arith.constant 1 : i32
    %dma_wait3A_23 = arith.constant 0 : i32
    %dma_wait3A_24 = arith.constant 0 : i32
    %dma_wait3A_25 = tpu.memref_slice %arg8[%dma_wait3A_20, %dma_wait3A_23, %dma_wait3A_24] : memref<3x128x128xf32, #tpu.memory_space<vmem>> -> memref<1x128x128xf32, #tpu.memory_space<vmem>>
    %dma_wait3A_26 = tpu.memref_squeeze %dma_wait3A_25 : memref<1x128x128xf32, #tpu.memory_space<vmem>> -> memref<128x128xf32, #tpu.memory_space<vmem>>
    %dma_wait3A_27 = arith.constant 0 : i32
    %dma_wait3A_28 = tpu.memref_slice %arg7[%dma_wait3A_21, %dma_wait3A_27] : memref<6x128xi32, #tpu.memory_space<vmem>> -> memref<1x128xi32, #tpu.memory_space<vmem>>
    %dma_wait3A_29 = tpu.memref_squeeze %dma_wait3A_28 : memref<1x128xi32, #tpu.memory_space<vmem>> -> memref<128xi32, #tpu.memory_space<vmem>>
    %dma_wait3A_30 = arith.constant 0 : i32
    %dma_wait3A_31 = arith.constant 0 : i32
    %dma_wait3A_32 = tpu.memref_slice %arg9[%dma_wait3A_30, %dma_wait3A_31] : memref<10112x128xf32, #tpu.memory_space<vmem_shared>> -> memref<10112x128xf32, #tpu.memory_space<vmem_shared>>
    %dma_wait3A_33 = tpu.memref_slice %arg12[%dma_wait3A_22] : memref<3x!tpu.dma_semaphore, #tpu.memory_space<semaphore_mem>> -> memref<1x!tpu.dma_semaphore, #tpu.memory_space<semaphore_mem>>
    %dma_wait3A_34 = tpu.memref_squeeze %dma_wait3A_33 : memref<1x!tpu.dma_semaphore, #tpu.memory_space<semaphore_mem>> -> memref<!tpu.dma_semaphore, #tpu.memory_space<semaphore_mem>>
    tpu.wait_indirect_dma semaphore(%dma_wait3A_34 : memref<!tpu.dma_semaphore, #tpu.memory_space<semaphore_mem>>) src(%dma_wait3A_26 : memref<128x128xf32, #tpu.memory_space<vmem>>) dst(%dma_wait3A_32 : memref<10112x128xf32, #tpu.memory_space<vmem_shared>>)
    %dma_wait3A_35 = arith.constant 2 : i32
    %dma_wait3A_36 = arith.constant 4 : i32
    %dma_wait3A_37 = arith.constant 2 : i32
    %dma_wait3A_38 = arith.constant 0 : i32
    %dma_wait3A_39 = arith.constant 0 : i32
    %dma_wait3A_40 = tpu.memref_slice %arg8[%dma_wait3A_35, %dma_wait3A_38, %dma_wait3A_39] : memref<3x128x128xf32, #tpu.memory_space<vmem>> -> memref<1x128x128xf32, #tpu.memory_space<vmem>>
    %dma_wait3A_41 = tpu.memref_squeeze %dma_wait3A_40 : memref<1x128x128xf32, #tpu.memory_space<vmem>> -> memref<128x128xf32, #tpu.memory_space<vmem>>
    %dma_wait3A_42 = arith.constant 0 : i32
    %dma_wait3A_43 = tpu.memref_slice %arg7[%dma_wait3A_36, %dma_wait3A_42] : memref<6x128xi32, #tpu.memory_space<vmem>> -> memref<1x128xi32, #tpu.memory_space<vmem>>
    %dma_wait3A_44 = tpu.memref_squeeze %dma_wait3A_43 : memref<1x128xi32, #tpu.memory_space<vmem>> -> memref<128xi32, #tpu.memory_space<vmem>>
    %dma_wait3A_45 = arith.constant 0 : i32
    %dma_wait3A_46 = arith.constant 0 : i32
    %dma_wait3A_47 = tpu.memref_slice %arg9[%dma_wait3A_45, %dma_wait3A_46] : memref<10112x128xf32, #tpu.memory_space<vmem_shared>> -> memref<10112x128xf32, #tpu.memory_space<vmem_shared>>
    %dma_wait3A_48 = tpu.memref_slice %arg12[%dma_wait3A_37] : memref<3x!tpu.dma_semaphore, #tpu.memory_space<semaphore_mem>> -> memref<1x!tpu.dma_semaphore, #tpu.memory_space<semaphore_mem>>
    %dma_wait3A_49 = tpu.memref_squeeze %dma_wait3A_48 : memref<1x!tpu.dma_semaphore, #tpu.memory_space<semaphore_mem>> -> memref<!tpu.dma_semaphore, #tpu.memory_space<semaphore_mem>>
    tpu.wait_indirect_dma semaphore(%dma_wait3A_49 : memref<!tpu.dma_semaphore, #tpu.memory_space<semaphore_mem>>) src(%dma_wait3A_41 : memref<128x128xf32, #tpu.memory_space<vmem>>) dst(%dma_wait3A_47 : memref<10112x128xf32, #tpu.memory_space<vmem_shared>>)
    %lt3A = arith.constant 2 : i32
    %lt3A_50 = arith.cmpi slt, %arg1, %lt3A : i32
    %convert_element_type3A = arith.extui %lt3A_50 : i1 to i32
    %cond3A = arith.constant 0 : i32
    %cond3A_51 = arith.cmpi ne, %convert_element_type3A, %cond3A : i32
    scf.if %cond3A_51 {
      %mul3A_57 = arith.constant 1250 : i32
      %mul3A_58 = arith.muli %arg0, %mul3A_57 : i32
      %add3A = arith.constant 1248 : i32
      %add3A_59 = arith.addi %mul3A_58, %add3A : i32
      %add3A_60 = arith.addi %add3A_59, %arg1 : i32
      %mul3A_61 = arith.constant 128 : i32
      %mul3A_62 = arith.muli %add3A_60, %mul3A_61 : i32
      %run_scoped3A = arith.constant 0 : i32
      "tpu.region"() ({
        %run_scoped3A_222 = tpu.sem_alloc : memref<!tpu.dma_semaphore, #tpu.memory_space<semaphore_mem>>
        %dma_start3A = arith.constant 0 : i32
        %dma_start3A_223 = tpu.memref_slice %arg7[%run_scoped3A, %dma_start3A] : memref<6x128xi32, #tpu.memory_space<vmem>> -> memref<1x128xi32, #tpu.memory_space<vmem>>
        %dma_start3A_224 = tpu.memref_squeeze %dma_start3A_223 : memref<1x128xi32, #tpu.memory_space<vmem>> -> memref<128xi32, #tpu.memory_space<vmem>>
        %dma_start3A_225 = tpu.memref_slice %arg3[%mul3A_62] : memref<320000xi32, #tpu.memory_space<hbm>> -> memref<128xi32, #tpu.memory_space<hbm>>
        %dma_start3A_226 = arith.constant 0 : i32
        %dma_start3A_227 = tpu.memref_slice %arg7[%run_scoped3A, %dma_start3A_226] : memref<6x128xi32, #tpu.memory_space<vmem>> -> memref<1x128xi32, #tpu.memory_space<vmem>>
        %dma_start3A_228 = tpu.memref_squeeze %dma_start3A_227 : memref<1x128xi32, #tpu.memory_space<vmem>> -> memref<128xi32, #tpu.memory_space<vmem>>
        %dma_start3A_229 = tpu.memref_slice %arg3[%mul3A_62] : memref<320000xi32, #tpu.memory_space<hbm>> -> memref<128xi32, #tpu.memory_space<hbm>>
        tpu.enqueue_dma source(%dma_start3A_229 : memref<128xi32, #tpu.memory_space<hbm>>) target(%dma_start3A_228 : memref<128xi32, #tpu.memory_space<vmem>>) target_semaphore(%run_scoped3A_222 : memref<!tpu.dma_semaphore, #tpu.memory_space<semaphore_mem>>)
        %dma_wait3A_230 = arith.constant 0 : i32
        %dma_wait3A_231 = tpu.memref_slice %arg7[%run_scoped3A, %dma_wait3A_230] : memref<6x128xi32, #tpu.memory_space<vmem>> -> memref<1x128xi32, #tpu.memory_space<vmem>>
        %dma_wait3A_232 = tpu.memref_squeeze %dma_wait3A_231 : memref<1x128xi32, #tpu.memory_space<vmem>> -> memref<128xi32, #tpu.memory_space<vmem>>
        %dma_wait3A_233 = tpu.memref_slice %arg3[%mul3A_62] : memref<320000xi32, #tpu.memory_space<hbm>> -> memref<128xi32, #tpu.memory_space<hbm>>
        %dma_wait3A_234 = arith.constant 0 : i32
        %dma_wait3A_235 = tpu.memref_slice %arg7[%run_scoped3A, %dma_wait3A_234] : memref<6x128xi32, #tpu.memory_space<vmem>> -> memref<1x128xi32, #tpu.memory_space<vmem>>
        %dma_wait3A_236 = tpu.memref_squeeze %dma_wait3A_235 : memref<1x128xi32, #tpu.memory_space<vmem>> -> memref<128xi32, #tpu.memory_space<vmem>>
        %dma_wait3A_237 = tpu.memref_slice %arg3[%mul3A_62] : memref<320000xi32, #tpu.memory_space<hbm>> -> memref<128xi32, #tpu.memory_space<hbm>>
        tpu.wait_dma2 semaphore(%run_scoped3A_222 : memref<!tpu.dma_semaphore, #tpu.memory_space<semaphore_mem>>) src(%dma_wait3A_237 : memref<128xi32, #tpu.memory_space<hbm>>) dst(%dma_wait3A_236 : memref<128xi32, #tpu.memory_space<vmem>>)
        tpu.yield
      }) : () -> ()
      %run_scoped3A_63 = arith.constant 1 : i32
      "tpu.region"() ({
        %run_scoped3A_222 = tpu.sem_alloc : memref<!tpu.dma_semaphore, #tpu.memory_space<semaphore_mem>>
        %dma_start3A = arith.constant 0 : i32
        %dma_start3A_223 = tpu.memref_slice %arg7[%run_scoped3A_63, %dma_start3A] : memref<6x128xi32, #tpu.memory_space<vmem>> -> memref<1x128xi32, #tpu.memory_space<vmem>>
        %dma_start3A_224 = tpu.memref_squeeze %dma_start3A_223 : memref<1x128xi32, #tpu.memory_space<vmem>> -> memref<128xi32, #tpu.memory_space<vmem>>
        %dma_start3A_225 = tpu.memref_slice %arg4[%mul3A_62] : memref<320000xi32, #tpu.memory_space<hbm>> -> memref<128xi32, #tpu.memory_space<hbm>>
        %dma_start3A_226 = arith.constant 0 : i32
        %dma_start3A_227 = tpu.memref_slice %arg7[%run_scoped3A_63, %dma_start3A_226] : memref<6x128xi32, #tpu.memory_space<vmem>> -> memref<1x128xi32, #tpu.memory_space<vmem>>
        %dma_start3A_228 = tpu.memref_squeeze %dma_start3A_227 : memref<1x128xi32, #tpu.memory_space<vmem>> -> memref<128xi32, #tpu.memory_space<vmem>>
        %dma_start3A_229 = tpu.memref_slice %arg4[%mul3A_62] : memref<320000xi32, #tpu.memory_space<hbm>> -> memref<128xi32, #tpu.memory_space<hbm>>
        tpu.enqueue_dma source(%dma_start3A_229 : memref<128xi32, #tpu.memory_space<hbm>>) target(%dma_start3A_228 : memref<128xi32, #tpu.memory_space<vmem>>) target_semaphore(%run_scoped3A_222 : memref<!tpu.dma_semaphore, #tpu.memory_space<semaphore_mem>>)
        %dma_wait3A_230 = arith.constant 0 : i32
        %dma_wait3A_231 = tpu.memref_slice %arg7[%run_scoped3A_63, %dma_wait3A_230] : memref<6x128xi32, #tpu.memory_space<vmem>> -> memref<1x128xi32, #tpu.memory_space<vmem>>
        %dma_wait3A_232 = tpu.memref_squeeze %dma_wait3A_231 : memref<1x128xi32, #tpu.memory_space<vmem>> -> memref<128xi32, #tpu.memory_space<vmem>>
        %dma_wait3A_233 = tpu.memref_slice %arg4[%mul3A_62] : memref<320000xi32, #tpu.memory_space<hbm>> -> memref<128xi32, #tpu.memory_space<hbm>>
        %dma_wait3A_234 = arith.constant 0 : i32
        %dma_wait3A_235 = tpu.memref_slice %arg7[%run_scoped3A_63, %dma_wait3A_234] : memref<6x128xi32, #tpu.memory_space<vmem>> -> memref<1x128xi32, #tpu.memory_space<vmem>>
        %dma_wait3A_236 = tpu.memref_squeeze %dma_wait3A_235 : memref<1x128xi32, #tpu.memory_space<vmem>> -> memref<128xi32, #tpu.memory_space<vmem>>
        %dma_wait3A_237 = tpu.memref_slice %arg4[%mul3A_62] : memref<320000xi32, #tpu.memory_space<hbm>> -> memref<128xi32, #tpu.memory_space<hbm>>
        tpu.wait_dma2 semaphore(%run_scoped3A_222 : memref<!tpu.dma_semaphore, #tpu.memory_space<semaphore_mem>>) src(%dma_wait3A_237 : memref<128xi32, #tpu.memory_space<hbm>>) dst(%dma_wait3A_236 : memref<128xi32, #tpu.memory_space<vmem>>)
        tpu.yield
      }) : () -> ()
      %get3A = arith.constant 0 : i32
      %get3A_64 = arith.index_cast %get3A : i32 to index
      %get3A_65 = arith.constant 0 : index
      %get3A_66 = tpu.vector_load %arg7[%get3A_64, %get3A_65] {strides = array<i32>} : memref<6x128xi32, #tpu.memory_space<vmem>>, vector<1x16xi32>,
      %get3A_67 = vector.shape_cast %get3A_66 : vector<1x16xi32> to vector<16xi32>
      %get3A_68 = arith.constant 1 : i32
      %get3A_69 = arith.index_cast %get3A_68 : i32 to index
      %get3A_70 = arith.constant 0 : index
      %get3A_71 = tpu.vector_load %arg7[%get3A_69, %get3A_70] {strides = array<i32>} : memref<6x128xi32, #tpu.memory_space<vmem>>, vector<1x16xi32>,
      %get3A_72 = vector.shape_cast %get3A_71 : vector<1x16xi32> to vector<16xi32>
      %broadcast_in_dim3A = arith.constant 10000 : i32
      %broadcast_in_dim3A_73 = vector.broadcast %broadcast_in_dim3A : i32 to vector<16xi32>
      %eq3A = arith.cmpi eq, %get3A_67, %get3A_72 : vector<16xi32>
      %select_n3A = arith.select %eq3A, %broadcast_in_dim3A_73, %get3A_67 : vector<16xi1>, vector<16xi32>
      %swap3A = arith.constant 0 : i32
      %swap3A_74 = arith.index_cast %swap3A : i32 to index
      %swap3A_75 = arith.constant 0 : index
      %swap3A_76 = tpu.vector_load %arg7[%swap3A_74, %swap3A_75] {strides = array<i32>} : memref<6x128xi32, #tpu.memory_space<vmem>>, vector<1x16xi32>,
      %swap3A_77 = vector.shape_cast %swap3A_76 : vector<1x16xi32> to vector<16xi32>
      %swap3A_78 = vector.shape_cast %select_n3A : vector<16xi32> to vector<1x16xi32>
      tpu.vector_store %arg7[%swap3A_74, %swap3A_75], %swap3A_78 {strides = array<i32>} : memref<6x128xi32, #tpu.memory_space<vmem>>, vector<1x16xi32>,
      %get3A_79 = arith.constant 0 : i32
      %get3A_80 = arith.index_cast %get3A_79 : i32 to index
      %get3A_81 = arith.constant 16 : index
      %get3A_82 = tpu.vector_load %arg7[%get3A_80, %get3A_81] {strides = array<i32>} : memref<6x128xi32, #tpu.memory_space<vmem>>, vector<1x16xi32>,
      %get3A_83 = vector.shape_cast %get3A_82 : vector<1x16xi32> to vector<16xi32>
      %get3A_84 = arith.constant 1 : i32
      %get3A_85 = arith.index_cast %get3A_84 : i32 to index
      %get3A_86 = arith.constant 16 : index
      %get3A_87 = tpu.vector_load %arg7[%get3A_85, %get3A_86] {strides = array<i32>} : memref<6x128xi32, #tpu.memory_space<vmem>>, vector<1x16xi32>,
      %get3A_88 = vector.shape_cast %get3A_87 : vector<1x16xi32> to vector<16xi32>
      %broadcast_in_dim3A_89 = arith.constant 10000 : i32
      %broadcast_in_dim3A_90 = vector.broadcast %broadcast_in_dim3A_89 : i32 to vector<16xi32>
      %eq3A_91 = arith.cmpi eq, %get3A_83, %get3A_88 : vector<16xi32>
      %select_n3A_92 = arith.select %eq3A_91, %broadcast_in_dim3A_90, %get3A_83 : vector<16xi1>, vector<16xi32>
      %swap3A_93 = arith.constant 0 : i32
      %swap3A_94 = arith.index_cast %swap3A_93 : i32 to index
      %swap3A_95 = arith.constant 16 : index
      %swap3A_96 = tpu.vector_load %arg7[%swap3A_94, %swap3A_95] {strides = array<i32>} : memref<6x128xi32, #tpu.memory_space<vmem>>, vector<1x16xi32>,
      %swap3A_97 = vector.shape_cast %swap3A_96 : vector<1x16xi32> to vector<16xi32>
      %swap3A_98 = vector.shape_cast %select_n3A_92 : vector<16xi32> to vector<1x16xi32>
      tpu.vector_store %arg7[%swap3A_94, %swap3A_95], %swap3A_98 {strides = array<i32>} : memref<6x128xi32, #tpu.memory_space<vmem>>, vector<1x16xi32>,
      %get3A_99 = arith.constant 0 : i32
      %get3A_100 = arith.index_cast %get3A_99 : i32 to index
      %get3A_101 = arith.constant 32 : index
      %get3A_102 = tpu.vector_load %arg7[%get3A_100, %get3A_101] {strides = array<i32>} : memref<6x128xi32, #tpu.memory_space<vmem>>, vector<1x16xi32>,
      %get3A_103 = vector.shape_cast %get3A_102 : vector<1x16xi32> to vector<16xi32>
      %get3A_104 = arith.constant 1 : i32
      %get3A_105 = arith.index_cast %get3A_104 : i32 to index
      %get3A_106 = arith.constant 32 : index
      %get3A_107 = tpu.vector_load %arg7[%get3A_105, %get3A_106] {strides = array<i32>} : memref<6x128xi32, #tpu.memory_space<vmem>>, vector<1x16xi32>,
      %get3A_108 = vector.shape_cast %get3A_107 : vector<1x16xi32> to vector<16xi32>
      %broadcast_in_dim3A_109 = arith.constant 10000 : i32
      %broadcast_in_dim3A_110 = vector.broadcast %broadcast_in_dim3A_109 : i32 to vector<16xi32>
      %eq3A_111 = arith.cmpi eq, %get3A_103, %get3A_108 : vector<16xi32>
      %select_n3A_112 = arith.select %eq3A_111, %broadcast_in_dim3A_110, %get3A_103 : vector<16xi1>, vector<16xi32>
      %swap3A_113 = arith.constant 0 : i32
      %swap3A_114 = arith.index_cast %swap3A_113 : i32 to index
      %swap3A_115 = arith.constant 32 : index
      %swap3A_116 = tpu.vector_load %arg7[%swap3A_114, %swap3A_115] {strides = array<i32>} : memref<6x128xi32, #tpu.memory_space<vmem>>, vector<1x16xi32>,
      %swap3A_117 = vector.shape_cast %swap3A_116 : vector<1x16xi32> to vector<16xi32>
      %swap3A_118 = vector.shape_cast %select_n3A_112 : vector<16xi32> to vector<1x16xi32>
      tpu.vector_store %arg7[%swap3A_114, %swap3A_115], %swap3A_118 {strides = array<i32>} : memref<6x128xi32, #tpu.memory_space<vmem>>, vector<1x16xi32>,
      %get3A_119 = arith.constant 0 : i32
      %get3A_120 = arith.index_cast %get3A_119 : i32 to index
      %get3A_121 = arith.constant 48 : index
      %get3A_122 = tpu.vector_load %arg7[%get3A_120, %get3A_121] {strides = array<i32>} : memref<6x128xi32, #tpu.memory_space<vmem>>, vector<1x16xi32>,
      %get3A_123 = vector.shape_cast %get3A_122 : vector<1x16xi32> to vector<16xi32>
      %get3A_124 = arith.constant 1 : i32
      %get3A_125 = arith.index_cast %get3A_124 : i32 to index
      %get3A_126 = arith.constant 48 : index
      %get3A_127 = tpu.vector_load %arg7[%get3A_125, %get3A_126] {strides = array<i32>} : memref<6x128xi32, #tpu.memory_space<vmem>>, vector<1x16xi32>,
      %get3A_128 = vector.shape_cast %get3A_127 : vector<1x16xi32> to vector<16xi32>
      %broadcast_in_dim3A_129 = arith.constant 10000 : i32
      %broadcast_in_dim3A_130 = vector.broadcast %broadcast_in_dim3A_129 : i32 to vector<16xi32>
      %eq3A_131 = arith.cmpi eq, %get3A_123, %get3A_128 : vector<16xi32>
      %select_n3A_132 = arith.select %eq3A_131, %broadcast_in_dim3A_130, %get3A_123 : vector<16xi1>, vector<16xi32>
      %swap3A_133 = arith.constant 0 : i32
      %swap3A_134 = arith.index_cast %swap3A_133 : i32 to index
      %swap3A_135 = arith.constant 48 : index
      %swap3A_136 = tpu.vector_load %arg7[%swap3A_134, %swap3A_135] {strides = array<i32>} : memref<6x128xi32, #tpu.memory_space<vmem>>, vector<1x16xi32>,
      %swap3A_137 = vector.shape_cast %swap3A_136 : vector<1x16xi32> to vector<16xi32>
      %swap3A_138 = vector.shape_cast %select_n3A_132 : vector<16xi32> to vector<1x16xi32>
      tpu.vector_store %arg7[%swap3A_134, %swap3A_135], %swap3A_138 {strides = array<i32>} : memref<6x128xi32, #tpu.memory_space<vmem>>, vector<1x16xi32>,
      %get3A_139 = arith.constant 0 : i32
      %get3A_140 = arith.index_cast %get3A_139 : i32 to index
      %get3A_141 = arith.constant 64 : index
      %get3A_142 = tpu.vector_load %arg7[%get3A_140, %get3A_141] {strides = array<i32>} : memref<6x128xi32, #tpu.memory_space<vmem>>, vector<1x16xi32>,
      %get3A_143 = vector.shape_cast %get3A_142 : vector<1x16xi32> to vector<16xi32>
      %get3A_144 = arith.constant 1 : i32
      %get3A_145 = arith.index_cast %get3A_144 : i32 to index
      %get3A_146 = arith.constant 64 : index
      %get3A_147 = tpu.vector_load %arg7[%get3A_145, %get3A_146] {strides = array<i32>} : memref<6x128xi32, #tpu.memory_space<vmem>>, vector<1x16xi32>,
      %get3A_148 = vector.shape_cast %get3A_147 : vector<1x16xi32> to vector<16xi32>
      %broadcast_in_dim3A_149 = arith.constant 10000 : i32
      %broadcast_in_dim3A_150 = vector.broadcast %broadcast_in_dim3A_149 : i32 to vector<16xi32>
      %eq3A_151 = arith.cmpi eq, %get3A_143, %get3A_148 : vector<16xi32>
      %select_n3A_152 = arith.select %eq3A_151, %broadcast_in_dim3A_150, %get3A_143 : vector<16xi1>, vector<16xi32>
      %swap3A_153 = arith.constant 0 : i32
      %swap3A_154 = arith.index_cast %swap3A_153 : i32 to index
      %swap3A_155 = arith.constant 64 : index
      %swap3A_156 = tpu.vector_load %arg7[%swap3A_154, %swap3A_155] {strides = array<i32>} : memref<6x128xi32, #tpu.memory_space<vmem>>, vector<1x16xi32>,
      %swap3A_157 = vector.shape_cast %swap3A_156 : vector<1x16xi32> to vector<16xi32>
      %swap3A_158 = vector.shape_cast %select_n3A_152 : vector<16xi32> to vector<1x16xi32>
      tpu.vector_store %arg7[%swap3A_154, %swap3A_155], %swap3A_158 {strides = array<i32>} : memref<6x128xi32, #tpu.memory_space<vmem>>, vector<1x16xi32>,
      %get3A_159 = arith.constant 0 : i32
      %get3A_160 = arith.index_cast %get3A_159 : i32 to index
      %get3A_161 = arith.constant 80 : index
      %get3A_162 = tpu.vector_load %arg7[%get3A_160, %get3A_161] {strides = array<i32>} : memref<6x128xi32, #tpu.memory_space<vmem>>, vector<1x16xi32>,
      %get3A_163 = vector.shape_cast %get3A_162 : vector<1x16xi32> to vector<16xi32>
      %get3A_164 = arith.constant 1 : i32
      %get3A_165 = arith.index_cast %get3A_164 : i32 to index
      %get3A_166 = arith.constant 80 : index
      %get3A_167 = tpu.vector_load %arg7[%get3A_165, %get3A_166] {strides = array<i32>} : memref<6x128xi32, #tpu.memory_space<vmem>>, vector<1x16xi32>,
      %get3A_168 = vector.shape_cast %get3A_167 : vector<1x16xi32> to vector<16xi32>
      %broadcast_in_dim3A_169 = arith.constant 10000 : i32
      %broadcast_in_dim3A_170 = vector.broadcast %broadcast_in_dim3A_169 : i32 to vector<16xi32>
      %eq3A_171 = arith.cmpi eq, %get3A_163, %get3A_168 : vector<16xi32>
      %select_n3A_172 = arith.select %eq3A_171, %broadcast_in_dim3A_170, %get3A_163 : vector<16xi1>, vector<16xi32>
      %swap3A_173 = arith.constant 0 : i32
      %swap3A_174 = arith.index_cast %swap3A_173 : i32 to index
      %swap3A_175 = arith.constant 80 : index
      %swap3A_176 = tpu.vector_load %arg7[%swap3A_174, %swap3A_175] {strides = array<i32>} : memref<6x128xi32, #tpu.memory_space<vmem>>, vector<1x16xi32>,
      %swap3A_177 = vector.shape_cast %swap3A_176 : vector<1x16xi32> to vector<16xi32>
      %swap3A_178 = vector.shape_cast %select_n3A_172 : vector<16xi32> to vector<1x16xi32>
      tpu.vector_store %arg7[%swap3A_174, %swap3A_175], %swap3A_178 {strides = array<i32>} : memref<6x128xi32, #tpu.memory_space<vmem>>, vector<1x16xi32>,
      %get3A_179 = arith.constant 0 : i32
      %get3A_180 = arith.index_cast %get3A_179 : i32 to index
      %get3A_181 = arith.constant 96 : index
      %get3A_182 = tpu.vector_load %arg7[%get3A_180, %get3A_181] {strides = array<i32>} : memref<6x128xi32, #tpu.memory_space<vmem>>, vector<1x16xi32>,
      %get3A_183 = vector.shape_cast %get3A_182 : vector<1x16xi32> to vector<16xi32>
      %get3A_184 = arith.constant 1 : i32
      %get3A_185 = arith.index_cast %get3A_184 : i32 to index
      %get3A_186 = arith.constant 96 : index
      %get3A_187 = tpu.vector_load %arg7[%get3A_185, %get3A_186] {strides = array<i32>} : memref<6x128xi32, #tpu.memory_space<vmem>>, vector<1x16xi32>,
      %get3A_188 = vector.shape_cast %get3A_187 : vector<1x16xi32> to vector<16xi32>
      %broadcast_in_dim3A_189 = arith.constant 10000 : i32
      %broadcast_in_dim3A_190 = vector.broadcast %broadcast_in_dim3A_189 : i32 to vector<16xi32>
      %eq3A_191 = arith.cmpi eq, %get3A_183, %get3A_188 : vector<16xi32>
      %select_n3A_192 = arith.select %eq3A_191, %broadcast_in_dim3A_190, %get3A_183 : vector<16xi1>, vector<16xi32>
      %swap3A_193 = arith.constant 0 : i32
      %swap3A_194 = arith.index_cast %swap3A_193 : i32 to index
      %swap3A_195 = arith.constant 96 : index
      %swap3A_196 = tpu.vector_load %arg7[%swap3A_194, %swap3A_195] {strides = array<i32>} : memref<6x128xi32, #tpu.memory_space<vmem>>, vector<1x16xi32>,
      %swap3A_197 = vector.shape_cast %swap3A_196 : vector<1x16xi32> to vector<16xi32>
      %swap3A_198 = vector.shape_cast %select_n3A_192 : vector<16xi32> to vector<1x16xi32>
      tpu.vector_store %arg7[%swap3A_194, %swap3A_195], %swap3A_198 {strides = array<i32>} : memref<6x128xi32, #tpu.memory_space<vmem>>, vector<1x16xi32>,
      %get3A_199 = arith.constant 0 : i32
      %get3A_200 = arith.index_cast %get3A_199 : i32 to index
      %get3A_201 = arith.constant 112 : index
      %get3A_202 = tpu.vector_load %arg7[%get3A_200, %get3A_201] {strides = array<i32>} : memref<6x128xi32, #tpu.memory_space<vmem>>, vector<1x16xi32>,
      %get3A_203 = vector.shape_cast %get3A_202 : vector<1x16xi32> to vector<16xi32>
      %get3A_204 = arith.constant 1 : i32
      %get3A_205 = arith.index_cast %get3A_204 : i32 to index
      %get3A_206 = arith.constant 112 : index
      %get3A_207 = tpu.vector_load %arg7[%get3A_205, %get3A_206] {strides = array<i32>} : memref<6x128xi32, #tpu.memory_space<vmem>>, vector<1x16xi32>,
      %get3A_208 = vector.shape_cast %get3A_207 : vector<1x16xi32> to vector<16xi32>
      %broadcast_in_dim3A_209 = arith.constant 10000 : i32
      %broadcast_in_dim3A_210 = vector.broadcast %broadcast_in_dim3A_209 : i32 to vector<16xi32>
      %eq3A_211 = arith.cmpi eq, %get3A_203, %get3A_208 : vector<16xi32>
      %select_n3A_212 = arith.select %eq3A_211, %broadcast_in_dim3A_210, %get3A_203 : vector<16xi1>, vector<16xi32>
      %swap3A_213 = arith.constant 0 : i32
      %swap3A_214 = arith.index_cast %swap3A_213 : i32 to index
      %swap3A_215 = arith.constant 112 : index
      %swap3A_216 = tpu.vector_load %arg7[%swap3A_214, %swap3A_215] {strides = array<i32>} : memref<6x128xi32, #tpu.memory_space<vmem>>, vector<1x16xi32>,
      %swap3A_217 = vector.shape_cast %swap3A_216 : vector<1x16xi32> to vector<16xi32>
      %swap3A_218 = vector.shape_cast %select_n3A_212 : vector<16xi32> to vector<1x16xi32>
      tpu.vector_store %arg7[%swap3A_214, %swap3A_215], %swap3A_218 {strides = array<i32>} : memref<6x128xi32, #tpu.memory_space<vmem>>, vector<1x16xi32>,
      %run_scoped3A_219 = arith.constant 0 : i32
      "tpu.region"() ({
        %run_scoped3A_222 = tpu.sem_alloc : memref<!tpu.dma_semaphore, #tpu.memory_space<semaphore_mem>>
        %dma_start3A = arith.constant 0 : i32
        %dma_start3A_223 = arith.constant 0 : i32
        %dma_start3A_224 = tpu.memref_slice %arg8[%run_scoped3A_219, %dma_start3A, %dma_start3A_223] : memref<3x128x128xf32, #tpu.memory_space<vmem>> -> memref<1x128x128xf32, #tpu.memory_space<vmem>>
        %dma_start3A_225 = tpu.memref_squeeze %dma_start3A_224 : memref<1x128x128xf32, #tpu.memory_space<vmem>> -> memref<128x128xf32, #tpu.memory_space<vmem>>
        %dma_start3A_226 = arith.constant 0 : i32
        %dma_start3A_227 = tpu.memref_slice %arg2[%mul3A_62, %dma_start3A_226] : memref<320000x128xf32, #tpu.memory_space<hbm>> -> memref<128x128xf32, #tpu.memory_space<hbm>>
        %dma_start3A_228 = arith.constant 0 : i32
        %dma_start3A_229 = arith.constant 0 : i32
        %dma_start3A_230 = tpu.memref_slice %arg8[%run_scoped3A_219, %dma_start3A_228, %dma_start3A_229] : memref<3x128x128xf32, #tpu.memory_space<vmem>> -> memref<1x128x128xf32, #tpu.memory_space<vmem>>
        %dma_start3A_231 = tpu.memref_squeeze %dma_start3A_230 : memref<1x128x128xf32, #tpu.memory_space<vmem>> -> memref<128x128xf32, #tpu.memory_space<vmem>>
        %dma_start3A_232 = arith.constant 0 : i32
        %dma_start3A_233 = tpu.memref_slice %arg2[%mul3A_62, %dma_start3A_232] : memref<320000x128xf32, #tpu.memory_space<hbm>> -> memref<128x128xf32, #tpu.memory_space<hbm>>
        tpu.enqueue_dma source(%dma_start3A_233 : memref<128x128xf32, #tpu.memory_space<hbm>>) target(%dma_start3A_231 : memref<128x128xf32, #tpu.memory_space<vmem>>) target_semaphore(%run_scoped3A_222 : memref<!tpu.dma_semaphore, #tpu.memory_space<semaphore_mem>>)
        %dma_wait3A_234 = arith.constant 0 : i32
        %dma_wait3A_235 = arith.constant 0 : i32
        %dma_wait3A_236 = tpu.memref_slice %arg8[%run_scoped3A_219, %dma_wait3A_234, %dma_wait3A_235] : memref<3x128x128xf32, #tpu.memory_space<vmem>> -> memref<1x128x128xf32, #tpu.memory_space<vmem>>
        %dma_wait3A_237 = tpu.memref_squeeze %dma_wait3A_236 : memref<1x128x128xf32, #tpu.memory_space<vmem>> -> memref<128x128xf32, #tpu.memory_space<vmem>>
        %dma_wait3A_238 = arith.constant 0 : i32
        %dma_wait3A_239 = tpu.memref_slice %arg2[%mul3A_62, %dma_wait3A_238] : memref<320000x128xf32, #tpu.memory_space<hbm>> -> memref<128x128xf32, #tpu.memory_space<hbm>>
        %dma_wait3A_240 = arith.constant 0 : i32
        %dma_wait3A_241 = arith.constant 0 : i32
        %dma_wait3A_242 = tpu.memref_slice %arg8[%run_scoped3A_219, %dma_wait3A_240, %dma_wait3A_241] : memref<3x128x128xf32, #tpu.memory_space<vmem>> -> memref<1x128x128xf32, #tpu.memory_space<vmem>>
        %dma_wait3A_243 = tpu.memref_squeeze %dma_wait3A_242 : memref<1x128x128xf32, #tpu.memory_space<vmem>> -> memref<128x128xf32, #tpu.memory_space<vmem>>
        %dma_wait3A_244 = arith.constant 0 : i32
        %dma_wait3A_245 = tpu.memref_slice %arg2[%mul3A_62, %dma_wait3A_244] : memref<320000x128xf32, #tpu.memory_space<hbm>> -> memref<128x128xf32, #tpu.memory_space<hbm>>
        tpu.wait_dma2 semaphore(%run_scoped3A_222 : memref<!tpu.dma_semaphore, #tpu.memory_space<semaphore_mem>>) src(%dma_wait3A_245 : memref<128x128xf32, #tpu.memory_space<hbm>>) dst(%dma_wait3A_243 : memref<128x128xf32, #tpu.memory_space<vmem>>)
        tpu.yield
      }) : () -> ()
      %run_scoped3A_220 = arith.constant 0 : i32
      %run_scoped3A_221 = arith.constant 0 : i32
      "tpu.region"() ({
        %run_scoped3A_222 = tpu.sem_alloc : memref<!tpu.dma_semaphore, #tpu.memory_space<semaphore_mem>>
        %dma_start3A = arith.constant 0 : i32
        %dma_start3A_223 = arith.constant 0 : i32
        %dma_start3A_224 = tpu.memref_slice %arg8[%run_scoped3A_220, %dma_start3A, %dma_start3A_223] : memref<3x128x128xf32, #tpu.memory_space<vmem>> -> memref<1x128x128xf32, #tpu.memory_space<vmem>>
        %dma_start3A_225 = tpu.memref_squeeze %dma_start3A_224 : memref<1x128x128xf32, #tpu.memory_space<vmem>> -> memref<128x128xf32, #tpu.memory_space<vmem>>
        %dma_start3A_226 = arith.constant 0 : i32
        %dma_start3A_227 = tpu.memref_slice %arg7[%run_scoped3A_221, %dma_start3A_226] : memref<6x128xi32, #tpu.memory_space<vmem>> -> memref<1x128xi32, #tpu.memory_space<vmem>>
        %dma_start3A_228 = tpu.memref_squeeze %dma_start3A_227 : memref<1x128xi32, #tpu.memory_space<vmem>> -> memref<128xi32, #tpu.memory_space<vmem>>
        %dma_start3A_229 = arith.constant 0 : i32
        %dma_start3A_230 = arith.constant 0 : i32
        %dma_start3A_231 = tpu.memref_slice %arg9[%dma_start3A_229, %dma_start3A_230] : memref<10112x128xf32, #tpu.memory_space<vmem_shared>> -> memref<10112x128xf32, #tpu.memory_space<vmem_shared>>
        tpu.enqueue_indirect_dma source(%dma_start3A_225 : memref<128x128xf32, #tpu.memory_space<vmem>>) target(%dma_start3A_231 : memref<10112x128xf32, #tpu.memory_space<vmem_shared>>) offsets(%dma_start3A_228 : memref<128xi32, #tpu.memory_space<vmem>>) semaphore(%run_scoped3A_222 : memref<!tpu.dma_semaphore, #tpu.memory_space<semaphore_mem>>) {add = true}
        %dma_wait3A_232 = arith.constant 0 : i32
        %dma_wait3A_233 = arith.constant 0 : i32
        %dma_wait3A_234 = tpu.memref_slice %arg8[%run_scoped3A_220, %dma_wait3A_232, %dma_wait3A_233] : memref<3x128x128xf32, #tpu.memory_space<vmem>> -> memref<1x128x128xf32, #tpu.memory_space<vmem>>
        %dma_wait3A_235 = tpu.memref_squeeze %dma_wait3A_234 : memref<1x128x128xf32, #tpu.memory_space<vmem>> -> memref<128x128xf32, #tpu.memory_space<vmem>>
        %dma_wait3A_236 = arith.constant 0 : i32
        %dma_wait3A_237 = tpu.memref_slice %arg7[%run_scoped3A_221, %dma_wait3A_236] : memref<6x128xi32, #tpu.memory_space<vmem>> -> memref<1x128xi32, #tpu.memory_space<vmem>>
        %dma_wait3A_238 = tpu.memref_squeeze %dma_wait3A_237 : memref<1x128xi32, #tpu.memory_space<vmem>> -> memref<128xi32, #tpu.memory_space<vmem>>
        %dma_wait3A_239 = arith.constant 0 : i32
        %dma_wait3A_240 = arith.constant 0 : i32
        %dma_wait3A_241 = tpu.memref_slice %arg9[%dma_wait3A_239, %dma_wait3A_240] : memref<10112x128xf32, #tpu.memory_space<vmem_shared>> -> memref<10112x128xf32, #tpu.memory_space<vmem_shared>>
        tpu.wait_indirect_dma semaphore(%run_scoped3A_222 : memref<!tpu.dma_semaphore, #tpu.memory_space<semaphore_mem>>) src(%dma_wait3A_235 : memref<128x128xf32, #tpu.memory_space<vmem>>) dst(%dma_wait3A_241 : memref<10112x128xf32, #tpu.memory_space<vmem_shared>>)
        tpu.yield
      }) : () -> ()
    } else {
    }
    %barrier3A_52 = arith.constant 0 : index
    tpu.barrier barrier_id(%barrier3A_52)
    %mul3A_53 = arith.constant 632 : i32
    %mul3A_54 = arith.muli %arg1, %mul3A_53 : i32
    %mul3A_55 = arith.constant 632 : i32
    %mul3A_56 = arith.muli %arg1, %mul3A_55 : i32
    "tpu.region"() ({
      %run_scoped3A = tpu.sem_alloc : memref<!tpu.dma_semaphore, #tpu.memory_space<semaphore_mem>>
      %dma_start3A = arith.constant 0 : i32
      %dma_start3A_57 = tpu.memref_slice %arg6[%arg0, %mul3A_56, %dma_start3A] : memref<2x10112x128xf32, #tpu.memory_space<hbm>> -> memref<1x632x128xf32, #tpu.memory_space<hbm>>
      %dma_start3A_58 = tpu.memref_squeeze %dma_start3A_57 : memref<1x632x128xf32, #tpu.memory_space<hbm>> -> memref<632x128xf32, #tpu.memory_space<hbm>>
      %dma_start3A_59 = arith.constant 0 : i32
      %dma_start3A_60 = tpu.memref_slice %arg9[%mul3A_54, %dma_start3A_59] : memref<10112x128xf32, #tpu.memory_space<vmem_shared>> -> memref<632x128xf32, #tpu.memory_space<vmem_shared>>
      tpu.enqueue_dma source(%dma_start3A_60 : memref<632x128xf32, #tpu.memory_space<vmem_shared>>) target(%dma_start3A_58 : memref<632x128xf32, #tpu.memory_space<hbm>>) target_semaphore(%run_scoped3A : memref<!tpu.dma_semaphore, #tpu.memory_space<semaphore_mem>>)
      %dma_wait3A_61 = arith.constant 0 : i32
      %dma_wait3A_62 = tpu.memref_slice %arg6[%arg0, %mul3A_56, %dma_wait3A_61] : memref<2x10112x128xf32, #tpu.memory_space<hbm>> -> memref<1x632x128xf32, #tpu.memory_space<hbm>>
      %dma_wait3A_63 = tpu.memref_squeeze %dma_wait3A_62 : memref<1x632x128xf32, #tpu.memory_space<hbm>> -> memref<632x128xf32, #tpu.memory_space<hbm>>
      %dma_wait3A_64 = arith.constant 0 : i32
      %dma_wait3A_65 = tpu.memref_slice %arg9[%mul3A_54, %dma_wait3A_64] : memref<10112x128xf32, #tpu.memory_space<vmem_shared>> -> memref<632x128xf32, #tpu.memory_space<vmem_shared>>
      tpu.wait_dma2 semaphore(%run_scoped3A : memref<!tpu.dma_semaphore, #tpu.memory_space<semaphore_mem>>) src(%dma_wait3A_65 : memref<632x128xf32, #tpu.memory_space<vmem_shared>>) dst(%dma_wait3A_63 : memref<632x128xf32, #tpu.memory_space<hbm>>)
      tpu.yield
    }) : () -> ()
    return
  }
}

#map = affine_map<(d0, d1) -> (0, 0)>
#map1 = affine_map<(d0, d1) -> (0)>
module attributes {stable_mosaic.version = 14 : i64} {
  func.func @_gather_sc(%arg0: i32, %arg1: i32, %arg2: memref<10000x128xf32, #tpu.memory_space<hbm>>, %arg3: memref<320000xi32, #tpu.memory_space<hbm>>, %arg4: memref<320000x128xf32, #tpu.memory_space<hbm>>, %arg5: memref<6x128xi32, #tpu.memory_space<vmem>>, %arg6: memref<6x128x128xf32, #tpu.memory_space<vmem>>, %arg7: memref<6x!tpu.dma_semaphore, #tpu.memory_space<semaphore_mem>>, %arg8: memref<6x!tpu.dma_semaphore, #tpu.memory_space<semaphore_mem>>, %arg9: memref<6x!tpu.dma_semaphore, #tpu.memory_space<semaphore_mem>>) attributes {dimension_semantics = [#tpu.dimension_semantics<core_parallel>, #tpu.dimension_semantics<subcore_parallel>], iteration_bounds = array<i64: 2, 16>, scalar_prefetch = 0 : i64, scratch_operands = 5 : i64, tpu.core_type = #tpu.core_type<sc_vector_subcore>, window_params = [{transform_indices = #map}, {transform_indices = #map1}, {transform_indices = #map}]} {
    %mul3A = arith.constant 2 : i32
    %mul3A_0 = arith.muli %arg1, %mul3A : i32
    %add3A = arith.addi %mul3A_0, %arg0 : i32
    %scan3A = arith.constant 0 : i32
    %scan3A_1 = arith.constant 0 : i32
    %scan3A_2 = arith.constant 13 : i32
    %scan3A_3 = arith.addi %scan3A_1, %scan3A_2 : i32
    %scan3A_4 = arith.constant 1 : i32
    scf.for %scan3A_115 = %scan3A_1 to %scan3A_3 step %scan3A_4  : i32 {
      %mul3A_116 = arith.constant 6 : i32
      %mul3A_117 = arith.muli %scan3A_115, %mul3A_116 : i32
      %add3A_118 = arith.constant 0 : i32
      %add3A_119 = arith.addi %mul3A_117, %add3A_118 : i32
      %mul3A_120 = arith.constant 32 : i32
      %mul3A_121 = arith.muli %add3A_119, %mul3A_120 : i32
      %add3A_122 = arith.addi %add3A, %mul3A_121 : i32
      %mul3A_123 = arith.constant 128 : i32
      %mul3A_124 = arith.muli %add3A_122, %mul3A_123 : i32
      %dma_start3A = arith.constant 0 : i32
      %dma_start3A_125 = arith.constant 0 : i32
      %dma_start3A_126 = arith.constant 0 : i32
      %dma_start3A_127 = tpu.memref_slice %arg5[%dma_start3A, %dma_start3A_126] : memref<6x128xi32, #tpu.memory_space<vmem>> -> memref<1x128xi32, #tpu.memory_space<vmem>>
      %dma_start3A_128 = tpu.memref_squeeze %dma_start3A_127 : memref<1x128xi32, #tpu.memory_space<vmem>> -> memref<128xi32, #tpu.memory_space<vmem>>
      %dma_start3A_129 = tpu.memref_slice %arg3[%mul3A_124] : memref<320000xi32, #tpu.memory_space<hbm>> -> memref<128xi32, #tpu.memory_space<hbm>>
      %dma_start3A_130 = tpu.memref_slice %arg7[%dma_start3A_125] : memref<6x!tpu.dma_semaphore, #tpu.memory_space<semaphore_mem>> -> memref<1x!tpu.dma_semaphore, #tpu.memory_space<semaphore_mem>>
      %dma_start3A_131 = tpu.memref_squeeze %dma_start3A_130 : memref<1x!tpu.dma_semaphore, #tpu.memory_space<semaphore_mem>> -> memref<!tpu.dma_semaphore, #tpu.memory_space<semaphore_mem>>
      %dma_start3A_132 = arith.constant 0 : i32
      %dma_start3A_133 = tpu.memref_slice %arg5[%dma_start3A, %dma_start3A_132] : memref<6x128xi32, #tpu.memory_space<vmem>> -> memref<1x128xi32, #tpu.memory_space<vmem>>
      %dma_start3A_134 = tpu.memref_squeeze %dma_start3A_133 : memref<1x128xi32, #tpu.memory_space<vmem>> -> memref<128xi32, #tpu.memory_space<vmem>>
      %dma_start3A_135 = tpu.memref_slice %arg3[%mul3A_124] : memref<320000xi32, #tpu.memory_space<hbm>> -> memref<128xi32, #tpu.memory_space<hbm>>
      tpu.enqueue_dma source(%dma_start3A_135 : memref<128xi32, #tpu.memory_space<hbm>>) target(%dma_start3A_134 : memref<128xi32, #tpu.memory_space<vmem>>) target_semaphore(%dma_start3A_131 : memref<!tpu.dma_semaphore, #tpu.memory_space<semaphore_mem>>)
      %mul3A_136 = arith.constant 6 : i32
      %mul3A_137 = arith.muli %scan3A_115, %mul3A_136 : i32
      %add3A_138 = arith.constant 1 : i32
      %add3A_139 = arith.addi %mul3A_137, %add3A_138 : i32
      %mul3A_140 = arith.constant 32 : i32
      %mul3A_141 = arith.muli %add3A_139, %mul3A_140 : i32
      %add3A_142 = arith.addi %add3A, %mul3A_141 : i32
      %mul3A_143 = arith.constant 128 : i32
      %mul3A_144 = arith.muli %add3A_142, %mul3A_143 : i32
      %dma_start3A_145 = arith.constant 1 : i32
      %dma_start3A_146 = arith.constant 1 : i32
      %dma_start3A_147 = arith.constant 0 : i32
      %dma_start3A_148 = tpu.memref_slice %arg5[%dma_start3A_145, %dma_start3A_147] : memref<6x128xi32, #tpu.memory_space<vmem>> -> memref<1x128xi32, #tpu.memory_space<vmem>>
      %dma_start3A_149 = tpu.memref_squeeze %dma_start3A_148 : memref<1x128xi32, #tpu.memory_space<vmem>> -> memref<128xi32, #tpu.memory_space<vmem>>
      %dma_start3A_150 = tpu.memref_slice %arg3[%mul3A_144] : memref<320000xi32, #tpu.memory_space<hbm>> -> memref<128xi32, #tpu.memory_space<hbm>>
      %dma_start3A_151 = tpu.memref_slice %arg7[%dma_start3A_146] : memref<6x!tpu.dma_semaphore, #tpu.memory_space<semaphore_mem>> -> memref<1x!tpu.dma_semaphore, #tpu.memory_space<semaphore_mem>>
      %dma_start3A_152 = tpu.memref_squeeze %dma_start3A_151 : memref<1x!tpu.dma_semaphore, #tpu.memory_space<semaphore_mem>> -> memref<!tpu.dma_semaphore, #tpu.memory_space<semaphore_mem>>
      %dma_start3A_153 = arith.constant 0 : i32
      %dma_start3A_154 = tpu.memref_slice %arg5[%dma_start3A_145, %dma_start3A_153] : memref<6x128xi32, #tpu.memory_space<vmem>> -> memref<1x128xi32, #tpu.memory_space<vmem>>
      %dma_start3A_155 = tpu.memref_squeeze %dma_start3A_154 : memref<1x128xi32, #tpu.memory_space<vmem>> -> memref<128xi32, #tpu.memory_space<vmem>>
      %dma_start3A_156 = tpu.memref_slice %arg3[%mul3A_144] : memref<320000xi32, #tpu.memory_space<hbm>> -> memref<128xi32, #tpu.memory_space<hbm>>
      tpu.enqueue_dma source(%dma_start3A_156 : memref<128xi32, #tpu.memory_space<hbm>>) target(%dma_start3A_155 : memref<128xi32, #tpu.memory_space<vmem>>) target_semaphore(%dma_start3A_152 : memref<!tpu.dma_semaphore, #tpu.memory_space<semaphore_mem>>)
      %mul3A_157 = arith.constant 6 : i32
      %mul3A_158 = arith.muli %scan3A_115, %mul3A_157 : i32
      %add3A_159 = arith.constant 2 : i32
      %add3A_160 = arith.addi %mul3A_158, %add3A_159 : i32
      %mul3A_161 = arith.constant 32 : i32
      %mul3A_162 = arith.muli %add3A_160, %mul3A_161 : i32
      %add3A_163 = arith.addi %add3A, %mul3A_162 : i32
      %mul3A_164 = arith.constant 128 : i32
      %mul3A_165 = arith.muli %add3A_163, %mul3A_164 : i32
      %dma_start3A_166 = arith.constant 2 : i32
      %dma_start3A_167 = arith.constant 2 : i32
      %dma_start3A_168 = arith.constant 0 : i32
      %dma_start3A_169 = tpu.memref_slice %arg5[%dma_start3A_166, %dma_start3A_168] : memref<6x128xi32, #tpu.memory_space<vmem>> -> memref<1x128xi32, #tpu.memory_space<vmem>>
      %dma_start3A_170 = tpu.memref_squeeze %dma_start3A_169 : memref<1x128xi32, #tpu.memory_space<vmem>> -> memref<128xi32, #tpu.memory_space<vmem>>
      %dma_start3A_171 = tpu.memref_slice %arg3[%mul3A_165] : memref<320000xi32, #tpu.memory_space<hbm>> -> memref<128xi32, #tpu.memory_space<hbm>>
      %dma_start3A_172 = tpu.memref_slice %arg7[%dma_start3A_167] : memref<6x!tpu.dma_semaphore, #tpu.memory_space<semaphore_mem>> -> memref<1x!tpu.dma_semaphore, #tpu.memory_space<semaphore_mem>>
      %dma_start3A_173 = tpu.memref_squeeze %dma_start3A_172 : memref<1x!tpu.dma_semaphore, #tpu.memory_space<semaphore_mem>> -> memref<!tpu.dma_semaphore, #tpu.memory_space<semaphore_mem>>
      %dma_start3A_174 = arith.constant 0 : i32
      %dma_start3A_175 = tpu.memref_slice %arg5[%dma_start3A_166, %dma_start3A_174] : memref<6x128xi32, #tpu.memory_space<vmem>> -> memref<1x128xi32, #tpu.memory_space<vmem>>
      %dma_start3A_176 = tpu.memref_squeeze %dma_start3A_175 : memref<1x128xi32, #tpu.memory_space<vmem>> -> memref<128xi32, #tpu.memory_space<vmem>>
      %dma_start3A_177 = tpu.memref_slice %arg3[%mul3A_165] : memref<320000xi32, #tpu.memory_space<hbm>> -> memref<128xi32, #tpu.memory_space<hbm>>
      tpu.enqueue_dma source(%dma_start3A_177 : memref<128xi32, #tpu.memory_space<hbm>>) target(%dma_start3A_176 : memref<128xi32, #tpu.memory_space<vmem>>) target_semaphore(%dma_start3A_173 : memref<!tpu.dma_semaphore, #tpu.memory_space<semaphore_mem>>)
      %mul3A_178 = arith.constant 6 : i32
      %mul3A_179 = arith.muli %scan3A_115, %mul3A_178 : i32
      %add3A_180 = arith.constant 3 : i32
      %add3A_181 = arith.addi %mul3A_179, %add3A_180 : i32
      %mul3A_182 = arith.constant 32 : i32
      %mul3A_183 = arith.muli %add3A_181, %mul3A_182 : i32
      %add3A_184 = arith.addi %add3A, %mul3A_183 : i32
      %mul3A_185 = arith.constant 128 : i32
      %mul3A_186 = arith.muli %add3A_184, %mul3A_185 : i32
      %dma_start3A_187 = arith.constant 3 : i32
      %dma_start3A_188 = arith.constant 3 : i32
      %dma_start3A_189 = arith.constant 0 : i32
      %dma_start3A_190 = tpu.memref_slice %arg5[%dma_start3A_187, %dma_start3A_189] : memref<6x128xi32, #tpu.memory_space<vmem>> -> memref<1x128xi32, #tpu.memory_space<vmem>>
      %dma_start3A_191 = tpu.memref_squeeze %dma_start3A_190 : memref<1x128xi32, #tpu.memory_space<vmem>> -> memref<128xi32, #tpu.memory_space<vmem>>
      %dma_start3A_192 = tpu.memref_slice %arg3[%mul3A_186] : memref<320000xi32, #tpu.memory_space<hbm>> -> memref<128xi32, #tpu.memory_space<hbm>>
      %dma_start3A_193 = tpu.memref_slice %arg7[%dma_start3A_188] : memref<6x!tpu.dma_semaphore, #tpu.memory_space<semaphore_mem>> -> memref<1x!tpu.dma_semaphore, #tpu.memory_space<semaphore_mem>>
      %dma_start3A_194 = tpu.memref_squeeze %dma_start3A_193 : memref<1x!tpu.dma_semaphore, #tpu.memory_space<semaphore_mem>> -> memref<!tpu.dma_semaphore, #tpu.memory_space<semaphore_mem>>
      %dma_start3A_195 = arith.constant 0 : i32
      %dma_start3A_196 = tpu.memref_slice %arg5[%dma_start3A_187, %dma_start3A_195] : memref<6x128xi32, #tpu.memory_space<vmem>> -> memref<1x128xi32, #tpu.memory_space<vmem>>
      %dma_start3A_197 = tpu.memref_squeeze %dma_start3A_196 : memref<1x128xi32, #tpu.memory_space<vmem>> -> memref<128xi32, #tpu.memory_space<vmem>>
      %dma_start3A_198 = tpu.memref_slice %arg3[%mul3A_186] : memref<320000xi32, #tpu.memory_space<hbm>> -> memref<128xi32, #tpu.memory_space<hbm>>
      tpu.enqueue_dma source(%dma_start3A_198 : memref<128xi32, #tpu.memory_space<hbm>>) target(%dma_start3A_197 : memref<128xi32, #tpu.memory_space<vmem>>) target_semaphore(%dma_start3A_194 : memref<!tpu.dma_semaphore, #tpu.memory_space<semaphore_mem>>)
      %mul3A_199 = arith.constant 6 : i32
      %mul3A_200 = arith.muli %scan3A_115, %mul3A_199 : i32
      %add3A_201 = arith.constant 4 : i32
      %add3A_202 = arith.addi %mul3A_200, %add3A_201 : i32
      %mul3A_203 = arith.constant 32 : i32
      %mul3A_204 = arith.muli %add3A_202, %mul3A_203 : i32
      %add3A_205 = arith.addi %add3A, %mul3A_204 : i32
      %mul3A_206 = arith.constant 128 : i32
      %mul3A_207 = arith.muli %add3A_205, %mul3A_206 : i32
      %dma_start3A_208 = arith.constant 4 : i32
      %dma_start3A_209 = arith.constant 4 : i32
      %dma_start3A_210 = arith.constant 0 : i32
      %dma_start3A_211 = tpu.memref_slice %arg5[%dma_start3A_208, %dma_start3A_210] : memref<6x128xi32, #tpu.memory_space<vmem>> -> memref<1x128xi32, #tpu.memory_space<vmem>>
      %dma_start3A_212 = tpu.memref_squeeze %dma_start3A_211 : memref<1x128xi32, #tpu.memory_space<vmem>> -> memref<128xi32, #tpu.memory_space<vmem>>
      %dma_start3A_213 = tpu.memref_slice %arg3[%mul3A_207] : memref<320000xi32, #tpu.memory_space<hbm>> -> memref<128xi32, #tpu.memory_space<hbm>>
      %dma_start3A_214 = tpu.memref_slice %arg7[%dma_start3A_209] : memref<6x!tpu.dma_semaphore, #tpu.memory_space<semaphore_mem>> -> memref<1x!tpu.dma_semaphore, #tpu.memory_space<semaphore_mem>>
      %dma_start3A_215 = tpu.memref_squeeze %dma_start3A_214 : memref<1x!tpu.dma_semaphore, #tpu.memory_space<semaphore_mem>> -> memref<!tpu.dma_semaphore, #tpu.memory_space<semaphore_mem>>
      %dma_start3A_216 = arith.constant 0 : i32
      %dma_start3A_217 = tpu.memref_slice %arg5[%dma_start3A_208, %dma_start3A_216] : memref<6x128xi32, #tpu.memory_space<vmem>> -> memref<1x128xi32, #tpu.memory_space<vmem>>
      %dma_start3A_218 = tpu.memref_squeeze %dma_start3A_217 : memref<1x128xi32, #tpu.memory_space<vmem>> -> memref<128xi32, #tpu.memory_space<vmem>>
      %dma_start3A_219 = tpu.memref_slice %arg3[%mul3A_207] : memref<320000xi32, #tpu.memory_space<hbm>> -> memref<128xi32, #tpu.memory_space<hbm>>
      tpu.enqueue_dma source(%dma_start3A_219 : memref<128xi32, #tpu.memory_space<hbm>>) target(%dma_start3A_218 : memref<128xi32, #tpu.memory_space<vmem>>) target_semaphore(%dma_start3A_215 : memref<!tpu.dma_semaphore, #tpu.memory_space<semaphore_mem>>)
      %mul3A_220 = arith.constant 6 : i32
      %mul3A_221 = arith.muli %scan3A_115, %mul3A_220 : i32
      %add3A_222 = arith.constant 5 : i32
      %add3A_223 = arith.addi %mul3A_221, %add3A_222 : i32
      %mul3A_224 = arith.constant 32 : i32
      %mul3A_225 = arith.muli %add3A_223, %mul3A_224 : i32
      %add3A_226 = arith.addi %add3A, %mul3A_225 : i32
      %mul3A_227 = arith.constant 128 : i32
      %mul3A_228 = arith.muli %add3A_226, %mul3A_227 : i32
      %dma_start3A_229 = arith.constant 5 : i32
      %dma_start3A_230 = arith.constant 5 : i32
      %dma_start3A_231 = arith.constant 0 : i32
      %dma_start3A_232 = tpu.memref_slice %arg5[%dma_start3A_229, %dma_start3A_231] : memref<6x128xi32, #tpu.memory_space<vmem>> -> memref<1x128xi32, #tpu.memory_space<vmem>>
      %dma_start3A_233 = tpu.memref_squeeze %dma_start3A_232 : memref<1x128xi32, #tpu.memory_space<vmem>> -> memref<128xi32, #tpu.memory_space<vmem>>
      %dma_start3A_234 = tpu.memref_slice %arg3[%mul3A_228] : memref<320000xi32, #tpu.memory_space<hbm>> -> memref<128xi32, #tpu.memory_space<hbm>>
      %dma_start3A_235 = tpu.memref_slice %arg7[%dma_start3A_230] : memref<6x!tpu.dma_semaphore, #tpu.memory_space<semaphore_mem>> -> memref<1x!tpu.dma_semaphore, #tpu.memory_space<semaphore_mem>>
      %dma_start3A_236 = tpu.memref_squeeze %dma_start3A_235 : memref<1x!tpu.dma_semaphore, #tpu.memory_space<semaphore_mem>> -> memref<!tpu.dma_semaphore, #tpu.memory_space<semaphore_mem>>
      %dma_start3A_237 = arith.constant 0 : i32
      %dma_start3A_238 = tpu.memref_slice %arg5[%dma_start3A_229, %dma_start3A_237] : memref<6x128xi32, #tpu.memory_space<vmem>> -> memref<1x128xi32, #tpu.memory_space<vmem>>
      %dma_start3A_239 = tpu.memref_squeeze %dma_start3A_238 : memref<1x128xi32, #tpu.memory_space<vmem>> -> memref<128xi32, #tpu.memory_space<vmem>>
      %dma_start3A_240 = tpu.memref_slice %arg3[%mul3A_228] : memref<320000xi32, #tpu.memory_space<hbm>> -> memref<128xi32, #tpu.memory_space<hbm>>
      tpu.enqueue_dma source(%dma_start3A_240 : memref<128xi32, #tpu.memory_space<hbm>>) target(%dma_start3A_239 : memref<128xi32, #tpu.memory_space<vmem>>) target_semaphore(%dma_start3A_236 : memref<!tpu.dma_semaphore, #tpu.memory_space<semaphore_mem>>)
      %gt3A = arith.constant 0 : i32
      %gt3A_241 = arith.cmpi sgt, %scan3A_115, %gt3A : i32
      %convert_element_type3A_242 = arith.extui %gt3A_241 : i1 to i32
      %cond3A_243 = arith.constant 0 : i32
      %cond3A_244 = arith.cmpi ne, %convert_element_type3A_242, %cond3A_243 : i32
      scf.if %cond3A_244 {
        %dma_wait3A_684 = arith.constant 0 : i32
        %dma_wait3A_685 = arith.constant 0 : i32
        %dma_wait3A_686 = arith.constant 0 : i32
        %dma_wait3A_687 = arith.constant 0 : i32
        %dma_wait3A_688 = tpu.memref_slice %arg6[%dma_wait3A_684, %dma_wait3A_686, %dma_wait3A_687] : memref<6x128x128xf32, #tpu.memory_space<vmem>> -> memref<1x128x128xf32, #tpu.memory_space<vmem>>
        %dma_wait3A_689 = tpu.memref_squeeze %dma_wait3A_688 : memref<1x128x128xf32, #tpu.memory_space<vmem>> -> memref<128x128xf32, #tpu.memory_space<vmem>>
        %dma_wait3A_690 = arith.constant 0 : i32
        %dma_wait3A_691 = arith.constant 0 : i32
        %dma_wait3A_692 = tpu.memref_slice %arg4[%dma_wait3A_690, %dma_wait3A_691] : memref<320000x128xf32, #tpu.memory_space<hbm>> -> memref<128x128xf32, #tpu.memory_space<hbm>>
        %dma_wait3A_693 = tpu.memref_slice %arg9[%dma_wait3A_685] : memref<6x!tpu.dma_semaphore, #tpu.memory_space<semaphore_mem>> -> memref<1x!tpu.dma_semaphore, #tpu.memory_space<semaphore_mem>>
        %dma_wait3A_694 = tpu.memref_squeeze %dma_wait3A_693 : memref<1x!tpu.dma_semaphore, #tpu.memory_space<semaphore_mem>> -> memref<!tpu.dma_semaphore, #tpu.memory_space<semaphore_mem>>
        %dma_wait3A_695 = arith.constant 0 : i32
        %dma_wait3A_696 = arith.constant 0 : i32
        %dma_wait3A_697 = tpu.memref_slice %arg4[%dma_wait3A_695, %dma_wait3A_696] : memref<320000x128xf32, #tpu.memory_space<hbm>> -> memref<128x128xf32, #tpu.memory_space<hbm>>
        %dma_wait3A_698 = arith.constant 0 : i32
        %dma_wait3A_699 = arith.constant 0 : i32
        %dma_wait3A_700 = tpu.memref_slice %arg6[%dma_wait3A_684, %dma_wait3A_698, %dma_wait3A_699] : memref<6x128x128xf32, #tpu.memory_space<vmem>> -> memref<1x128x128xf32, #tpu.memory_space<vmem>>
        %dma_wait3A_701 = tpu.memref_squeeze %dma_wait3A_700 : memref<1x128x128xf32, #tpu.memory_space<vmem>> -> memref<128x128xf32, #tpu.memory_space<vmem>>
        tpu.wait_dma2 semaphore(%dma_wait3A_694 : memref<!tpu.dma_semaphore, #tpu.memory_space<semaphore_mem>>) src(%dma_wait3A_701 : memref<128x128xf32, #tpu.memory_space<vmem>>) dst(%dma_wait3A_697 : memref<128x128xf32, #tpu.memory_space<hbm>>)
      } else {
      }
      %gt3A_245 = arith.constant 0 : i32
      %gt3A_246 = arith.cmpi sgt, %scan3A_115, %gt3A_245 : i32
      %convert_element_type3A_247 = arith.extui %gt3A_246 : i1 to i32
      %cond3A_248 = arith.constant 0 : i32
      %cond3A_249 = arith.cmpi ne, %convert_element_type3A_247, %cond3A_248 : i32
      scf.if %cond3A_249 {
        %dma_wait3A_684 = arith.constant 1 : i32
        %dma_wait3A_685 = arith.constant 1 : i32
        %dma_wait3A_686 = arith.constant 0 : i32
        %dma_wait3A_687 = arith.constant 0 : i32
        %dma_wait3A_688 = tpu.memref_slice %arg6[%dma_wait3A_684, %dma_wait3A_686, %dma_wait3A_687] : memref<6x128x128xf32, #tpu.memory_space<vmem>> -> memref<1x128x128xf32, #tpu.memory_space<vmem>>
        %dma_wait3A_689 = tpu.memref_squeeze %dma_wait3A_688 : memref<1x128x128xf32, #tpu.memory_space<vmem>> -> memref<128x128xf32, #tpu.memory_space<vmem>>
        %dma_wait3A_690 = arith.constant 0 : i32
        %dma_wait3A_691 = arith.constant 0 : i32
        %dma_wait3A_692 = tpu.memref_slice %arg4[%dma_wait3A_690, %dma_wait3A_691] : memref<320000x128xf32, #tpu.memory_space<hbm>> -> memref<128x128xf32, #tpu.memory_space<hbm>>
        %dma_wait3A_693 = tpu.memref_slice %arg9[%dma_wait3A_685] : memref<6x!tpu.dma_semaphore, #tpu.memory_space<semaphore_mem>> -> memref<1x!tpu.dma_semaphore, #tpu.memory_space<semaphore_mem>>
        %dma_wait3A_694 = tpu.memref_squeeze %dma_wait3A_693 : memref<1x!tpu.dma_semaphore, #tpu.memory_space<semaphore_mem>> -> memref<!tpu.dma_semaphore, #tpu.memory_space<semaphore_mem>>
        %dma_wait3A_695 = arith.constant 0 : i32
        %dma_wait3A_696 = arith.constant 0 : i32
        %dma_wait3A_697 = tpu.memref_slice %arg4[%dma_wait3A_695, %dma_wait3A_696] : memref<320000x128xf32, #tpu.memory_space<hbm>> -> memref<128x128xf32, #tpu.memory_space<hbm>>
        %dma_wait3A_698 = arith.constant 0 : i32
        %dma_wait3A_699 = arith.constant 0 : i32
        %dma_wait3A_700 = tpu.memref_slice %arg6[%dma_wait3A_684, %dma_wait3A_698, %dma_wait3A_699] : memref<6x128x128xf32, #tpu.memory_space<vmem>> -> memref<1x128x128xf32, #tpu.memory_space<vmem>>
        %dma_wait3A_701 = tpu.memref_squeeze %dma_wait3A_700 : memref<1x128x128xf32, #tpu.memory_space<vmem>> -> memref<128x128xf32, #tpu.memory_space<vmem>>
        tpu.wait_dma2 semaphore(%dma_wait3A_694 : memref<!tpu.dma_semaphore, #tpu.memory_space<semaphore_mem>>) src(%dma_wait3A_701 : memref<128x128xf32, #tpu.memory_space<vmem>>) dst(%dma_wait3A_697 : memref<128x128xf32, #tpu.memory_space<hbm>>)
      } else {
      }
      %gt3A_250 = arith.constant 0 : i32
      %gt3A_251 = arith.cmpi sgt, %scan3A_115, %gt3A_250 : i32
      %convert_element_type3A_252 = arith.extui %gt3A_251 : i1 to i32
      %cond3A_253 = arith.constant 0 : i32
      %cond3A_254 = arith.cmpi ne, %convert_element_type3A_252, %cond3A_253 : i32
      scf.if %cond3A_254 {
        %dma_wait3A_684 = arith.constant 2 : i32
        %dma_wait3A_685 = arith.constant 2 : i32
        %dma_wait3A_686 = arith.constant 0 : i32
        %dma_wait3A_687 = arith.constant 0 : i32
        %dma_wait3A_688 = tpu.memref_slice %arg6[%dma_wait3A_684, %dma_wait3A_686, %dma_wait3A_687] : memref<6x128x128xf32, #tpu.memory_space<vmem>> -> memref<1x128x128xf32, #tpu.memory_space<vmem>>
        %dma_wait3A_689 = tpu.memref_squeeze %dma_wait3A_688 : memref<1x128x128xf32, #tpu.memory_space<vmem>> -> memref<128x128xf32, #tpu.memory_space<vmem>>
        %dma_wait3A_690 = arith.constant 0 : i32
        %dma_wait3A_691 = arith.constant 0 : i32
        %dma_wait3A_692 = tpu.memref_slice %arg4[%dma_wait3A_690, %dma_wait3A_691] : memref<320000x128xf32, #tpu.memory_space<hbm>> -> memref<128x128xf32, #tpu.memory_space<hbm>>
        %dma_wait3A_693 = tpu.memref_slice %arg9[%dma_wait3A_685] : memref<6x!tpu.dma_semaphore, #tpu.memory_space<semaphore_mem>> -> memref<1x!tpu.dma_semaphore, #tpu.memory_space<semaphore_mem>>
        %dma_wait3A_694 = tpu.memref_squeeze %dma_wait3A_693 : memref<1x!tpu.dma_semaphore, #tpu.memory_space<semaphore_mem>> -> memref<!tpu.dma_semaphore, #tpu.memory_space<semaphore_mem>>
        %dma_wait3A_695 = arith.constant 0 : i32
        %dma_wait3A_696 = arith.constant 0 : i32
        %dma_wait3A_697 = tpu.memref_slice %arg4[%dma_wait3A_695, %dma_wait3A_696] : memref<320000x128xf32, #tpu.memory_space<hbm>> -> memref<128x128xf32, #tpu.memory_space<hbm>>
        %dma_wait3A_698 = arith.constant 0 : i32
        %dma_wait3A_699 = arith.constant 0 : i32
        %dma_wait3A_700 = tpu.memref_slice %arg6[%dma_wait3A_684, %dma_wait3A_698, %dma_wait3A_699] : memref<6x128x128xf32, #tpu.memory_space<vmem>> -> memref<1x128x128xf32, #tpu.memory_space<vmem>>
        %dma_wait3A_701 = tpu.memref_squeeze %dma_wait3A_700 : memref<1x128x128xf32, #tpu.memory_space<vmem>> -> memref<128x128xf32, #tpu.memory_space<vmem>>
        tpu.wait_dma2 semaphore(%dma_wait3A_694 : memref<!tpu.dma_semaphore, #tpu.memory_space<semaphore_mem>>) src(%dma_wait3A_701 : memref<128x128xf32, #tpu.memory_space<vmem>>) dst(%dma_wait3A_697 : memref<128x128xf32, #tpu.memory_space<hbm>>)
      } else {
      }
      %gt3A_255 = arith.constant 0 : i32
      %gt3A_256 = arith.cmpi sgt, %scan3A_115, %gt3A_255 : i32
      %convert_element_type3A_257 = arith.extui %gt3A_256 : i1 to i32
      %cond3A_258 = arith.constant 0 : i32
      %cond3A_259 = arith.cmpi ne, %convert_element_type3A_257, %cond3A_258 : i32
      scf.if %cond3A_259 {
        %dma_wait3A_684 = arith.constant 3 : i32
        %dma_wait3A_685 = arith.constant 3 : i32
        %dma_wait3A_686 = arith.constant 0 : i32
        %dma_wait3A_687 = arith.constant 0 : i32
        %dma_wait3A_688 = tpu.memref_slice %arg6[%dma_wait3A_684, %dma_wait3A_686, %dma_wait3A_687] : memref<6x128x128xf32, #tpu.memory_space<vmem>> -> memref<1x128x128xf32, #tpu.memory_space<vmem>>
        %dma_wait3A_689 = tpu.memref_squeeze %dma_wait3A_688 : memref<1x128x128xf32, #tpu.memory_space<vmem>> -> memref<128x128xf32, #tpu.memory_space<vmem>>
        %dma_wait3A_690 = arith.constant 0 : i32
        %dma_wait3A_691 = arith.constant 0 : i32
        %dma_wait3A_692 = tpu.memref_slice %arg4[%dma_wait3A_690, %dma_wait3A_691] : memref<320000x128xf32, #tpu.memory_space<hbm>> -> memref<128x128xf32, #tpu.memory_space<hbm>>
        %dma_wait3A_693 = tpu.memref_slice %arg9[%dma_wait3A_685] : memref<6x!tpu.dma_semaphore, #tpu.memory_space<semaphore_mem>> -> memref<1x!tpu.dma_semaphore, #tpu.memory_space<semaphore_mem>>
        %dma_wait3A_694 = tpu.memref_squeeze %dma_wait3A_693 : memref<1x!tpu.dma_semaphore, #tpu.memory_space<semaphore_mem>> -> memref<!tpu.dma_semaphore, #tpu.memory_space<semaphore_mem>>
        %dma_wait3A_695 = arith.constant 0 : i32
        %dma_wait3A_696 = arith.constant 0 : i32
        %dma_wait3A_697 = tpu.memref_slice %arg4[%dma_wait3A_695, %dma_wait3A_696] : memref<320000x128xf32, #tpu.memory_space<hbm>> -> memref<128x128xf32, #tpu.memory_space<hbm>>
        %dma_wait3A_698 = arith.constant 0 : i32
        %dma_wait3A_699 = arith.constant 0 : i32
        %dma_wait3A_700 = tpu.memref_slice %arg6[%dma_wait3A_684, %dma_wait3A_698, %dma_wait3A_699] : memref<6x128x128xf32, #tpu.memory_space<vmem>> -> memref<1x128x128xf32, #tpu.memory_space<vmem>>
        %dma_wait3A_701 = tpu.memref_squeeze %dma_wait3A_700 : memref<1x128x128xf32, #tpu.memory_space<vmem>> -> memref<128x128xf32, #tpu.memory_space<vmem>>
        tpu.wait_dma2 semaphore(%dma_wait3A_694 : memref<!tpu.dma_semaphore, #tpu.memory_space<semaphore_mem>>) src(%dma_wait3A_701 : memref<128x128xf32, #tpu.memory_space<vmem>>) dst(%dma_wait3A_697 : memref<128x128xf32, #tpu.memory_space<hbm>>)
      } else {
      }
      %gt3A_260 = arith.constant 0 : i32
      %gt3A_261 = arith.cmpi sgt, %scan3A_115, %gt3A_260 : i32
      %convert_element_type3A_262 = arith.extui %gt3A_261 : i1 to i32
      %cond3A_263 = arith.constant 0 : i32
      %cond3A_264 = arith.cmpi ne, %convert_element_type3A_262, %cond3A_263 : i32
      scf.if %cond3A_264 {
        %dma_wait3A_684 = arith.constant 4 : i32
        %dma_wait3A_685 = arith.constant 4 : i32
        %dma_wait3A_686 = arith.constant 0 : i32
        %dma_wait3A_687 = arith.constant 0 : i32
        %dma_wait3A_688 = tpu.memref_slice %arg6[%dma_wait3A_684, %dma_wait3A_686, %dma_wait3A_687] : memref<6x128x128xf32, #tpu.memory_space<vmem>> -> memref<1x128x128xf32, #tpu.memory_space<vmem>>
        %dma_wait3A_689 = tpu.memref_squeeze %dma_wait3A_688 : memref<1x128x128xf32, #tpu.memory_space<vmem>> -> memref<128x128xf32, #tpu.memory_space<vmem>>
        %dma_wait3A_690 = arith.constant 0 : i32
        %dma_wait3A_691 = arith.constant 0 : i32
        %dma_wait3A_692 = tpu.memref_slice %arg4[%dma_wait3A_690, %dma_wait3A_691] : memref<320000x128xf32, #tpu.memory_space<hbm>> -> memref<128x128xf32, #tpu.memory_space<hbm>>
        %dma_wait3A_693 = tpu.memref_slice %arg9[%dma_wait3A_685] : memref<6x!tpu.dma_semaphore, #tpu.memory_space<semaphore_mem>> -> memref<1x!tpu.dma_semaphore, #tpu.memory_space<semaphore_mem>>
        %dma_wait3A_694 = tpu.memref_squeeze %dma_wait3A_693 : memref<1x!tpu.dma_semaphore, #tpu.memory_space<semaphore_mem>> -> memref<!tpu.dma_semaphore, #tpu.memory_space<semaphore_mem>>
        %dma_wait3A_695 = arith.constant 0 : i32
        %dma_wait3A_696 = arith.constant 0 : i32
        %dma_wait3A_697 = tpu.memref_slice %arg4[%dma_wait3A_695, %dma_wait3A_696] : memref<320000x128xf32, #tpu.memory_space<hbm>> -> memref<128x128xf32, #tpu.memory_space<hbm>>
        %dma_wait3A_698 = arith.constant 0 : i32
        %dma_wait3A_699 = arith.constant 0 : i32
        %dma_wait3A_700 = tpu.memref_slice %arg6[%dma_wait3A_684, %dma_wait3A_698, %dma_wait3A_699] : memref<6x128x128xf32, #tpu.memory_space<vmem>> -> memref<1x128x128xf32, #tpu.memory_space<vmem>>
        %dma_wait3A_701 = tpu.memref_squeeze %dma_wait3A_700 : memref<1x128x128xf32, #tpu.memory_space<vmem>> -> memref<128x128xf32, #tpu.memory_space<vmem>>
        tpu.wait_dma2 semaphore(%dma_wait3A_694 : memref<!tpu.dma_semaphore, #tpu.memory_space<semaphore_mem>>) src(%dma_wait3A_701 : memref<128x128xf32, #tpu.memory_space<vmem>>) dst(%dma_wait3A_697 : memref<128x128xf32, #tpu.memory_space<hbm>>)
      } else {
      }
      %gt3A_265 = arith.constant 0 : i32
      %gt3A_266 = arith.cmpi sgt, %scan3A_115, %gt3A_265 : i32
      %convert_element_type3A_267 = arith.extui %gt3A_266 : i1 to i32
      %cond3A_268 = arith.constant 0 : i32
      %cond3A_269 = arith.cmpi ne, %convert_element_type3A_267, %cond3A_268 : i32
      scf.if %cond3A_269 {
        %dma_wait3A_684 = arith.constant 5 : i32
        %dma_wait3A_685 = arith.constant 5 : i32
        %dma_wait3A_686 = arith.constant 0 : i32
        %dma_wait3A_687 = arith.constant 0 : i32
        %dma_wait3A_688 = tpu.memref_slice %arg6[%dma_wait3A_684, %dma_wait3A_686, %dma_wait3A_687] : memref<6x128x128xf32, #tpu.memory_space<vmem>> -> memref<1x128x128xf32, #tpu.memory_space<vmem>>
        %dma_wait3A_689 = tpu.memref_squeeze %dma_wait3A_688 : memref<1x128x128xf32, #tpu.memory_space<vmem>> -> memref<128x128xf32, #tpu.memory_space<vmem>>
        %dma_wait3A_690 = arith.constant 0 : i32
        %dma_wait3A_691 = arith.constant 0 : i32
        %dma_wait3A_692 = tpu.memref_slice %arg4[%dma_wait3A_690, %dma_wait3A_691] : memref<320000x128xf32, #tpu.memory_space<hbm>> -> memref<128x128xf32, #tpu.memory_space<hbm>>
        %dma_wait3A_693 = tpu.memref_slice %arg9[%dma_wait3A_685] : memref<6x!tpu.dma_semaphore, #tpu.memory_space<semaphore_mem>> -> memref<1x!tpu.dma_semaphore, #tpu.memory_space<semaphore_mem>>
        %dma_wait3A_694 = tpu.memref_squeeze %dma_wait3A_693 : memref<1x!tpu.dma_semaphore, #tpu.memory_space<semaphore_mem>> -> memref<!tpu.dma_semaphore, #tpu.memory_space<semaphore_mem>>
        %dma_wait3A_695 = arith.constant 0 : i32
        %dma_wait3A_696 = arith.constant 0 : i32
        %dma_wait3A_697 = tpu.memref_slice %arg4[%dma_wait3A_695, %dma_wait3A_696] : memref<320000x128xf32, #tpu.memory_space<hbm>> -> memref<128x128xf32, #tpu.memory_space<hbm>>
        %dma_wait3A_698 = arith.constant 0 : i32
        %dma_wait3A_699 = arith.constant 0 : i32
        %dma_wait3A_700 = tpu.memref_slice %arg6[%dma_wait3A_684, %dma_wait3A_698, %dma_wait3A_699] : memref<6x128x128xf32, #tpu.memory_space<vmem>> -> memref<1x128x128xf32, #tpu.memory_space<vmem>>
        %dma_wait3A_701 = tpu.memref_squeeze %dma_wait3A_700 : memref<1x128x128xf32, #tpu.memory_space<vmem>> -> memref<128x128xf32, #tpu.memory_space<vmem>>
        tpu.wait_dma2 semaphore(%dma_wait3A_694 : memref<!tpu.dma_semaphore, #tpu.memory_space<semaphore_mem>>) src(%dma_wait3A_701 : memref<128x128xf32, #tpu.memory_space<vmem>>) dst(%dma_wait3A_697 : memref<128x128xf32, #tpu.memory_space<hbm>>)
      } else {
      }
      %dma_wait3A_270 = arith.constant 0 : i32
      %dma_wait3A_271 = arith.constant 0 : i32
      %dma_wait3A_272 = arith.constant 0 : i32
      %dma_wait3A_273 = tpu.memref_slice %arg5[%dma_wait3A_270, %dma_wait3A_272] : memref<6x128xi32, #tpu.memory_space<vmem>> -> memref<1x128xi32, #tpu.memory_space<vmem>>
      %dma_wait3A_274 = tpu.memref_squeeze %dma_wait3A_273 : memref<1x128xi32, #tpu.memory_space<vmem>> -> memref<128xi32, #tpu.memory_space<vmem>>
      %dma_wait3A_275 = arith.constant 0 : i32
      %dma_wait3A_276 = tpu.memref_slice %arg3[%dma_wait3A_275] : memref<320000xi32, #tpu.memory_space<hbm>> -> memref<128xi32, #tpu.memory_space<hbm>>
      %dma_wait3A_277 = tpu.memref_slice %arg7[%dma_wait3A_271] : memref<6x!tpu.dma_semaphore, #tpu.memory_space<semaphore_mem>> -> memref<1x!tpu.dma_semaphore, #tpu.memory_space<semaphore_mem>>
      %dma_wait3A_278 = tpu.memref_squeeze %dma_wait3A_277 : memref<1x!tpu.dma_semaphore, #tpu.memory_space<semaphore_mem>> -> memref<!tpu.dma_semaphore, #tpu.memory_space<semaphore_mem>>
      %dma_wait3A_279 = arith.constant 0 : i32
      %dma_wait3A_280 = tpu.memref_slice %arg5[%dma_wait3A_270, %dma_wait3A_279] : memref<6x128xi32, #tpu.memory_space<vmem>> -> memref<1x128xi32, #tpu.memory_space<vmem>>
      %dma_wait3A_281 = tpu.memref_squeeze %dma_wait3A_280 : memref<1x128xi32, #tpu.memory_space<vmem>> -> memref<128xi32, #tpu.memory_space<vmem>>
      %dma_wait3A_282 = arith.constant 0 : i32
      %dma_wait3A_283 = tpu.memref_slice %arg3[%dma_wait3A_282] : memref<320000xi32, #tpu.memory_space<hbm>> -> memref<128xi32, #tpu.memory_space<hbm>>
      tpu.wait_dma2 semaphore(%dma_wait3A_278 : memref<!tpu.dma_semaphore, #tpu.memory_space<semaphore_mem>>) src(%dma_wait3A_283 : memref<128xi32, #tpu.memory_space<hbm>>) dst(%dma_wait3A_281 : memref<128xi32, #tpu.memory_space<vmem>>)
      %dma_start3A_284 = arith.constant 0 : i32
      %dma_start3A_285 = arith.constant 0 : i32
      %dma_start3A_286 = arith.constant 0 : i32
      %dma_start3A_287 = arith.constant 0 : i32
      %dma_start3A_288 = arith.constant 0 : i32
      %dma_start3A_289 = tpu.memref_slice %arg6[%dma_start3A_285, %dma_start3A_287, %dma_start3A_288] : memref<6x128x128xf32, #tpu.memory_space<vmem>> -> memref<1x128x128xf32, #tpu.memory_space<vmem>>
      %dma_start3A_290 = tpu.memref_squeeze %dma_start3A_289 : memref<1x128x128xf32, #tpu.memory_space<vmem>> -> memref<128x128xf32, #tpu.memory_space<vmem>>
      %dma_start3A_291 = arith.constant 0 : i32
      %dma_start3A_292 = tpu.memref_slice %arg5[%dma_start3A_284, %dma_start3A_291] : memref<6x128xi32, #tpu.memory_space<vmem>> -> memref<1x128xi32, #tpu.memory_space<vmem>>
      %dma_start3A_293 = tpu.memref_squeeze %dma_start3A_292 : memref<1x128xi32, #tpu.memory_space<vmem>> -> memref<128xi32, #tpu.memory_space<vmem>>
      %dma_start3A_294 = arith.constant 0 : i32
      %dma_start3A_295 = arith.constant 0 : i32
      %dma_start3A_296 = tpu.memref_slice %arg2[%dma_start3A_294, %dma_start3A_295] : memref<10000x128xf32, #tpu.memory_space<hbm>> -> memref<10000x128xf32, #tpu.memory_space<hbm>>
      %dma_start3A_297 = tpu.memref_slice %arg8[%dma_start3A_286] : memref<6x!tpu.dma_semaphore, #tpu.memory_space<semaphore_mem>> -> memref<1x!tpu.dma_semaphore, #tpu.memory_space<semaphore_mem>>
      %dma_start3A_298 = tpu.memref_squeeze %dma_start3A_297 : memref<1x!tpu.dma_semaphore, #tpu.memory_space<semaphore_mem>> -> memref<!tpu.dma_semaphore, #tpu.memory_space<semaphore_mem>>
      tpu.enqueue_indirect_dma source(%dma_start3A_296 : memref<10000x128xf32, #tpu.memory_space<hbm>>) target(%dma_start3A_290 : memref<128x128xf32, #tpu.memory_space<vmem>>) offsets(%dma_start3A_293 : memref<128xi32, #tpu.memory_space<vmem>>) semaphore(%dma_start3A_298 : memref<!tpu.dma_semaphore, #tpu.memory_space<semaphore_mem>>)
      %dma_wait3A_299 = arith.constant 1 : i32
      %dma_wait3A_300 = arith.constant 1 : i32
      %dma_wait3A_301 = arith.constant 0 : i32
      %dma_wait3A_302 = tpu.memref_slice %arg5[%dma_wait3A_299, %dma_wait3A_301] : memref<6x128xi32, #tpu.memory_space<vmem>> -> memref<1x128xi32, #tpu.memory_space<vmem>>
      %dma_wait3A_303 = tpu.memref_squeeze %dma_wait3A_302 : memref<1x128xi32, #tpu.memory_space<vmem>> -> memref<128xi32, #tpu.memory_space<vmem>>
      %dma_wait3A_304 = arith.constant 0 : i32
      %dma_wait3A_305 = tpu.memref_slice %arg3[%dma_wait3A_304] : memref<320000xi32, #tpu.memory_space<hbm>> -> memref<128xi32, #tpu.memory_space<hbm>>
      %dma_wait3A_306 = tpu.memref_slice %arg7[%dma_wait3A_300] : memref<6x!tpu.dma_semaphore, #tpu.memory_space<semaphore_mem>> -> memref<1x!tpu.dma_semaphore, #tpu.memory_space<semaphore_mem>>
      %dma_wait3A_307 = tpu.memref_squeeze %dma_wait3A_306 : memref<1x!tpu.dma_semaphore, #tpu.memory_space<semaphore_mem>> -> memref<!tpu.dma_semaphore, #tpu.memory_space<semaphore_mem>>
      %dma_wait3A_308 = arith.constant 0 : i32
      %dma_wait3A_309 = tpu.memref_slice %arg5[%dma_wait3A_299, %dma_wait3A_308] : memref<6x128xi32, #tpu.memory_space<vmem>> -> memref<1x128xi32, #tpu.memory_space<vmem>>
      %dma_wait3A_310 = tpu.memref_squeeze %dma_wait3A_309 : memref<1x128xi32, #tpu.memory_space<vmem>> -> memref<128xi32, #tpu.memory_space<vmem>>
      %dma_wait3A_311 = arith.constant 0 : i32
      %dma_wait3A_312 = tpu.memref_slice %arg3[%dma_wait3A_311] : memref<320000xi32, #tpu.memory_space<hbm>> -> memref<128xi32, #tpu.memory_space<hbm>>
      tpu.wait_dma2 semaphore(%dma_wait3A_307 : memref<!tpu.dma_semaphore, #tpu.memory_space<semaphore_mem>>) src(%dma_wait3A_312 : memref<128xi32, #tpu.memory_space<hbm>>) dst(%dma_wait3A_310 : memref<128xi32, #tpu.memory_space<vmem>>)
      %dma_start3A_313 = arith.constant 1 : i32
      %dma_start3A_314 = arith.constant 1 : i32
      %dma_start3A_315 = arith.constant 1 : i32
      %dma_start3A_316 = arith.constant 0 : i32
      %dma_start3A_317 = arith.constant 0 : i32
      %dma_start3A_318 = tpu.memref_slice %arg6[%dma_start3A_314, %dma_start3A_316, %dma_start3A_317] : memref<6x128x128xf32, #tpu.memory_space<vmem>> -> memref<1x128x128xf32, #tpu.memory_space<vmem>>
      %dma_start3A_319 = tpu.memref_squeeze %dma_start3A_318 : memref<1x128x128xf32, #tpu.memory_space<vmem>> -> memref<128x128xf32, #tpu.memory_space<vmem>>
      %dma_start3A_320 = arith.constant 0 : i32
      %dma_start3A_321 = tpu.memref_slice %arg5[%dma_start3A_313, %dma_start3A_320] : memref<6x128xi32, #tpu.memory_space<vmem>> -> memref<1x128xi32, #tpu.memory_space<vmem>>
      %dma_start3A_322 = tpu.memref_squeeze %dma_start3A_321 : memref<1x128xi32, #tpu.memory_space<vmem>> -> memref<128xi32, #tpu.memory_space<vmem>>
      %dma_start3A_323 = arith.constant 0 : i32
      %dma_start3A_324 = arith.constant 0 : i32
      %dma_start3A_325 = tpu.memref_slice %arg2[%dma_start3A_323, %dma_start3A_324] : memref<10000x128xf32, #tpu.memory_space<hbm>> -> memref<10000x128xf32, #tpu.memory_space<hbm>>
      %dma_start3A_326 = tpu.memref_slice %arg8[%dma_start3A_315] : memref<6x!tpu.dma_semaphore, #tpu.memory_space<semaphore_mem>> -> memref<1x!tpu.dma_semaphore, #tpu.memory_space<semaphore_mem>>
      %dma_start3A_327 = tpu.memref_squeeze %dma_start3A_326 : memref<1x!tpu.dma_semaphore, #tpu.memory_space<semaphore_mem>> -> memref<!tpu.dma_semaphore, #tpu.memory_space<semaphore_mem>>
      tpu.enqueue_indirect_dma source(%dma_start3A_325 : memref<10000x128xf32, #tpu.memory_space<hbm>>) target(%dma_start3A_319 : memref<128x128xf32, #tpu.memory_space<vmem>>) offsets(%dma_start3A_322 : memref<128xi32, #tpu.memory_space<vmem>>) semaphore(%dma_start3A_327 : memref<!tpu.dma_semaphore, #tpu.memory_space<semaphore_mem>>)
      %dma_wait3A_328 = arith.constant 2 : i32
      %dma_wait3A_329 = arith.constant 2 : i32
      %dma_wait3A_330 = arith.constant 0 : i32
      %dma_wait3A_331 = tpu.memref_slice %arg5[%dma_wait3A_328, %dma_wait3A_330] : memref<6x128xi32, #tpu.memory_space<vmem>> -> memref<1x128xi32, #tpu.memory_space<vmem>>
      %dma_wait3A_332 = tpu.memref_squeeze %dma_wait3A_331 : memref<1x128xi32, #tpu.memory_space<vmem>> -> memref<128xi32, #tpu.memory_space<vmem>>
      %dma_wait3A_333 = arith.constant 0 : i32
      %dma_wait3A_334 = tpu.memref_slice %arg3[%dma_wait3A_333] : memref<320000xi32, #tpu.memory_space<hbm>> -> memref<128xi32, #tpu.memory_space<hbm>>
      %dma_wait3A_335 = tpu.memref_slice %arg7[%dma_wait3A_329] : memref<6x!tpu.dma_semaphore, #tpu.memory_space<semaphore_mem>> -> memref<1x!tpu.dma_semaphore, #tpu.memory_space<semaphore_mem>>
      %dma_wait3A_336 = tpu.memref_squeeze %dma_wait3A_335 : memref<1x!tpu.dma_semaphore, #tpu.memory_space<semaphore_mem>> -> memref<!tpu.dma_semaphore, #tpu.memory_space<semaphore_mem>>
      %dma_wait3A_337 = arith.constant 0 : i32
      %dma_wait3A_338 = tpu.memref_slice %arg5[%dma_wait3A_328, %dma_wait3A_337] : memref<6x128xi32, #tpu.memory_space<vmem>> -> memref<1x128xi32, #tpu.memory_space<vmem>>
      %dma_wait3A_339 = tpu.memref_squeeze %dma_wait3A_338 : memref<1x128xi32, #tpu.memory_space<vmem>> -> memref<128xi32, #tpu.memory_space<vmem>>
      %dma_wait3A_340 = arith.constant 0 : i32
      %dma_wait3A_341 = tpu.memref_slice %arg3[%dma_wait3A_340] : memref<320000xi32, #tpu.memory_space<hbm>> -> memref<128xi32, #tpu.memory_space<hbm>>
      tpu.wait_dma2 semaphore(%dma_wait3A_336 : memref<!tpu.dma_semaphore, #tpu.memory_space<semaphore_mem>>) src(%dma_wait3A_341 : memref<128xi32, #tpu.memory_space<hbm>>) dst(%dma_wait3A_339 : memref<128xi32, #tpu.memory_space<vmem>>)
      %dma_start3A_342 = arith.constant 2 : i32
      %dma_start3A_343 = arith.constant 2 : i32
      %dma_start3A_344 = arith.constant 2 : i32
      %dma_start3A_345 = arith.constant 0 : i32
      %dma_start3A_346 = arith.constant 0 : i32
      %dma_start3A_347 = tpu.memref_slice %arg6[%dma_start3A_343, %dma_start3A_345, %dma_start3A_346] : memref<6x128x128xf32, #tpu.memory_space<vmem>> -> memref<1x128x128xf32, #tpu.memory_space<vmem>>
      %dma_start3A_348 = tpu.memref_squeeze %dma_start3A_347 : memref<1x128x128xf32, #tpu.memory_space<vmem>> -> memref<128x128xf32, #tpu.memory_space<vmem>>
      %dma_start3A_349 = arith.constant 0 : i32
      %dma_start3A_350 = tpu.memref_slice %arg5[%dma_start3A_342, %dma_start3A_349] : memref<6x128xi32, #tpu.memory_space<vmem>> -> memref<1x128xi32, #tpu.memory_space<vmem>>
      %dma_start3A_351 = tpu.memref_squeeze %dma_start3A_350 : memref<1x128xi32, #tpu.memory_space<vmem>> -> memref<128xi32, #tpu.memory_space<vmem>>
      %dma_start3A_352 = arith.constant 0 : i32
      %dma_start3A_353 = arith.constant 0 : i32
      %dma_start3A_354 = tpu.memref_slice %arg2[%dma_start3A_352, %dma_start3A_353] : memref<10000x128xf32, #tpu.memory_space<hbm>> -> memref<10000x128xf32, #tpu.memory_space<hbm>>
      %dma_start3A_355 = tpu.memref_slice %arg8[%dma_start3A_344] : memref<6x!tpu.dma_semaphore, #tpu.memory_space<semaphore_mem>> -> memref<1x!tpu.dma_semaphore, #tpu.memory_space<semaphore_mem>>
      %dma_start3A_356 = tpu.memref_squeeze %dma_start3A_355 : memref<1x!tpu.dma_semaphore, #tpu.memory_space<semaphore_mem>> -> memref<!tpu.dma_semaphore, #tpu.memory_space<semaphore_mem>>
      tpu.enqueue_indirect_dma source(%dma_start3A_354 : memref<10000x128xf32, #tpu.memory_space<hbm>>) target(%dma_start3A_348 : memref<128x128xf32, #tpu.memory_space<vmem>>) offsets(%dma_start3A_351 : memref<128xi32, #tpu.memory_space<vmem>>) semaphore(%dma_start3A_356 : memref<!tpu.dma_semaphore, #tpu.memory_space<semaphore_mem>>)
      %dma_wait3A_357 = arith.constant 3 : i32
      %dma_wait3A_358 = arith.constant 3 : i32
      %dma_wait3A_359 = arith.constant 0 : i32
      %dma_wait3A_360 = tpu.memref_slice %arg5[%dma_wait3A_357, %dma_wait3A_359] : memref<6x128xi32, #tpu.memory_space<vmem>> -> memref<1x128xi32, #tpu.memory_space<vmem>>
      %dma_wait3A_361 = tpu.memref_squeeze %dma_wait3A_360 : memref<1x128xi32, #tpu.memory_space<vmem>> -> memref<128xi32, #tpu.memory_space<vmem>>
      %dma_wait3A_362 = arith.constant 0 : i32
      %dma_wait3A_363 = tpu.memref_slice %arg3[%dma_wait3A_362] : memref<320000xi32, #tpu.memory_space<hbm>> -> memref<128xi32, #tpu.memory_space<hbm>>
      %dma_wait3A_364 = tpu.memref_slice %arg7[%dma_wait3A_358] : memref<6x!tpu.dma_semaphore, #tpu.memory_space<semaphore_mem>> -> memref<1x!tpu.dma_semaphore, #tpu.memory_space<semaphore_mem>>
      %dma_wait3A_365 = tpu.memref_squeeze %dma_wait3A_364 : memref<1x!tpu.dma_semaphore, #tpu.memory_space<semaphore_mem>> -> memref<!tpu.dma_semaphore, #tpu.memory_space<semaphore_mem>>
      %dma_wait3A_366 = arith.constant 0 : i32
      %dma_wait3A_367 = tpu.memref_slice %arg5[%dma_wait3A_357, %dma_wait3A_366] : memref<6x128xi32, #tpu.memory_space<vmem>> -> memref<1x128xi32, #tpu.memory_space<vmem>>
      %dma_wait3A_368 = tpu.memref_squeeze %dma_wait3A_367 : memref<1x128xi32, #tpu.memory_space<vmem>> -> memref<128xi32, #tpu.memory_space<vmem>>
      %dma_wait3A_369 = arith.constant 0 : i32
      %dma_wait3A_370 = tpu.memref_slice %arg3[%dma_wait3A_369] : memref<320000xi32, #tpu.memory_space<hbm>> -> memref<128xi32, #tpu.memory_space<hbm>>
      tpu.wait_dma2 semaphore(%dma_wait3A_365 : memref<!tpu.dma_semaphore, #tpu.memory_space<semaphore_mem>>) src(%dma_wait3A_370 : memref<128xi32, #tpu.memory_space<hbm>>) dst(%dma_wait3A_368 : memref<128xi32, #tpu.memory_space<vmem>>)
      %dma_start3A_371 = arith.constant 3 : i32
      %dma_start3A_372 = arith.constant 3 : i32
      %dma_start3A_373 = arith.constant 3 : i32
      %dma_start3A_374 = arith.constant 0 : i32
      %dma_start3A_375 = arith.constant 0 : i32
      %dma_start3A_376 = tpu.memref_slice %arg6[%dma_start3A_372, %dma_start3A_374, %dma_start3A_375] : memref<6x128x128xf32, #tpu.memory_space<vmem>> -> memref<1x128x128xf32, #tpu.memory_space<vmem>>
      %dma_start3A_377 = tpu.memref_squeeze %dma_start3A_376 : memref<1x128x128xf32, #tpu.memory_space<vmem>> -> memref<128x128xf32, #tpu.memory_space<vmem>>
      %dma_start3A_378 = arith.constant 0 : i32
      %dma_start3A_379 = tpu.memref_slice %arg5[%dma_start3A_371, %dma_start3A_378] : memref<6x128xi32, #tpu.memory_space<vmem>> -> memref<1x128xi32, #tpu.memory_space<vmem>>
      %dma_start3A_380 = tpu.memref_squeeze %dma_start3A_379 : memref<1x128xi32, #tpu.memory_space<vmem>> -> memref<128xi32, #tpu.memory_space<vmem>>
      %dma_start3A_381 = arith.constant 0 : i32
      %dma_start3A_382 = arith.constant 0 : i32
      %dma_start3A_383 = tpu.memref_slice %arg2[%dma_start3A_381, %dma_start3A_382] : memref<10000x128xf32, #tpu.memory_space<hbm>> -> memref<10000x128xf32, #tpu.memory_space<hbm>>
      %dma_start3A_384 = tpu.memref_slice %arg8[%dma_start3A_373] : memref<6x!tpu.dma_semaphore, #tpu.memory_space<semaphore_mem>> -> memref<1x!tpu.dma_semaphore, #tpu.memory_space<semaphore_mem>>
      %dma_start3A_385 = tpu.memref_squeeze %dma_start3A_384 : memref<1x!tpu.dma_semaphore, #tpu.memory_space<semaphore_mem>> -> memref<!tpu.dma_semaphore, #tpu.memory_space<semaphore_mem>>
      tpu.enqueue_indirect_dma source(%dma_start3A_383 : memref<10000x128xf32, #tpu.memory_space<hbm>>) target(%dma_start3A_377 : memref<128x128xf32, #tpu.memory_space<vmem>>) offsets(%dma_start3A_380 : memref<128xi32, #tpu.memory_space<vmem>>) semaphore(%dma_start3A_385 : memref<!tpu.dma_semaphore, #tpu.memory_space<semaphore_mem>>)
      %dma_wait3A_386 = arith.constant 4 : i32
      %dma_wait3A_387 = arith.constant 4 : i32
      %dma_wait3A_388 = arith.constant 0 : i32
      %dma_wait3A_389 = tpu.memref_slice %arg5[%dma_wait3A_386, %dma_wait3A_388] : memref<6x128xi32, #tpu.memory_space<vmem>> -> memref<1x128xi32, #tpu.memory_space<vmem>>
      %dma_wait3A_390 = tpu.memref_squeeze %dma_wait3A_389 : memref<1x128xi32, #tpu.memory_space<vmem>> -> memref<128xi32, #tpu.memory_space<vmem>>
      %dma_wait3A_391 = arith.constant 0 : i32
      %dma_wait3A_392 = tpu.memref_slice %arg3[%dma_wait3A_391] : memref<320000xi32, #tpu.memory_space<hbm>> -> memref<128xi32, #tpu.memory_space<hbm>>
      %dma_wait3A_393 = tpu.memref_slice %arg7[%dma_wait3A_387] : memref<6x!tpu.dma_semaphore, #tpu.memory_space<semaphore_mem>> -> memref<1x!tpu.dma_semaphore, #tpu.memory_space<semaphore_mem>>
      %dma_wait3A_394 = tpu.memref_squeeze %dma_wait3A_393 : memref<1x!tpu.dma_semaphore, #tpu.memory_space<semaphore_mem>> -> memref<!tpu.dma_semaphore, #tpu.memory_space<semaphore_mem>>
      %dma_wait3A_395 = arith.constant 0 : i32
      %dma_wait3A_396 = tpu.memref_slice %arg5[%dma_wait3A_386, %dma_wait3A_395] : memref<6x128xi32, #tpu.memory_space<vmem>> -> memref<1x128xi32, #tpu.memory_space<vmem>>
      %dma_wait3A_397 = tpu.memref_squeeze %dma_wait3A_396 : memref<1x128xi32, #tpu.memory_space<vmem>> -> memref<128xi32, #tpu.memory_space<vmem>>
      %dma_wait3A_398 = arith.constant 0 : i32
      %dma_wait3A_399 = tpu.memref_slice %arg3[%dma_wait3A_398] : memref<320000xi32, #tpu.memory_space<hbm>> -> memref<128xi32, #tpu.memory_space<hbm>>
      tpu.wait_dma2 semaphore(%dma_wait3A_394 : memref<!tpu.dma_semaphore, #tpu.memory_space<semaphore_mem>>) src(%dma_wait3A_399 : memref<128xi32, #tpu.memory_space<hbm>>) dst(%dma_wait3A_397 : memref<128xi32, #tpu.memory_space<vmem>>)
      %dma_start3A_400 = arith.constant 4 : i32
      %dma_start3A_401 = arith.constant 4 : i32
      %dma_start3A_402 = arith.constant 4 : i32
      %dma_start3A_403 = arith.constant 0 : i32
      %dma_start3A_404 = arith.constant 0 : i32
      %dma_start3A_405 = tpu.memref_slice %arg6[%dma_start3A_401, %dma_start3A_403, %dma_start3A_404] : memref<6x128x128xf32, #tpu.memory_space<vmem>> -> memref<1x128x128xf32, #tpu.memory_space<vmem>>
      %dma_start3A_406 = tpu.memref_squeeze %dma_start3A_405 : memref<1x128x128xf32, #tpu.memory_space<vmem>> -> memref<128x128xf32, #tpu.memory_space<vmem>>
      %dma_start3A_407 = arith.constant 0 : i32
      %dma_start3A_408 = tpu.memref_slice %arg5[%dma_start3A_400, %dma_start3A_407] : memref<6x128xi32, #tpu.memory_space<vmem>> -> memref<1x128xi32, #tpu.memory_space<vmem>>
      %dma_start3A_409 = tpu.memref_squeeze %dma_start3A_408 : memref<1x128xi32, #tpu.memory_space<vmem>> -> memref<128xi32, #tpu.memory_space<vmem>>
      %dma_start3A_410 = arith.constant 0 : i32
      %dma_start3A_411 = arith.constant 0 : i32
      %dma_start3A_412 = tpu.memref_slice %arg2[%dma_start3A_410, %dma_start3A_411] : memref<10000x128xf32, #tpu.memory_space<hbm>> -> memref<10000x128xf32, #tpu.memory_space<hbm>>
      %dma_start3A_413 = tpu.memref_slice %arg8[%dma_start3A_402] : memref<6x!tpu.dma_semaphore, #tpu.memory_space<semaphore_mem>> -> memref<1x!tpu.dma_semaphore, #tpu.memory_space<semaphore_mem>>
      %dma_start3A_414 = tpu.memref_squeeze %dma_start3A_413 : memref<1x!tpu.dma_semaphore, #tpu.memory_space<semaphore_mem>> -> memref<!tpu.dma_semaphore, #tpu.memory_space<semaphore_mem>>
      tpu.enqueue_indirect_dma source(%dma_start3A_412 : memref<10000x128xf32, #tpu.memory_space<hbm>>) target(%dma_start3A_406 : memref<128x128xf32, #tpu.memory_space<vmem>>) offsets(%dma_start3A_409 : memref<128xi32, #tpu.memory_space<vmem>>) semaphore(%dma_start3A_414 : memref<!tpu.dma_semaphore, #tpu.memory_space<semaphore_mem>>)
      %dma_wait3A_415 = arith.constant 5 : i32
      %dma_wait3A_416 = arith.constant 5 : i32
      %dma_wait3A_417 = arith.constant 0 : i32
      %dma_wait3A_418 = tpu.memref_slice %arg5[%dma_wait3A_415, %dma_wait3A_417] : memref<6x128xi32, #tpu.memory_space<vmem>> -> memref<1x128xi32, #tpu.memory_space<vmem>>
      %dma_wait3A_419 = tpu.memref_squeeze %dma_wait3A_418 : memref<1x128xi32, #tpu.memory_space<vmem>> -> memref<128xi32, #tpu.memory_space<vmem>>
      %dma_wait3A_420 = arith.constant 0 : i32
      %dma_wait3A_421 = tpu.memref_slice %arg3[%dma_wait3A_420] : memref<320000xi32, #tpu.memory_space<hbm>> -> memref<128xi32, #tpu.memory_space<hbm>>
      %dma_wait3A_422 = tpu.memref_slice %arg7[%dma_wait3A_416] : memref<6x!tpu.dma_semaphore, #tpu.memory_space<semaphore_mem>> -> memref<1x!tpu.dma_semaphore, #tpu.memory_space<semaphore_mem>>
      %dma_wait3A_423 = tpu.memref_squeeze %dma_wait3A_422 : memref<1x!tpu.dma_semaphore, #tpu.memory_space<semaphore_mem>> -> memref<!tpu.dma_semaphore, #tpu.memory_space<semaphore_mem>>
      %dma_wait3A_424 = arith.constant 0 : i32
      %dma_wait3A_425 = tpu.memref_slice %arg5[%dma_wait3A_415, %dma_wait3A_424] : memref<6x128xi32, #tpu.memory_space<vmem>> -> memref<1x128xi32, #tpu.memory_space<vmem>>
      %dma_wait3A_426 = tpu.memref_squeeze %dma_wait3A_425 : memref<1x128xi32, #tpu.memory_space<vmem>> -> memref<128xi32, #tpu.memory_space<vmem>>
      %dma_wait3A_427 = arith.constant 0 : i32
      %dma_wait3A_428 = tpu.memref_slice %arg3[%dma_wait3A_427] : memref<320000xi32, #tpu.memory_space<hbm>> -> memref<128xi32, #tpu.memory_space<hbm>>
      tpu.wait_dma2 semaphore(%dma_wait3A_423 : memref<!tpu.dma_semaphore, #tpu.memory_space<semaphore_mem>>) src(%dma_wait3A_428 : memref<128xi32, #tpu.memory_space<hbm>>) dst(%dma_wait3A_426 : memref<128xi32, #tpu.memory_space<vmem>>)
      %dma_start3A_429 = arith.constant 5 : i32
      %dma_start3A_430 = arith.constant 5 : i32
      %dma_start3A_431 = arith.constant 5 : i32
      %dma_start3A_432 = arith.constant 0 : i32
      %dma_start3A_433 = arith.constant 0 : i32
      %dma_start3A_434 = tpu.memref_slice %arg6[%dma_start3A_430, %dma_start3A_432, %dma_start3A_433] : memref<6x128x128xf32, #tpu.memory_space<vmem>> -> memref<1x128x128xf32, #tpu.memory_space<vmem>>
      %dma_start3A_435 = tpu.memref_squeeze %dma_start3A_434 : memref<1x128x128xf32, #tpu.memory_space<vmem>> -> memref<128x128xf32, #tpu.memory_space<vmem>>
      %dma_start3A_436 = arith.constant 0 : i32
      %dma_start3A_437 = tpu.memref_slice %arg5[%dma_start3A_429, %dma_start3A_436] : memref<6x128xi32, #tpu.memory_space<vmem>> -> memref<1x128xi32, #tpu.memory_space<vmem>>
      %dma_start3A_438 = tpu.memref_squeeze %dma_start3A_437 : memref<1x128xi32, #tpu.memory_space<vmem>> -> memref<128xi32, #tpu.memory_space<vmem>>
      %dma_start3A_439 = arith.constant 0 : i32
      %dma_start3A_440 = arith.constant 0 : i32
      %dma_start3A_441 = tpu.memref_slice %arg2[%dma_start3A_439, %dma_start3A_440] : memref<10000x128xf32, #tpu.memory_space<hbm>> -> memref<10000x128xf32, #tpu.memory_space<hbm>>
      %dma_start3A_442 = tpu.memref_slice %arg8[%dma_start3A_431] : memref<6x!tpu.dma_semaphore, #tpu.memory_space<semaphore_mem>> -> memref<1x!tpu.dma_semaphore, #tpu.memory_space<semaphore_mem>>
      %dma_start3A_443 = tpu.memref_squeeze %dma_start3A_442 : memref<1x!tpu.dma_semaphore, #tpu.memory_space<semaphore_mem>> -> memref<!tpu.dma_semaphore, #tpu.memory_space<semaphore_mem>>
      tpu.enqueue_indirect_dma source(%dma_start3A_441 : memref<10000x128xf32, #tpu.memory_space<hbm>>) target(%dma_start3A_435 : memref<128x128xf32, #tpu.memory_space<vmem>>) offsets(%dma_start3A_438 : memref<128xi32, #tpu.memory_space<vmem>>) semaphore(%dma_start3A_443 : memref<!tpu.dma_semaphore, #tpu.memory_space<semaphore_mem>>)
      %mul3A_444 = arith.constant 6 : i32
      %mul3A_445 = arith.muli %scan3A_115, %mul3A_444 : i32
      %add3A_446 = arith.constant 0 : i32
      %add3A_447 = arith.addi %mul3A_445, %add3A_446 : i32
      %mul3A_448 = arith.constant 32 : i32
      %mul3A_449 = arith.muli %add3A_447, %mul3A_448 : i32
      %add3A_450 = arith.addi %add3A, %mul3A_449 : i32
      %dma_wait3A_451 = arith.constant 0 : i32
      %dma_wait3A_452 = arith.constant 0 : i32
      %dma_wait3A_453 = arith.constant 0 : i32
      %dma_wait3A_454 = arith.constant 0 : i32
      %dma_wait3A_455 = arith.constant 0 : i32
      %dma_wait3A_456 = tpu.memref_slice %arg6[%dma_wait3A_452, %dma_wait3A_454, %dma_wait3A_455] : memref<6x128x128xf32, #tpu.memory_space<vmem>> -> memref<1x128x128xf32, #tpu.memory_space<vmem>>
      %dma_wait3A_457 = tpu.memref_squeeze %dma_wait3A_456 : memref<1x128x128xf32, #tpu.memory_space<vmem>> -> memref<128x128xf32, #tpu.memory_space<vmem>>
      %dma_wait3A_458 = arith.constant 0 : i32
      %dma_wait3A_459 = tpu.memref_slice %arg5[%dma_wait3A_451, %dma_wait3A_458] : memref<6x128xi32, #tpu.memory_space<vmem>> -> memref<1x128xi32, #tpu.memory_space<vmem>>
      %dma_wait3A_460 = tpu.memref_squeeze %dma_wait3A_459 : memref<1x128xi32, #tpu.memory_space<vmem>> -> memref<128xi32, #tpu.memory_space<vmem>>
      %dma_wait3A_461 = arith.constant 0 : i32
      %dma_wait3A_462 = arith.constant 0 : i32
      %dma_wait3A_463 = tpu.memref_slice %arg2[%dma_wait3A_461, %dma_wait3A_462] : memref<10000x128xf32, #tpu.memory_space<hbm>> -> memref<10000x128xf32, #tpu.memory_space<hbm>>
      %dma_wait3A_464 = tpu.memref_slice %arg8[%dma_wait3A_453] : memref<6x!tpu.dma_semaphore, #tpu.memory_space<semaphore_mem>> -> memref<1x!tpu.dma_semaphore, #tpu.memory_space<semaphore_mem>>
      %dma_wait3A_465 = tpu.memref_squeeze %dma_wait3A_464 : memref<1x!tpu.dma_semaphore, #tpu.memory_space<semaphore_mem>> -> memref<!tpu.dma_semaphore, #tpu.memory_space<semaphore_mem>>
      tpu.wait_indirect_dma semaphore(%dma_wait3A_465 : memref<!tpu.dma_semaphore, #tpu.memory_space<semaphore_mem>>) src(%dma_wait3A_463 : memref<10000x128xf32, #tpu.memory_space<hbm>>) dst(%dma_wait3A_457 : memref<128x128xf32, #tpu.memory_space<vmem>>)
      %mul3A_466 = arith.constant 128 : i32
      %mul3A_467 = arith.muli %add3A_450, %mul3A_466 : i32
      %dma_start3A_468 = arith.constant 0 : i32
      %dma_start3A_469 = arith.constant 0 : i32
      %dma_start3A_470 = arith.constant 0 : i32
      %dma_start3A_471 = arith.constant 0 : i32
      %dma_start3A_472 = tpu.memref_slice %arg6[%dma_start3A_468, %dma_start3A_470, %dma_start3A_471] : memref<6x128x128xf32, #tpu.memory_space<vmem>> -> memref<1x128x128xf32, #tpu.memory_space<vmem>>
      %dma_start3A_473 = tpu.memref_squeeze %dma_start3A_472 : memref<1x128x128xf32, #tpu.memory_space<vmem>> -> memref<128x128xf32, #tpu.memory_space<vmem>>
      %dma_start3A_474 = arith.constant 0 : i32
      %dma_start3A_475 = tpu.memref_slice %arg4[%mul3A_467, %dma_start3A_474] : memref<320000x128xf32, #tpu.memory_space<hbm>> -> memref<128x128xf32, #tpu.memory_space<hbm>>
      %dma_start3A_476 = tpu.memref_slice %arg9[%dma_start3A_469] : memref<6x!tpu.dma_semaphore, #tpu.memory_space<semaphore_mem>> -> memref<1x!tpu.dma_semaphore, #tpu.memory_space<semaphore_mem>>
      %dma_start3A_477 = tpu.memref_squeeze %dma_start3A_476 : memref<1x!tpu.dma_semaphore, #tpu.memory_space<semaphore_mem>> -> memref<!tpu.dma_semaphore, #tpu.memory_space<semaphore_mem>>
      %dma_start3A_478 = arith.constant 0 : i32
      %dma_start3A_479 = tpu.memref_slice %arg4[%mul3A_467, %dma_start3A_478] : memref<320000x128xf32, #tpu.memory_space<hbm>> -> memref<128x128xf32, #tpu.memory_space<hbm>>
      %dma_start3A_480 = arith.constant 0 : i32
      %dma_start3A_481 = arith.constant 0 : i32
      %dma_start3A_482 = tpu.memref_slice %arg6[%dma_start3A_468, %dma_start3A_480, %dma_start3A_481] : memref<6x128x128xf32, #tpu.memory_space<vmem>> -> memref<1x128x128xf32, #tpu.memory_space<vmem>>
      %dma_start3A_483 = tpu.memref_squeeze %dma_start3A_482 : memref<1x128x128xf32, #tpu.memory_space<vmem>> -> memref<128x128xf32, #tpu.memory_space<vmem>>
      tpu.enqueue_dma source(%dma_start3A_483 : memref<128x128xf32, #tpu.memory_space<vmem>>) target(%dma_start3A_479 : memref<128x128xf32, #tpu.memory_space<hbm>>) target_semaphore(%dma_start3A_477 : memref<!tpu.dma_semaphore, #tpu.memory_space<semaphore_mem>>)
      %mul3A_484 = arith.constant 6 : i32
      %mul3A_485 = arith.muli %scan3A_115, %mul3A_484 : i32
      %add3A_486 = arith.constant 1 : i32
      %add3A_487 = arith.addi %mul3A_485, %add3A_486 : i32
      %mul3A_488 = arith.constant 32 : i32
      %mul3A_489 = arith.muli %add3A_487, %mul3A_488 : i32
      %add3A_490 = arith.addi %add3A, %mul3A_489 : i32
      %dma_wait3A_491 = arith.constant 1 : i32
      %dma_wait3A_492 = arith.constant 1 : i32
      %dma_wait3A_493 = arith.constant 1 : i32
      %dma_wait3A_494 = arith.constant 0 : i32
      %dma_wait3A_495 = arith.constant 0 : i32
      %dma_wait3A_496 = tpu.memref_slice %arg6[%dma_wait3A_492, %dma_wait3A_494, %dma_wait3A_495] : memref<6x128x128xf32, #tpu.memory_space<vmem>> -> memref<1x128x128xf32, #tpu.memory_space<vmem>>
      %dma_wait3A_497 = tpu.memref_squeeze %dma_wait3A_496 : memref<1x128x128xf32, #tpu.memory_space<vmem>> -> memref<128x128xf32, #tpu.memory_space<vmem>>
      %dma_wait3A_498 = arith.constant 0 : i32
      %dma_wait3A_499 = tpu.memref_slice %arg5[%dma_wait3A_491, %dma_wait3A_498] : memref<6x128xi32, #tpu.memory_space<vmem>> -> memref<1x128xi32, #tpu.memory_space<vmem>>
      %dma_wait3A_500 = tpu.memref_squeeze %dma_wait3A_499 : memref<1x128xi32, #tpu.memory_space<vmem>> -> memref<128xi32, #tpu.memory_space<vmem>>
      %dma_wait3A_501 = arith.constant 0 : i32
      %dma_wait3A_502 = arith.constant 0 : i32
      %dma_wait3A_503 = tpu.memref_slice %arg2[%dma_wait3A_501, %dma_wait3A_502] : memref<10000x128xf32, #tpu.memory_space<hbm>> -> memref<10000x128xf32, #tpu.memory_space<hbm>>
      %dma_wait3A_504 = tpu.memref_slice %arg8[%dma_wait3A_493] : memref<6x!tpu.dma_semaphore, #tpu.memory_space<semaphore_mem>> -> memref<1x!tpu.dma_semaphore, #tpu.memory_space<semaphore_mem>>
      %dma_wait3A_505 = tpu.memref_squeeze %dma_wait3A_504 : memref<1x!tpu.dma_semaphore, #tpu.memory_space<semaphore_mem>> -> memref<!tpu.dma_semaphore, #tpu.memory_space<semaphore_mem>>
      tpu.wait_indirect_dma semaphore(%dma_wait3A_505 : memref<!tpu.dma_semaphore, #tpu.memory_space<semaphore_mem>>) src(%dma_wait3A_503 : memref<10000x128xf32, #tpu.memory_space<hbm>>) dst(%dma_wait3A_497 : memref<128x128xf32, #tpu.memory_space<vmem>>)
      %mul3A_506 = arith.constant 128 : i32
      %mul3A_507 = arith.muli %add3A_490, %mul3A_506 : i32
      %dma_start3A_508 = arith.constant 1 : i32
      %dma_start3A_509 = arith.constant 1 : i32
      %dma_start3A_510 = arith.constant 0 : i32
      %dma_start3A_511 = arith.constant 0 : i32
      %dma_start3A_512 = tpu.memref_slice %arg6[%dma_start3A_508, %dma_start3A_510, %dma_start3A_511] : memref<6x128x128xf32, #tpu.memory_space<vmem>> -> memref<1x128x128xf32, #tpu.memory_space<vmem>>
      %dma_start3A_513 = tpu.memref_squeeze %dma_start3A_512 : memref<1x128x128xf32, #tpu.memory_space<vmem>> -> memref<128x128xf32, #tpu.memory_space<vmem>>
      %dma_start3A_514 = arith.constant 0 : i32
      %dma_start3A_515 = tpu.memref_slice %arg4[%mul3A_507, %dma_start3A_514] : memref<320000x128xf32, #tpu.memory_space<hbm>> -> memref<128x128xf32, #tpu.memory_space<hbm>>
      %dma_start3A_516 = tpu.memref_slice %arg9[%dma_start3A_509] : memref<6x!tpu.dma_semaphore, #tpu.memory_space<semaphore_mem>> -> memref<1x!tpu.dma_semaphore, #tpu.memory_space<semaphore_mem>>
      %dma_start3A_517 = tpu.memref_squeeze %dma_start3A_516 : memref<1x!tpu.dma_semaphore, #tpu.memory_space<semaphore_mem>> -> memref<!tpu.dma_semaphore, #tpu.memory_space<semaphore_mem>>
      %dma_start3A_518 = arith.constant 0 : i32
      %dma_start3A_519 = tpu.memref_slice %arg4[%mul3A_507, %dma_start3A_518] : memref<320000x128xf32, #tpu.memory_space<hbm>> -> memref<128x128xf32, #tpu.memory_space<hbm>>
      %dma_start3A_520 = arith.constant 0 : i32
      %dma_start3A_521 = arith.constant 0 : i32
      %dma_start3A_522 = tpu.memref_slice %arg6[%dma_start3A_508, %dma_start3A_520, %dma_start3A_521] : memref<6x128x128xf32, #tpu.memory_space<vmem>> -> memref<1x128x128xf32, #tpu.memory_space<vmem>>
      %dma_start3A_523 = tpu.memref_squeeze %dma_start3A_522 : memref<1x128x128xf32, #tpu.memory_space<vmem>> -> memref<128x128xf32, #tpu.memory_space<vmem>>
      tpu.enqueue_dma source(%dma_start3A_523 : memref<128x128xf32, #tpu.memory_space<vmem>>) target(%dma_start3A_519 : memref<128x128xf32, #tpu.memory_space<hbm>>) target_semaphore(%dma_start3A_517 : memref<!tpu.dma_semaphore, #tpu.memory_space<semaphore_mem>>)
      %mul3A_524 = arith.constant 6 : i32
      %mul3A_525 = arith.muli %scan3A_115, %mul3A_524 : i32
      %add3A_526 = arith.constant 2 : i32
      %add3A_527 = arith.addi %mul3A_525, %add3A_526 : i32
      %mul3A_528 = arith.constant 32 : i32
      %mul3A_529 = arith.muli %add3A_527, %mul3A_528 : i32
      %add3A_530 = arith.addi %add3A, %mul3A_529 : i32
      %dma_wait3A_531 = arith.constant 2 : i32
      %dma_wait3A_532 = arith.constant 2 : i32
      %dma_wait3A_533 = arith.constant 2 : i32
      %dma_wait3A_534 = arith.constant 0 : i32
      %dma_wait3A_535 = arith.constant 0 : i32
      %dma_wait3A_536 = tpu.memref_slice %arg6[%dma_wait3A_532, %dma_wait3A_534, %dma_wait3A_535] : memref<6x128x128xf32, #tpu.memory_space<vmem>> -> memref<1x128x128xf32, #tpu.memory_space<vmem>>
      %dma_wait3A_537 = tpu.memref_squeeze %dma_wait3A_536 : memref<1x128x128xf32, #tpu.memory_space<vmem>> -> memref<128x128xf32, #tpu.memory_space<vmem>>
      %dma_wait3A_538 = arith.constant 0 : i32
      %dma_wait3A_539 = tpu.memref_slice %arg5[%dma_wait3A_531, %dma_wait3A_538] : memref<6x128xi32, #tpu.memory_space<vmem>> -> memref<1x128xi32, #tpu.memory_space<vmem>>
      %dma_wait3A_540 = tpu.memref_squeeze %dma_wait3A_539 : memref<1x128xi32, #tpu.memory_space<vmem>> -> memref<128xi32, #tpu.memory_space<vmem>>
      %dma_wait3A_541 = arith.constant 0 : i32
      %dma_wait3A_542 = arith.constant 0 : i32
      %dma_wait3A_543 = tpu.memref_slice %arg2[%dma_wait3A_541, %dma_wait3A_542] : memref<10000x128xf32, #tpu.memory_space<hbm>> -> memref<10000x128xf32, #tpu.memory_space<hbm>>
      %dma_wait3A_544 = tpu.memref_slice %arg8[%dma_wait3A_533] : memref<6x!tpu.dma_semaphore, #tpu.memory_space<semaphore_mem>> -> memref<1x!tpu.dma_semaphore, #tpu.memory_space<semaphore_mem>>
      %dma_wait3A_545 = tpu.memref_squeeze %dma_wait3A_544 : memref<1x!tpu.dma_semaphore, #tpu.memory_space<semaphore_mem>> -> memref<!tpu.dma_semaphore, #tpu.memory_space<semaphore_mem>>
      tpu.wait_indirect_dma semaphore(%dma_wait3A_545 : memref<!tpu.dma_semaphore, #tpu.memory_space<semaphore_mem>>) src(%dma_wait3A_543 : memref<10000x128xf32, #tpu.memory_space<hbm>>) dst(%dma_wait3A_537 : memref<128x128xf32, #tpu.memory_space<vmem>>)
      %mul3A_546 = arith.constant 128 : i32
      %mul3A_547 = arith.muli %add3A_530, %mul3A_546 : i32
      %dma_start3A_548 = arith.constant 2 : i32
      %dma_start3A_549 = arith.constant 2 : i32
      %dma_start3A_550 = arith.constant 0 : i32
      %dma_start3A_551 = arith.constant 0 : i32
      %dma_start3A_552 = tpu.memref_slice %arg6[%dma_start3A_548, %dma_start3A_550, %dma_start3A_551] : memref<6x128x128xf32, #tpu.memory_space<vmem>> -> memref<1x128x128xf32, #tpu.memory_space<vmem>>
      %dma_start3A_553 = tpu.memref_squeeze %dma_start3A_552 : memref<1x128x128xf32, #tpu.memory_space<vmem>> -> memref<128x128xf32, #tpu.memory_space<vmem>>
      %dma_start3A_554 = arith.constant 0 : i32
      %dma_start3A_555 = tpu.memref_slice %arg4[%mul3A_547, %dma_start3A_554] : memref<320000x128xf32, #tpu.memory_space<hbm>> -> memref<128x128xf32, #tpu.memory_space<hbm>>
      %dma_start3A_556 = tpu.memref_slice %arg9[%dma_start3A_549] : memref<6x!tpu.dma_semaphore, #tpu.memory_space<semaphore_mem>> -> memref<1x!tpu.dma_semaphore, #tpu.memory_space<semaphore_mem>>
      %dma_start3A_557 = tpu.memref_squeeze %dma_start3A_556 : memref<1x!tpu.dma_semaphore, #tpu.memory_space<semaphore_mem>> -> memref<!tpu.dma_semaphore, #tpu.memory_space<semaphore_mem>>
      %dma_start3A_558 = arith.constant 0 : i32
      %dma_start3A_559 = tpu.memref_slice %arg4[%mul3A_547, %dma_start3A_558] : memref<320000x128xf32, #tpu.memory_space<hbm>> -> memref<128x128xf32, #tpu.memory_space<hbm>>
      %dma_start3A_560 = arith.constant 0 : i32
      %dma_start3A_561 = arith.constant 0 : i32
      %dma_start3A_562 = tpu.memref_slice %arg6[%dma_start3A_548, %dma_start3A_560, %dma_start3A_561] : memref<6x128x128xf32, #tpu.memory_space<vmem>> -> memref<1x128x128xf32, #tpu.memory_space<vmem>>
      %dma_start3A_563 = tpu.memref_squeeze %dma_start3A_562 : memref<1x128x128xf32, #tpu.memory_space<vmem>> -> memref<128x128xf32, #tpu.memory_space<vmem>>
      tpu.enqueue_dma source(%dma_start3A_563 : memref<128x128xf32, #tpu.memory_space<vmem>>) target(%dma_start3A_559 : memref<128x128xf32, #tpu.memory_space<hbm>>) target_semaphore(%dma_start3A_557 : memref<!tpu.dma_semaphore, #tpu.memory_space<semaphore_mem>>)
      %mul3A_564 = arith.constant 6 : i32
      %mul3A_565 = arith.muli %scan3A_115, %mul3A_564 : i32
      %add3A_566 = arith.constant 3 : i32
      %add3A_567 = arith.addi %mul3A_565, %add3A_566 : i32
      %mul3A_568 = arith.constant 32 : i32
      %mul3A_569 = arith.muli %add3A_567, %mul3A_568 : i32
      %add3A_570 = arith.addi %add3A, %mul3A_569 : i32
      %dma_wait3A_571 = arith.constant 3 : i32
      %dma_wait3A_572 = arith.constant 3 : i32
      %dma_wait3A_573 = arith.constant 3 : i32
      %dma_wait3A_574 = arith.constant 0 : i32
      %dma_wait3A_575 = arith.constant 0 : i32
      %dma_wait3A_576 = tpu.memref_slice %arg6[%dma_wait3A_572, %dma_wait3A_574, %dma_wait3A_575] : memref<6x128x128xf32, #tpu.memory_space<vmem>> -> memref<1x128x128xf32, #tpu.memory_space<vmem>>
      %dma_wait3A_577 = tpu.memref_squeeze %dma_wait3A_576 : memref<1x128x128xf32, #tpu.memory_space<vmem>> -> memref<128x128xf32, #tpu.memory_space<vmem>>
      %dma_wait3A_578 = arith.constant 0 : i32
      %dma_wait3A_579 = tpu.memref_slice %arg5[%dma_wait3A_571, %dma_wait3A_578] : memref<6x128xi32, #tpu.memory_space<vmem>> -> memref<1x128xi32, #tpu.memory_space<vmem>>
      %dma_wait3A_580 = tpu.memref_squeeze %dma_wait3A_579 : memref<1x128xi32, #tpu.memory_space<vmem>> -> memref<128xi32, #tpu.memory_space<vmem>>
      %dma_wait3A_581 = arith.constant 0 : i32
      %dma_wait3A_582 = arith.constant 0 : i32
      %dma_wait3A_583 = tpu.memref_slice %arg2[%dma_wait3A_581, %dma_wait3A_582] : memref<10000x128xf32, #tpu.memory_space<hbm>> -> memref<10000x128xf32, #tpu.memory_space<hbm>>
      %dma_wait3A_584 = tpu.memref_slice %arg8[%dma_wait3A_573] : memref<6x!tpu.dma_semaphore, #tpu.memory_space<semaphore_mem>> -> memref<1x!tpu.dma_semaphore, #tpu.memory_space<semaphore_mem>>
      %dma_wait3A_585 = tpu.memref_squeeze %dma_wait3A_584 : memref<1x!tpu.dma_semaphore, #tpu.memory_space<semaphore_mem>> -> memref<!tpu.dma_semaphore, #tpu.memory_space<semaphore_mem>>
      tpu.wait_indirect_dma semaphore(%dma_wait3A_585 : memref<!tpu.dma_semaphore, #tpu.memory_space<semaphore_mem>>) src(%dma_wait3A_583 : memref<10000x128xf32, #tpu.memory_space<hbm>>) dst(%dma_wait3A_577 : memref<128x128xf32, #tpu.memory_space<vmem>>)
      %mul3A_586 = arith.constant 128 : i32
      %mul3A_587 = arith.muli %add3A_570, %mul3A_586 : i32
      %dma_start3A_588 = arith.constant 3 : i32
      %dma_start3A_589 = arith.constant 3 : i32
      %dma_start3A_590 = arith.constant 0 : i32
      %dma_start3A_591 = arith.constant 0 : i32
      %dma_start3A_592 = tpu.memref_slice %arg6[%dma_start3A_588, %dma_start3A_590, %dma_start3A_591] : memref<6x128x128xf32, #tpu.memory_space<vmem>> -> memref<1x128x128xf32, #tpu.memory_space<vmem>>
      %dma_start3A_593 = tpu.memref_squeeze %dma_start3A_592 : memref<1x128x128xf32, #tpu.memory_space<vmem>> -> memref<128x128xf32, #tpu.memory_space<vmem>>
      %dma_start3A_594 = arith.constant 0 : i32
      %dma_start3A_595 = tpu.memref_slice %arg4[%mul3A_587, %dma_start3A_594] : memref<320000x128xf32, #tpu.memory_space<hbm>> -> memref<128x128xf32, #tpu.memory_space<hbm>>
      %dma_start3A_596 = tpu.memref_slice %arg9[%dma_start3A_589] : memref<6x!tpu.dma_semaphore, #tpu.memory_space<semaphore_mem>> -> memref<1x!tpu.dma_semaphore, #tpu.memory_space<semaphore_mem>>
      %dma_start3A_597 = tpu.memref_squeeze %dma_start3A_596 : memref<1x!tpu.dma_semaphore, #tpu.memory_space<semaphore_mem>> -> memref<!tpu.dma_semaphore, #tpu.memory_space<semaphore_mem>>
      %dma_start3A_598 = arith.constant 0 : i32
      %dma_start3A_599 = tpu.memref_slice %arg4[%mul3A_587, %dma_start3A_598] : memref<320000x128xf32, #tpu.memory_space<hbm>> -> memref<128x128xf32, #tpu.memory_space<hbm>>
      %dma_start3A_600 = arith.constant 0 : i32
      %dma_start3A_601 = arith.constant 0 : i32
      %dma_start3A_602 = tpu.memref_slice %arg6[%dma_start3A_588, %dma_start3A_600, %dma_start3A_601] : memref<6x128x128xf32, #tpu.memory_space<vmem>> -> memref<1x128x128xf32, #tpu.memory_space<vmem>>
      %dma_start3A_603 = tpu.memref_squeeze %dma_start3A_602 : memref<1x128x128xf32, #tpu.memory_space<vmem>> -> memref<128x128xf32, #tpu.memory_space<vmem>>
      tpu.enqueue_dma source(%dma_start3A_603 : memref<128x128xf32, #tpu.memory_space<vmem>>) target(%dma_start3A_599 : memref<128x128xf32, #tpu.memory_space<hbm>>) target_semaphore(%dma_start3A_597 : memref<!tpu.dma_semaphore, #tpu.memory_space<semaphore_mem>>)
      %mul3A_604 = arith.constant 6 : i32
      %mul3A_605 = arith.muli %scan3A_115, %mul3A_604 : i32
      %add3A_606 = arith.constant 4 : i32
      %add3A_607 = arith.addi %mul3A_605, %add3A_606 : i32
      %mul3A_608 = arith.constant 32 : i32
      %mul3A_609 = arith.muli %add3A_607, %mul3A_608 : i32
      %add3A_610 = arith.addi %add3A, %mul3A_609 : i32
      %dma_wait3A_611 = arith.constant 4 : i32
      %dma_wait3A_612 = arith.constant 4 : i32
      %dma_wait3A_613 = arith.constant 4 : i32
      %dma_wait3A_614 = arith.constant 0 : i32
      %dma_wait3A_615 = arith.constant 0 : i32
      %dma_wait3A_616 = tpu.memref_slice %arg6[%dma_wait3A_612, %dma_wait3A_614, %dma_wait3A_615] : memref<6x128x128xf32, #tpu.memory_space<vmem>> -> memref<1x128x128xf32, #tpu.memory_space<vmem>>
      %dma_wait3A_617 = tpu.memref_squeeze %dma_wait3A_616 : memref<1x128x128xf32, #tpu.memory_space<vmem>> -> memref<128x128xf32, #tpu.memory_space<vmem>>
      %dma_wait3A_618 = arith.constant 0 : i32
      %dma_wait3A_619 = tpu.memref_slice %arg5[%dma_wait3A_611, %dma_wait3A_618] : memref<6x128xi32, #tpu.memory_space<vmem>> -> memref<1x128xi32, #tpu.memory_space<vmem>>
      %dma_wait3A_620 = tpu.memref_squeeze %dma_wait3A_619 : memref<1x128xi32, #tpu.memory_space<vmem>> -> memref<128xi32, #tpu.memory_space<vmem>>
      %dma_wait3A_621 = arith.constant 0 : i32
      %dma_wait3A_622 = arith.constant 0 : i32
      %dma_wait3A_623 = tpu.memref_slice %arg2[%dma_wait3A_621, %dma_wait3A_622] : memref<10000x128xf32, #tpu.memory_space<hbm>> -> memref<10000x128xf32, #tpu.memory_space<hbm>>
      %dma_wait3A_624 = tpu.memref_slice %arg8[%dma_wait3A_613] : memref<6x!tpu.dma_semaphore, #tpu.memory_space<semaphore_mem>> -> memref<1x!tpu.dma_semaphore, #tpu.memory_space<semaphore_mem>>
      %dma_wait3A_625 = tpu.memref_squeeze %dma_wait3A_624 : memref<1x!tpu.dma_semaphore, #tpu.memory_space<semaphore_mem>> -> memref<!tpu.dma_semaphore, #tpu.memory_space<semaphore_mem>>
      tpu.wait_indirect_dma semaphore(%dma_wait3A_625 : memref<!tpu.dma_semaphore, #tpu.memory_space<semaphore_mem>>) src(%dma_wait3A_623 : memref<10000x128xf32, #tpu.memory_space<hbm>>) dst(%dma_wait3A_617 : memref<128x128xf32, #tpu.memory_space<vmem>>)
      %mul3A_626 = arith.constant 128 : i32
      %mul3A_627 = arith.muli %add3A_610, %mul3A_626 : i32
      %dma_start3A_628 = arith.constant 4 : i32
      %dma_start3A_629 = arith.constant 4 : i32
      %dma_start3A_630 = arith.constant 0 : i32
      %dma_start3A_631 = arith.constant 0 : i32
      %dma_start3A_632 = tpu.memref_slice %arg6[%dma_start3A_628, %dma_start3A_630, %dma_start3A_631] : memref<6x128x128xf32, #tpu.memory_space<vmem>> -> memref<1x128x128xf32, #tpu.memory_space<vmem>>
      %dma_start3A_633 = tpu.memref_squeeze %dma_start3A_632 : memref<1x128x128xf32, #tpu.memory_space<vmem>> -> memref<128x128xf32, #tpu.memory_space<vmem>>
      %dma_start3A_634 = arith.constant 0 : i32
      %dma_start3A_635 = tpu.memref_slice %arg4[%mul3A_627, %dma_start3A_634] : memref<320000x128xf32, #tpu.memory_space<hbm>> -> memref<128x128xf32, #tpu.memory_space<hbm>>
      %dma_start3A_636 = tpu.memref_slice %arg9[%dma_start3A_629] : memref<6x!tpu.dma_semaphore, #tpu.memory_space<semaphore_mem>> -> memref<1x!tpu.dma_semaphore, #tpu.memory_space<semaphore_mem>>
      %dma_start3A_637 = tpu.memref_squeeze %dma_start3A_636 : memref<1x!tpu.dma_semaphore, #tpu.memory_space<semaphore_mem>> -> memref<!tpu.dma_semaphore, #tpu.memory_space<semaphore_mem>>
      %dma_start3A_638 = arith.constant 0 : i32
      %dma_start3A_639 = tpu.memref_slice %arg4[%mul3A_627, %dma_start3A_638] : memref<320000x128xf32, #tpu.memory_space<hbm>> -> memref<128x128xf32, #tpu.memory_space<hbm>>
      %dma_start3A_640 = arith.constant 0 : i32
      %dma_start3A_641 = arith.constant 0 : i32
      %dma_start3A_642 = tpu.memref_slice %arg6[%dma_start3A_628, %dma_start3A_640, %dma_start3A_641] : memref<6x128x128xf32, #tpu.memory_space<vmem>> -> memref<1x128x128xf32, #tpu.memory_space<vmem>>
      %dma_start3A_643 = tpu.memref_squeeze %dma_start3A_642 : memref<1x128x128xf32, #tpu.memory_space<vmem>> -> memref<128x128xf32, #tpu.memory_space<vmem>>
      tpu.enqueue_dma source(%dma_start3A_643 : memref<128x128xf32, #tpu.memory_space<vmem>>) target(%dma_start3A_639 : memref<128x128xf32, #tpu.memory_space<hbm>>) target_semaphore(%dma_start3A_637 : memref<!tpu.dma_semaphore, #tpu.memory_space<semaphore_mem>>)
      %mul3A_644 = arith.constant 6 : i32
      %mul3A_645 = arith.muli %scan3A_115, %mul3A_644 : i32
      %add3A_646 = arith.constant 5 : i32
      %add3A_647 = arith.addi %mul3A_645, %add3A_646 : i32
      %mul3A_648 = arith.constant 32 : i32
      %mul3A_649 = arith.muli %add3A_647, %mul3A_648 : i32
      %add3A_650 = arith.addi %add3A, %mul3A_649 : i32
      %dma_wait3A_651 = arith.constant 5 : i32
      %dma_wait3A_652 = arith.constant 5 : i32
      %dma_wait3A_653 = arith.constant 5 : i32
      %dma_wait3A_654 = arith.constant 0 : i32
      %dma_wait3A_655 = arith.constant 0 : i32
      %dma_wait3A_656 = tpu.memref_slice %arg6[%dma_wait3A_652, %dma_wait3A_654, %dma_wait3A_655] : memref<6x128x128xf32, #tpu.memory_space<vmem>> -> memref<1x128x128xf32, #tpu.memory_space<vmem>>
      %dma_wait3A_657 = tpu.memref_squeeze %dma_wait3A_656 : memref<1x128x128xf32, #tpu.memory_space<vmem>> -> memref<128x128xf32, #tpu.memory_space<vmem>>
      %dma_wait3A_658 = arith.constant 0 : i32
      %dma_wait3A_659 = tpu.memref_slice %arg5[%dma_wait3A_651, %dma_wait3A_658] : memref<6x128xi32, #tpu.memory_space<vmem>> -> memref<1x128xi32, #tpu.memory_space<vmem>>
      %dma_wait3A_660 = tpu.memref_squeeze %dma_wait3A_659 : memref<1x128xi32, #tpu.memory_space<vmem>> -> memref<128xi32, #tpu.memory_space<vmem>>
      %dma_wait3A_661 = arith.constant 0 : i32
      %dma_wait3A_662 = arith.constant 0 : i32
      %dma_wait3A_663 = tpu.memref_slice %arg2[%dma_wait3A_661, %dma_wait3A_662] : memref<10000x128xf32, #tpu.memory_space<hbm>> -> memref<10000x128xf32, #tpu.memory_space<hbm>>
      %dma_wait3A_664 = tpu.memref_slice %arg8[%dma_wait3A_653] : memref<6x!tpu.dma_semaphore, #tpu.memory_space<semaphore_mem>> -> memref<1x!tpu.dma_semaphore, #tpu.memory_space<semaphore_mem>>
      %dma_wait3A_665 = tpu.memref_squeeze %dma_wait3A_664 : memref<1x!tpu.dma_semaphore, #tpu.memory_space<semaphore_mem>> -> memref<!tpu.dma_semaphore, #tpu.memory_space<semaphore_mem>>
      tpu.wait_indirect_dma semaphore(%dma_wait3A_665 : memref<!tpu.dma_semaphore, #tpu.memory_space<semaphore_mem>>) src(%dma_wait3A_663 : memref<10000x128xf32, #tpu.memory_space<hbm>>) dst(%dma_wait3A_657 : memref<128x128xf32, #tpu.memory_space<vmem>>)
      %mul3A_666 = arith.constant 128 : i32
      %mul3A_667 = arith.muli %add3A_650, %mul3A_666 : i32
      %dma_start3A_668 = arith.constant 5 : i32
      %dma_start3A_669 = arith.constant 5 : i32
      %dma_start3A_670 = arith.constant 0 : i32
      %dma_start3A_671 = arith.constant 0 : i32
      %dma_start3A_672 = tpu.memref_slice %arg6[%dma_start3A_668, %dma_start3A_670, %dma_start3A_671] : memref<6x128x128xf32, #tpu.memory_space<vmem>> -> memref<1x128x128xf32, #tpu.memory_space<vmem>>
      %dma_start3A_673 = tpu.memref_squeeze %dma_start3A_672 : memref<1x128x128xf32, #tpu.memory_space<vmem>> -> memref<128x128xf32, #tpu.memory_space<vmem>>
      %dma_start3A_674 = arith.constant 0 : i32
      %dma_start3A_675 = tpu.memref_slice %arg4[%mul3A_667, %dma_start3A_674] : memref<320000x128xf32, #tpu.memory_space<hbm>> -> memref<128x128xf32, #tpu.memory_space<hbm>>
      %dma_start3A_676 = tpu.memref_slice %arg9[%dma_start3A_669] : memref<6x!tpu.dma_semaphore, #tpu.memory_space<semaphore_mem>> -> memref<1x!tpu.dma_semaphore, #tpu.memory_space<semaphore_mem>>
      %dma_start3A_677 = tpu.memref_squeeze %dma_start3A_676 : memref<1x!tpu.dma_semaphore, #tpu.memory_space<semaphore_mem>> -> memref<!tpu.dma_semaphore, #tpu.memory_space<semaphore_mem>>
      %dma_start3A_678 = arith.constant 0 : i32
      %dma_start3A_679 = tpu.memref_slice %arg4[%mul3A_667, %dma_start3A_678] : memref<320000x128xf32, #tpu.memory_space<hbm>> -> memref<128x128xf32, #tpu.memory_space<hbm>>
      %dma_start3A_680 = arith.constant 0 : i32
      %dma_start3A_681 = arith.constant 0 : i32
      %dma_start3A_682 = tpu.memref_slice %arg6[%dma_start3A_668, %dma_start3A_680, %dma_start3A_681] : memref<6x128x128xf32, #tpu.memory_space<vmem>> -> memref<1x128x128xf32, #tpu.memory_space<vmem>>
      %dma_start3A_683 = tpu.memref_squeeze %dma_start3A_682 : memref<1x128x128xf32, #tpu.memory_space<vmem>> -> memref<128x128xf32, #tpu.memory_space<vmem>>
      tpu.enqueue_dma source(%dma_start3A_683 : memref<128x128xf32, #tpu.memory_space<vmem>>) target(%dma_start3A_679 : memref<128x128xf32, #tpu.memory_space<hbm>>) target_semaphore(%dma_start3A_677 : memref<!tpu.dma_semaphore, #tpu.memory_space<semaphore_mem>>)
    }
    %scan3A_5 = arith.constant 13 : i32
    %dma_wait3A = arith.constant 0 : i32
    %dma_wait3A_6 = arith.constant 0 : i32
    %dma_wait3A_7 = arith.constant 0 : i32
    %dma_wait3A_8 = arith.constant 0 : i32
    %dma_wait3A_9 = tpu.memref_slice %arg6[%dma_wait3A, %dma_wait3A_7, %dma_wait3A_8] : memref<6x128x128xf32, #tpu.memory_space<vmem>> -> memref<1x128x128xf32, #tpu.memory_space<vmem>>
    %dma_wait3A_10 = tpu.memref_squeeze %dma_wait3A_9 : memref<1x128x128xf32, #tpu.memory_space<vmem>> -> memref<128x128xf32, #tpu.memory_space<vmem>>
    %dma_wait3A_11 = arith.constant 0 : i32
    %dma_wait3A_12 = arith.constant 0 : i32
    %dma_wait3A_13 = tpu.memref_slice %arg4[%dma_wait3A_11, %dma_wait3A_12] : memref<320000x128xf32, #tpu.memory_space<hbm>> -> memref<128x128xf32, #tpu.memory_space<hbm>>
    %dma_wait3A_14 = tpu.memref_slice %arg9[%dma_wait3A_6] : memref<6x!tpu.dma_semaphore, #tpu.memory_space<semaphore_mem>> -> memref<1x!tpu.dma_semaphore, #tpu.memory_space<semaphore_mem>>
    %dma_wait3A_15 = tpu.memref_squeeze %dma_wait3A_14 : memref<1x!tpu.dma_semaphore, #tpu.memory_space<semaphore_mem>> -> memref<!tpu.dma_semaphore, #tpu.memory_space<semaphore_mem>>
    %dma_wait3A_16 = arith.constant 0 : i32
    %dma_wait3A_17 = arith.constant 0 : i32
    %dma_wait3A_18 = tpu.memref_slice %arg4[%dma_wait3A_16, %dma_wait3A_17] : memref<320000x128xf32, #tpu.memory_space<hbm>> -> memref<128x128xf32, #tpu.memory_space<hbm>>
    %dma_wait3A_19 = arith.constant 0 : i32
    %dma_wait3A_20 = arith.constant 0 : i32
    %dma_wait3A_21 = tpu.memref_slice %arg6[%dma_wait3A, %dma_wait3A_19, %dma_wait3A_20] : memref<6x128x128xf32, #tpu.memory_space<vmem>> -> memref<1x128x128xf32, #tpu.memory_space<vmem>>
    %dma_wait3A_22 = tpu.memref_squeeze %dma_wait3A_21 : memref<1x128x128xf32, #tpu.memory_space<vmem>> -> memref<128x128xf32, #tpu.memory_space<vmem>>
    tpu.wait_dma2 semaphore(%dma_wait3A_15 : memref<!tpu.dma_semaphore, #tpu.memory_space<semaphore_mem>>) src(%dma_wait3A_22 : memref<128x128xf32, #tpu.memory_space<vmem>>) dst(%dma_wait3A_18 : memref<128x128xf32, #tpu.memory_space<hbm>>)
    %dma_wait3A_23 = arith.constant 1 : i32
    %dma_wait3A_24 = arith.constant 1 : i32
    %dma_wait3A_25 = arith.constant 0 : i32
    %dma_wait3A_26 = arith.constant 0 : i32
    %dma_wait3A_27 = tpu.memref_slice %arg6[%dma_wait3A_23, %dma_wait3A_25, %dma_wait3A_26] : memref<6x128x128xf32, #tpu.memory_space<vmem>> -> memref<1x128x128xf32, #tpu.memory_space<vmem>>
    %dma_wait3A_28 = tpu.memref_squeeze %dma_wait3A_27 : memref<1x128x128xf32, #tpu.memory_space<vmem>> -> memref<128x128xf32, #tpu.memory_space<vmem>>
    %dma_wait3A_29 = arith.constant 0 : i32
    %dma_wait3A_30 = arith.constant 0 : i32
    %dma_wait3A_31 = tpu.memref_slice %arg4[%dma_wait3A_29, %dma_wait3A_30] : memref<320000x128xf32, #tpu.memory_space<hbm>> -> memref<128x128xf32, #tpu.memory_space<hbm>>
    %dma_wait3A_32 = tpu.memref_slice %arg9[%dma_wait3A_24] : memref<6x!tpu.dma_semaphore, #tpu.memory_space<semaphore_mem>> -> memref<1x!tpu.dma_semaphore, #tpu.memory_space<semaphore_mem>>
    %dma_wait3A_33 = tpu.memref_squeeze %dma_wait3A_32 : memref<1x!tpu.dma_semaphore, #tpu.memory_space<semaphore_mem>> -> memref<!tpu.dma_semaphore, #tpu.memory_space<semaphore_mem>>
    %dma_wait3A_34 = arith.constant 0 : i32
    %dma_wait3A_35 = arith.constant 0 : i32
    %dma_wait3A_36 = tpu.memref_slice %arg4[%dma_wait3A_34, %dma_wait3A_35] : memref<320000x128xf32, #tpu.memory_space<hbm>> -> memref<128x128xf32, #tpu.memory_space<hbm>>
    %dma_wait3A_37 = arith.constant 0 : i32
    %dma_wait3A_38 = arith.constant 0 : i32
    %dma_wait3A_39 = tpu.memref_slice %arg6[%dma_wait3A_23, %dma_wait3A_37, %dma_wait3A_38] : memref<6x128x128xf32, #tpu.memory_space<vmem>> -> memref<1x128x128xf32, #tpu.memory_space<vmem>>
    %dma_wait3A_40 = tpu.memref_squeeze %dma_wait3A_39 : memref<1x128x128xf32, #tpu.memory_space<vmem>> -> memref<128x128xf32, #tpu.memory_space<vmem>>
    tpu.wait_dma2 semaphore(%dma_wait3A_33 : memref<!tpu.dma_semaphore, #tpu.memory_space<semaphore_mem>>) src(%dma_wait3A_40 : memref<128x128xf32, #tpu.memory_space<vmem>>) dst(%dma_wait3A_36 : memref<128x128xf32, #tpu.memory_space<hbm>>)
    %dma_wait3A_41 = arith.constant 2 : i32
    %dma_wait3A_42 = arith.constant 2 : i32
    %dma_wait3A_43 = arith.constant 0 : i32
    %dma_wait3A_44 = arith.constant 0 : i32
    %dma_wait3A_45 = tpu.memref_slice %arg6[%dma_wait3A_41, %dma_wait3A_43, %dma_wait3A_44] : memref<6x128x128xf32, #tpu.memory_space<vmem>> -> memref<1x128x128xf32, #tpu.memory_space<vmem>>
    %dma_wait3A_46 = tpu.memref_squeeze %dma_wait3A_45 : memref<1x128x128xf32, #tpu.memory_space<vmem>> -> memref<128x128xf32, #tpu.memory_space<vmem>>
    %dma_wait3A_47 = arith.constant 0 : i32
    %dma_wait3A_48 = arith.constant 0 : i32
    %dma_wait3A_49 = tpu.memref_slice %arg4[%dma_wait3A_47, %dma_wait3A_48] : memref<320000x128xf32, #tpu.memory_space<hbm>> -> memref<128x128xf32, #tpu.memory_space<hbm>>
    %dma_wait3A_50 = tpu.memref_slice %arg9[%dma_wait3A_42] : memref<6x!tpu.dma_semaphore, #tpu.memory_space<semaphore_mem>> -> memref<1x!tpu.dma_semaphore, #tpu.memory_space<semaphore_mem>>
    %dma_wait3A_51 = tpu.memref_squeeze %dma_wait3A_50 : memref<1x!tpu.dma_semaphore, #tpu.memory_space<semaphore_mem>> -> memref<!tpu.dma_semaphore, #tpu.memory_space<semaphore_mem>>
    %dma_wait3A_52 = arith.constant 0 : i32
    %dma_wait3A_53 = arith.constant 0 : i32
    %dma_wait3A_54 = tpu.memref_slice %arg4[%dma_wait3A_52, %dma_wait3A_53] : memref<320000x128xf32, #tpu.memory_space<hbm>> -> memref<128x128xf32, #tpu.memory_space<hbm>>
    %dma_wait3A_55 = arith.constant 0 : i32
    %dma_wait3A_56 = arith.constant 0 : i32
    %dma_wait3A_57 = tpu.memref_slice %arg6[%dma_wait3A_41, %dma_wait3A_55, %dma_wait3A_56] : memref<6x128x128xf32, #tpu.memory_space<vmem>> -> memref<1x128x128xf32, #tpu.memory_space<vmem>>
    %dma_wait3A_58 = tpu.memref_squeeze %dma_wait3A_57 : memref<1x128x128xf32, #tpu.memory_space<vmem>> -> memref<128x128xf32, #tpu.memory_space<vmem>>
    tpu.wait_dma2 semaphore(%dma_wait3A_51 : memref<!tpu.dma_semaphore, #tpu.memory_space<semaphore_mem>>) src(%dma_wait3A_58 : memref<128x128xf32, #tpu.memory_space<vmem>>) dst(%dma_wait3A_54 : memref<128x128xf32, #tpu.memory_space<hbm>>)
    %dma_wait3A_59 = arith.constant 3 : i32
    %dma_wait3A_60 = arith.constant 3 : i32
    %dma_wait3A_61 = arith.constant 0 : i32
    %dma_wait3A_62 = arith.constant 0 : i32
    %dma_wait3A_63 = tpu.memref_slice %arg6[%dma_wait3A_59, %dma_wait3A_61, %dma_wait3A_62] : memref<6x128x128xf32, #tpu.memory_space<vmem>> -> memref<1x128x128xf32, #tpu.memory_space<vmem>>
    %dma_wait3A_64 = tpu.memref_squeeze %dma_wait3A_63 : memref<1x128x128xf32, #tpu.memory_space<vmem>> -> memref<128x128xf32, #tpu.memory_space<vmem>>
    %dma_wait3A_65 = arith.constant 0 : i32
    %dma_wait3A_66 = arith.constant 0 : i32
    %dma_wait3A_67 = tpu.memref_slice %arg4[%dma_wait3A_65, %dma_wait3A_66] : memref<320000x128xf32, #tpu.memory_space<hbm>> -> memref<128x128xf32, #tpu.memory_space<hbm>>
    %dma_wait3A_68 = tpu.memref_slice %arg9[%dma_wait3A_60] : memref<6x!tpu.dma_semaphore, #tpu.memory_space<semaphore_mem>> -> memref<1x!tpu.dma_semaphore, #tpu.memory_space<semaphore_mem>>
    %dma_wait3A_69 = tpu.memref_squeeze %dma_wait3A_68 : memref<1x!tpu.dma_semaphore, #tpu.memory_space<semaphore_mem>> -> memref<!tpu.dma_semaphore, #tpu.memory_space<semaphore_mem>>
    %dma_wait3A_70 = arith.constant 0 : i32
    %dma_wait3A_71 = arith.constant 0 : i32
    %dma_wait3A_72 = tpu.memref_slice %arg4[%dma_wait3A_70, %dma_wait3A_71] : memref<320000x128xf32, #tpu.memory_space<hbm>> -> memref<128x128xf32, #tpu.memory_space<hbm>>
    %dma_wait3A_73 = arith.constant 0 : i32
    %dma_wait3A_74 = arith.constant 0 : i32
    %dma_wait3A_75 = tpu.memref_slice %arg6[%dma_wait3A_59, %dma_wait3A_73, %dma_wait3A_74] : memref<6x128x128xf32, #tpu.memory_space<vmem>> -> memref<1x128x128xf32, #tpu.memory_space<vmem>>
    %dma_wait3A_76 = tpu.memref_squeeze %dma_wait3A_75 : memref<1x128x128xf32, #tpu.memory_space<vmem>> -> memref<128x128xf32, #tpu.memory_space<vmem>>
    tpu.wait_dma2 semaphore(%dma_wait3A_69 : memref<!tpu.dma_semaphore, #tpu.memory_space<semaphore_mem>>) src(%dma_wait3A_76 : memref<128x128xf32, #tpu.memory_space<vmem>>) dst(%dma_wait3A_72 : memref<128x128xf32, #tpu.memory_space<hbm>>)
    %dma_wait3A_77 = arith.constant 4 : i32
    %dma_wait3A_78 = arith.constant 4 : i32
    %dma_wait3A_79 = arith.constant 0 : i32
    %dma_wait3A_80 = arith.constant 0 : i32
    %dma_wait3A_81 = tpu.memref_slice %arg6[%dma_wait3A_77, %dma_wait3A_79, %dma_wait3A_80] : memref<6x128x128xf32, #tpu.memory_space<vmem>> -> memref<1x128x128xf32, #tpu.memory_space<vmem>>
    %dma_wait3A_82 = tpu.memref_squeeze %dma_wait3A_81 : memref<1x128x128xf32, #tpu.memory_space<vmem>> -> memref<128x128xf32, #tpu.memory_space<vmem>>
    %dma_wait3A_83 = arith.constant 0 : i32
    %dma_wait3A_84 = arith.constant 0 : i32
    %dma_wait3A_85 = tpu.memref_slice %arg4[%dma_wait3A_83, %dma_wait3A_84] : memref<320000x128xf32, #tpu.memory_space<hbm>> -> memref<128x128xf32, #tpu.memory_space<hbm>>
    %dma_wait3A_86 = tpu.memref_slice %arg9[%dma_wait3A_78] : memref<6x!tpu.dma_semaphore, #tpu.memory_space<semaphore_mem>> -> memref<1x!tpu.dma_semaphore, #tpu.memory_space<semaphore_mem>>
    %dma_wait3A_87 = tpu.memref_squeeze %dma_wait3A_86 : memref<1x!tpu.dma_semaphore, #tpu.memory_space<semaphore_mem>> -> memref<!tpu.dma_semaphore, #tpu.memory_space<semaphore_mem>>
    %dma_wait3A_88 = arith.constant 0 : i32
    %dma_wait3A_89 = arith.constant 0 : i32
    %dma_wait3A_90 = tpu.memref_slice %arg4[%dma_wait3A_88, %dma_wait3A_89] : memref<320000x128xf32, #tpu.memory_space<hbm>> -> memref<128x128xf32, #tpu.memory_space<hbm>>
    %dma_wait3A_91 = arith.constant 0 : i32
    %dma_wait3A_92 = arith.constant 0 : i32
    %dma_wait3A_93 = tpu.memref_slice %arg6[%dma_wait3A_77, %dma_wait3A_91, %dma_wait3A_92] : memref<6x128x128xf32, #tpu.memory_space<vmem>> -> memref<1x128x128xf32, #tpu.memory_space<vmem>>
    %dma_wait3A_94 = tpu.memref_squeeze %dma_wait3A_93 : memref<1x128x128xf32, #tpu.memory_space<vmem>> -> memref<128x128xf32, #tpu.memory_space<vmem>>
    tpu.wait_dma2 semaphore(%dma_wait3A_87 : memref<!tpu.dma_semaphore, #tpu.memory_space<semaphore_mem>>) src(%dma_wait3A_94 : memref<128x128xf32, #tpu.memory_space<vmem>>) dst(%dma_wait3A_90 : memref<128x128xf32, #tpu.memory_space<hbm>>)
    %dma_wait3A_95 = arith.constant 5 : i32
    %dma_wait3A_96 = arith.constant 5 : i32
    %dma_wait3A_97 = arith.constant 0 : i32
    %dma_wait3A_98 = arith.constant 0 : i32
    %dma_wait3A_99 = tpu.memref_slice %arg6[%dma_wait3A_95, %dma_wait3A_97, %dma_wait3A_98] : memref<6x128x128xf32, #tpu.memory_space<vmem>> -> memref<1x128x128xf32, #tpu.memory_space<vmem>>
    %dma_wait3A_100 = tpu.memref_squeeze %dma_wait3A_99 : memref<1x128x128xf32, #tpu.memory_space<vmem>> -> memref<128x128xf32, #tpu.memory_space<vmem>>
    %dma_wait3A_101 = arith.constant 0 : i32
    %dma_wait3A_102 = arith.constant 0 : i32
    %dma_wait3A_103 = tpu.memref_slice %arg4[%dma_wait3A_101, %dma_wait3A_102] : memref<320000x128xf32, #tpu.memory_space<hbm>> -> memref<128x128xf32, #tpu.memory_space<hbm>>
    %dma_wait3A_104 = tpu.memref_slice %arg9[%dma_wait3A_96] : memref<6x!tpu.dma_semaphore, #tpu.memory_space<semaphore_mem>> -> memref<1x!tpu.dma_semaphore, #tpu.memory_space<semaphore_mem>>
    %dma_wait3A_105 = tpu.memref_squeeze %dma_wait3A_104 : memref<1x!tpu.dma_semaphore, #tpu.memory_space<semaphore_mem>> -> memref<!tpu.dma_semaphore, #tpu.memory_space<semaphore_mem>>
    %dma_wait3A_106 = arith.constant 0 : i32
    %dma_wait3A_107 = arith.constant 0 : i32
    %dma_wait3A_108 = tpu.memref_slice %arg4[%dma_wait3A_106, %dma_wait3A_107] : memref<320000x128xf32, #tpu.memory_space<hbm>> -> memref<128x128xf32, #tpu.memory_space<hbm>>
    %dma_wait3A_109 = arith.constant 0 : i32
    %dma_wait3A_110 = arith.constant 0 : i32
    %dma_wait3A_111 = tpu.memref_slice %arg6[%dma_wait3A_95, %dma_wait3A_109, %dma_wait3A_110] : memref<6x128x128xf32, #tpu.memory_space<vmem>> -> memref<1x128x128xf32, #tpu.memory_space<vmem>>
    %dma_wait3A_112 = tpu.memref_squeeze %dma_wait3A_111 : memref<1x128x128xf32, #tpu.memory_space<vmem>> -> memref<128x128xf32, #tpu.memory_space<vmem>>
    tpu.wait_dma2 semaphore(%dma_wait3A_105 : memref<!tpu.dma_semaphore, #tpu.memory_space<semaphore_mem>>) src(%dma_wait3A_112 : memref<128x128xf32, #tpu.memory_space<vmem>>) dst(%dma_wait3A_108 : memref<128x128xf32, #tpu.memory_space<hbm>>)
    %lt3A = arith.constant 4 : i32
    %lt3A_113 = arith.cmpi slt, %add3A, %lt3A : i32
    %convert_element_type3A = arith.extui %lt3A_113 : i1 to i32
    %cond3A = arith.constant 0 : i32
    %cond3A_114 = arith.cmpi ne, %convert_element_type3A, %cond3A : i32
    scf.if %cond3A_114 {
      %add3A_115 = arith.constant 2496 : i32
      %add3A_116 = arith.addi %add3A_115, %add3A : i32
      %mul3A_117 = arith.constant 128 : i32
      %mul3A_118 = arith.muli %add3A_116, %mul3A_117 : i32
      %run_scoped3A = arith.constant 0 : i32
      "tpu.region"() ({
        %run_scoped3A_149 = tpu.sem_alloc : memref<!tpu.dma_semaphore, #tpu.memory_space<semaphore_mem>>
        %dma_start3A_150 = arith.constant 0 : i32
        %dma_start3A_151 = tpu.memref_slice %arg5[%run_scoped3A, %dma_start3A_150] : memref<6x128xi32, #tpu.memory_space<vmem>> -> memref<1x128xi32, #tpu.memory_space<vmem>>
        %dma_start3A_152 = tpu.memref_squeeze %dma_start3A_151 : memref<1x128xi32, #tpu.memory_space<vmem>> -> memref<128xi32, #tpu.memory_space<vmem>>
        %dma_start3A_153 = tpu.memref_slice %arg3[%mul3A_118] : memref<320000xi32, #tpu.memory_space<hbm>> -> memref<128xi32, #tpu.memory_space<hbm>>
        %dma_start3A_154 = arith.constant 0 : i32
        %dma_start3A_155 = tpu.memref_slice %arg5[%run_scoped3A, %dma_start3A_154] : memref<6x128xi32, #tpu.memory_space<vmem>> -> memref<1x128xi32, #tpu.memory_space<vmem>>
        %dma_start3A_156 = tpu.memref_squeeze %dma_start3A_155 : memref<1x128xi32, #tpu.memory_space<vmem>> -> memref<128xi32, #tpu.memory_space<vmem>>
        %dma_start3A_157 = tpu.memref_slice %arg3[%mul3A_118] : memref<320000xi32, #tpu.memory_space<hbm>> -> memref<128xi32, #tpu.memory_space<hbm>>
        tpu.enqueue_dma source(%dma_start3A_157 : memref<128xi32, #tpu.memory_space<hbm>>) target(%dma_start3A_156 : memref<128xi32, #tpu.memory_space<vmem>>) target_semaphore(%run_scoped3A_149 : memref<!tpu.dma_semaphore, #tpu.memory_space<semaphore_mem>>)
        %dma_wait3A_158 = arith.constant 0 : i32
        %dma_wait3A_159 = tpu.memref_slice %arg5[%run_scoped3A, %dma_wait3A_158] : memref<6x128xi32, #tpu.memory_space<vmem>> -> memref<1x128xi32, #tpu.memory_space<vmem>>
        %dma_wait3A_160 = tpu.memref_squeeze %dma_wait3A_159 : memref<1x128xi32, #tpu.memory_space<vmem>> -> memref<128xi32, #tpu.memory_space<vmem>>
        %dma_wait3A_161 = tpu.memref_slice %arg3[%mul3A_118] : memref<320000xi32, #tpu.memory_space<hbm>> -> memref<128xi32, #tpu.memory_space<hbm>>
        %dma_wait3A_162 = arith.constant 0 : i32
        %dma_wait3A_163 = tpu.memref_slice %arg5[%run_scoped3A, %dma_wait3A_162] : memref<6x128xi32, #tpu.memory_space<vmem>> -> memref<1x128xi32, #tpu.memory_space<vmem>>
        %dma_wait3A_164 = tpu.memref_squeeze %dma_wait3A_163 : memref<1x128xi32, #tpu.memory_space<vmem>> -> memref<128xi32, #tpu.memory_space<vmem>>
        %dma_wait3A_165 = tpu.memref_slice %arg3[%mul3A_118] : memref<320000xi32, #tpu.memory_space<hbm>> -> memref<128xi32, #tpu.memory_space<hbm>>
        tpu.wait_dma2 semaphore(%run_scoped3A_149 : memref<!tpu.dma_semaphore, #tpu.memory_space<semaphore_mem>>) src(%dma_wait3A_165 : memref<128xi32, #tpu.memory_space<hbm>>) dst(%dma_wait3A_164 : memref<128xi32, #tpu.memory_space<vmem>>)
        tpu.yield
      }) : () -> ()
      %dma_start3A = arith.constant 0 : i32
      %dma_start3A_119 = arith.constant 0 : i32
      %dma_start3A_120 = arith.constant 0 : i32
      %dma_start3A_121 = arith.constant 0 : i32
      %dma_start3A_122 = arith.constant 0 : i32
      %dma_start3A_123 = tpu.memref_slice %arg6[%dma_start3A_119, %dma_start3A_121, %dma_start3A_122] : memref<6x128x128xf32, #tpu.memory_space<vmem>> -> memref<1x128x128xf32, #tpu.memory_space<vmem>>
      %dma_start3A_124 = tpu.memref_squeeze %dma_start3A_123 : memref<1x128x128xf32, #tpu.memory_space<vmem>> -> memref<128x128xf32, #tpu.memory_space<vmem>>
      %dma_start3A_125 = arith.constant 0 : i32
      %dma_start3A_126 = tpu.memref_slice %arg5[%dma_start3A, %dma_start3A_125] : memref<6x128xi32, #tpu.memory_space<vmem>> -> memref<1x128xi32, #tpu.memory_space<vmem>>
      %dma_start3A_127 = tpu.memref_squeeze %dma_start3A_126 : memref<1x128xi32, #tpu.memory_space<vmem>> -> memref<128xi32, #tpu.memory_space<vmem>>
      %dma_start3A_128 = arith.constant 0 : i32
      %dma_start3A_129 = arith.constant 0 : i32
      %dma_start3A_130 = tpu.memref_slice %arg2[%dma_start3A_128, %dma_start3A_129] : memref<10000x128xf32, #tpu.memory_space<hbm>> -> memref<10000x128xf32, #tpu.memory_space<hbm>>
      %dma_start3A_131 = tpu.memref_slice %arg8[%dma_start3A_120] : memref<6x!tpu.dma_semaphore, #tpu.memory_space<semaphore_mem>> -> memref<1x!tpu.dma_semaphore, #tpu.memory_space<semaphore_mem>>
      %dma_start3A_132 = tpu.memref_squeeze %dma_start3A_131 : memref<1x!tpu.dma_semaphore, #tpu.memory_space<semaphore_mem>> -> memref<!tpu.dma_semaphore, #tpu.memory_space<semaphore_mem>>
      tpu.enqueue_indirect_dma source(%dma_start3A_130 : memref<10000x128xf32, #tpu.memory_space<hbm>>) target(%dma_start3A_124 : memref<128x128xf32, #tpu.memory_space<vmem>>) offsets(%dma_start3A_127 : memref<128xi32, #tpu.memory_space<vmem>>) semaphore(%dma_start3A_132 : memref<!tpu.dma_semaphore, #tpu.memory_space<semaphore_mem>>)
      %dma_wait3A_133 = arith.constant 0 : i32
      %dma_wait3A_134 = arith.constant 0 : i32
      %dma_wait3A_135 = arith.constant 0 : i32
      %dma_wait3A_136 = arith.constant 0 : i32
      %dma_wait3A_137 = arith.constant 0 : i32
      %dma_wait3A_138 = tpu.memref_slice %arg6[%dma_wait3A_134, %dma_wait3A_136, %dma_wait3A_137] : memref<6x128x128xf32, #tpu.memory_space<vmem>> -> memref<1x128x128xf32, #tpu.memory_space<vmem>>
      %dma_wait3A_139 = tpu.memref_squeeze %dma_wait3A_138 : memref<1x128x128xf32, #tpu.memory_space<vmem>> -> memref<128x128xf32, #tpu.memory_space<vmem>>
      %dma_wait3A_140 = arith.constant 0 : i32
      %dma_wait3A_141 = tpu.memref_slice %arg5[%dma_wait3A_133, %dma_wait3A_140] : memref<6x128xi32, #tpu.memory_space<vmem>> -> memref<1x128xi32, #tpu.memory_space<vmem>>
      %dma_wait3A_142 = tpu.memref_squeeze %dma_wait3A_141 : memref<1x128xi32, #tpu.memory_space<vmem>> -> memref<128xi32, #tpu.memory_space<vmem>>
      %dma_wait3A_143 = arith.constant 0 : i32
      %dma_wait3A_144 = arith.constant 0 : i32
      %dma_wait3A_145 = tpu.memref_slice %arg2[%dma_wait3A_143, %dma_wait3A_144] : memref<10000x128xf32, #tpu.memory_space<hbm>> -> memref<10000x128xf32, #tpu.memory_space<hbm>>
      %dma_wait3A_146 = tpu.memref_slice %arg8[%dma_wait3A_135] : memref<6x!tpu.dma_semaphore, #tpu.memory_space<semaphore_mem>> -> memref<1x!tpu.dma_semaphore, #tpu.memory_space<semaphore_mem>>
      %dma_wait3A_147 = tpu.memref_squeeze %dma_wait3A_146 : memref<1x!tpu.dma_semaphore, #tpu.memory_space<semaphore_mem>> -> memref<!tpu.dma_semaphore, #tpu.memory_space<semaphore_mem>>
      tpu.wait_indirect_dma semaphore(%dma_wait3A_147 : memref<!tpu.dma_semaphore, #tpu.memory_space<semaphore_mem>>) src(%dma_wait3A_145 : memref<10000x128xf32, #tpu.memory_space<hbm>>) dst(%dma_wait3A_139 : memref<128x128xf32, #tpu.memory_space<vmem>>)
      %run_scoped3A_148 = arith.constant 0 : i32
      "tpu.region"() ({
        %run_scoped3A_149 = tpu.sem_alloc : memref<!tpu.dma_semaphore, #tpu.memory_space<semaphore_mem>>
        %dma_start3A_150 = arith.constant 0 : i32
        %dma_start3A_151 = arith.constant 0 : i32
        %dma_start3A_152 = tpu.memref_slice %arg6[%run_scoped3A_148, %dma_start3A_150, %dma_start3A_151] : memref<6x128x128xf32, #tpu.memory_space<vmem>> -> memref<1x128x128xf32, #tpu.memory_space<vmem>>
        %dma_start3A_153 = tpu.memref_squeeze %dma_start3A_152 : memref<1x128x128xf32, #tpu.memory_space<vmem>> -> memref<128x128xf32, #tpu.memory_space<vmem>>
        %dma_start3A_154 = arith.constant 0 : i32
        %dma_start3A_155 = tpu.memref_slice %arg4[%mul3A_118, %dma_start3A_154] : memref<320000x128xf32, #tpu.memory_space<hbm>> -> memref<128x128xf32, #tpu.memory_space<hbm>>
        %dma_start3A_156 = arith.constant 0 : i32
        %dma_start3A_157 = tpu.memref_slice %arg4[%mul3A_118, %dma_start3A_156] : memref<320000x128xf32, #tpu.memory_space<hbm>> -> memref<128x128xf32, #tpu.memory_space<hbm>>
        %dma_start3A_158 = arith.constant 0 : i32
        %dma_start3A_159 = arith.constant 0 : i32
        %dma_start3A_160 = tpu.memref_slice %arg6[%run_scoped3A_148, %dma_start3A_158, %dma_start3A_159] : memref<6x128x128xf32, #tpu.memory_space<vmem>> -> memref<1x128x128xf32, #tpu.memory_space<vmem>>
        %dma_start3A_161 = tpu.memref_squeeze %dma_start3A_160 : memref<1x128x128xf32, #tpu.memory_space<vmem>> -> memref<128x128xf32, #tpu.memory_space<vmem>>
        tpu.enqueue_dma source(%dma_start3A_161 : memref<128x128xf32, #tpu.memory_space<vmem>>) target(%dma_start3A_157 : memref<128x128xf32, #tpu.memory_space<hbm>>) target_semaphore(%run_scoped3A_149 : memref<!tpu.dma_semaphore, #tpu.memory_space<semaphore_mem>>)
        %dma_wait3A_162 = arith.constant 0 : i32
        %dma_wait3A_163 = arith.constant 0 : i32
        %dma_wait3A_164 = tpu.memref_slice %arg6[%run_scoped3A_148, %dma_wait3A_162, %dma_wait3A_163] : memref<6x128x128xf32, #tpu.memory_space<vmem>> -> memref<1x128x128xf32, #tpu.memory_space<vmem>>
        %dma_wait3A_165 = tpu.memref_squeeze %dma_wait3A_164 : memref<1x128x128xf32, #tpu.memory_space<vmem>> -> memref<128x128xf32, #tpu.memory_space<vmem>>
        %dma_wait3A_166 = arith.constant 0 : i32
        %dma_wait3A_167 = tpu.memref_slice %arg4[%mul3A_118, %dma_wait3A_166] : memref<320000x128xf32, #tpu.memory_space<hbm>> -> memref<128x128xf32, #tpu.memory_space<hbm>>
        %dma_wait3A_168 = arith.constant 0 : i32
        %dma_wait3A_169 = tpu.memref_slice %arg4[%mul3A_118, %dma_wait3A_168] : memref<320000x128xf32, #tpu.memory_space<hbm>> -> memref<128x128xf32, #tpu.memory_space<hbm>>
        %dma_wait3A_170 = arith.constant 0 : i32
        %dma_wait3A_171 = arith.constant 0 : i32
        %dma_wait3A_172 = tpu.memref_slice %arg6[%run_scoped3A_148, %dma_wait3A_170, %dma_wait3A_171] : memref<6x128x128xf32, #tpu.memory_space<vmem>> -> memref<1x128x128xf32, #tpu.memory_space<vmem>>
        %dma_wait3A_173 = tpu.memref_squeeze %dma_wait3A_172 : memref<1x128x128xf32, #tpu.memory_space<vmem>> -> memref<128x128xf32, #tpu.memory_space<vmem>>
        tpu.wait_dma2 semaphore(%run_scoped3A_149 : memref<!tpu.dma_semaphore, #tpu.memory_space<semaphore_mem>>) src(%dma_wait3A_173 : memref<128x128xf32, #tpu.memory_space<vmem>>) dst(%dma_wait3A_169 : memref<128x128xf32, #tpu.memory_space<hbm>>)
        tpu.yield
      }) : () -> ()
    } else {
    }
    return
  }
}

module attributes {stable_mosaic.version = 14 : i64} {
  func.func @_xw_body(%arg0: memref<10000x128xf32, #tpu.memory_space<vmem>>, %arg1: memref<128x128xf32, #tpu.memory_space<vmem>>, %arg2: memref<1x128xf32, #tpu.memory_space<vmem>>, %arg3: memref<10000x128xf32, #tpu.memory_space<vmem>>) attributes {dimension_semantics = [], scalar_prefetch = 0 : i64, scratch_operands = 0 : i64, tpu.core_type = #tpu.core_type<tc>} {
    %get3A = arith.constant 0 : index
    %get3A_0 = arith.constant 0 : index
    %get3A_1 = vector.load %arg0[%get3A, %get3A_0] : memref<10000x128xf32, #tpu.memory_space<vmem>>, vector<10000x128xf32>
    %get3A_2 = arith.constant 0 : index
    %get3A_3 = arith.constant 0 : index
    %get3A_4 = vector.load %arg1[%get3A_2, %get3A_3] : memref<128x128xf32, #tpu.memory_space<vmem>>, vector<128x128xf32>
    %dot_general3A = arith.constant dense<0.000000e+00> : vector<10000x128xf32>
    %dot_general3A_5 = tpu.matmul %get3A_1, %get3A_4, %dot_general3A {dimension_numbers = #tpu.dot_dimension_numbers<[1], [0], [0], [1], [0, 0, 1, 1], [], []>, transpose_lhs_hint = false} : vector<10000x128xf32>, vector<128x128xf32>, vector<10000x128xf32> -> vector<10000x128xf32>
    %get3A_6 = arith.constant 0 : index
    %get3A_7 = arith.constant 0 : index
    %get3A_8 = vector.load %arg2[%get3A_6, %get3A_7] : memref<1x128xf32, #tpu.memory_space<vmem>>, vector<1x128xf32>
    %add3A = vector.broadcast %get3A_8 : vector<1x128xf32> to vector<10000x128xf32>
    %add3A_9 = arith.addf %dot_general3A_5, %add3A : vector<10000x128xf32>
    %swap3A = arith.constant 0 : index
    %swap3A_10 = arith.constant 0 : index
    %swap3A_11 = vector.load %arg3[%swap3A, %swap3A_10] : memref<10000x128xf32, #tpu.memory_space<vmem>>, vector<10000x128xf32>
    tpu.vector_store %arg3[%swap3A, %swap3A_10], %add3A_9 {strides = array<i32>} : memref<10000x128xf32, #tpu.memory_space<vmem>>, vector<10000x128xf32>,
    return
  }
}

module attributes {stable_mosaic.version = 14 : i64} {
  func.func @_edge_body(%arg0: i32, %arg1: memref<8000x128xf32, #tpu.memory_space<vmem>>, %arg2: memref<8000x16xf32, #tpu.memory_space<vmem>>, %arg3: memref<16x128xf32, #tpu.memory_space<vmem>>, %arg4: memref<1x128xf32, #tpu.memory_space<vmem>>, %arg5: memref<1x128xf32, #tpu.memory_space<vmem>>, %arg6: memref<8000x128xf32, #tpu.memory_space<vmem>>) attributes {dimension_semantics = [#tpu.dimension_semantics<arbitrary>], iteration_bounds = array<i64: 40>, scalar_prefetch = 0 : i64, scratch_operands = 0 : i64, tpu.core_type = #tpu.core_type<tc>, window_params = [{transform_indices = @transform_0, window_bounds = array<i64: 8000, 128>}, {transform_indices = @transform_1, window_bounds = array<i64: 8000, 16>}, {pipeline_mode = #tpu.pipeline_mode<synchronous>, transform_indices = @transform_2, window_bounds = array<i64: 16, 128>}, {pipeline_mode = #tpu.pipeline_mode<synchronous>, transform_indices = @transform_3, window_bounds = array<i64: 1, 128>}, {pipeline_mode = #tpu.pipeline_mode<synchronous>, transform_indices = @transform_4, window_bounds = array<i64: 1, 128>}, {transform_indices = @transform_5, window_bounds = array<i64: 8000, 128>}]} {
    %get3A = arith.constant 0 : index
    %get3A_0 = arith.constant 0 : index
    %get3A_1 = vector.load %arg1[%get3A, %get3A_0] : memref<8000x128xf32, #tpu.memory_space<vmem>>, vector<8000x128xf32>
    %get3A_2 = arith.constant 0 : index
    %get3A_3 = arith.constant 0 : index
    %get3A_4 = vector.load %arg2[%get3A_2, %get3A_3] : memref<8000x16xf32, #tpu.memory_space<vmem>>, vector<8000x16xf32>
    %get3A_5 = arith.constant 0 : index
    %get3A_6 = arith.constant 0 : index
    %get3A_7 = vector.load %arg3[%get3A_5, %get3A_6] : memref<16x128xf32, #tpu.memory_space<vmem>>, vector<16x128xf32>
    %dot_general3A = arith.constant dense<0.000000e+00> : vector<8000x128xf32>
    %dot_general3A_8 = tpu.matmul %get3A_4, %get3A_7, %dot_general3A {dimension_numbers = #tpu.dot_dimension_numbers<[1], [0], [0], [1], [0, 0, 1, 1], [], []>, transpose_lhs_hint = false} : vector<8000x16xf32>, vector<16x128xf32>, vector<8000x128xf32> -> vector<8000x128xf32>
    %add3A = arith.addf %get3A_1, %dot_general3A_8 : vector<8000x128xf32>
    %reduce_sum3A = arith.constant dense<0.000000e+00> : vector<8000xf32>
    %reduce_sum3A_9 = vector.multi_reduction <add>, %add3A, %reduce_sum3A [1] : vector<8000x128xf32> to vector<8000xf32>
    %broadcast_in_dim3A = vector.shape_cast %reduce_sum3A_9 : vector<8000xf32> to vector<8000x1xf32>
    %div3A = arith.constant 1.280000e+02 : f32
    %div3A_10 = vector.broadcast %div3A : f32 to vector<8000x1xf32>
    %div3A_11 = arith.divf %broadcast_in_dim3A, %div3A_10 : vector<8000x1xf32>
    %sub3A = vector.broadcast %div3A_11 : vector<8000x1xf32> to vector<8000x128xf32>
    %sub3A_12 = arith.subf %add3A, %sub3A : vector<8000x128xf32>
    %mul3A = arith.mulf %sub3A_12, %sub3A_12 : vector<8000x128xf32>
    %reduce_sum3A_13 = arith.constant dense<0.000000e+00> : vector<8000xf32>
    %reduce_sum3A_14 = vector.multi_reduction <add>, %mul3A, %reduce_sum3A_13 [1] : vector<8000x128xf32> to vector<8000xf32>
    %broadcast_in_dim3A_15 = vector.shape_cast %reduce_sum3A_14 : vector<8000xf32> to vector<8000x1xf32>
    %div3A_16 = arith.constant 1.280000e+02 : f32
    %div3A_17 = vector.broadcast %div3A_16 : f32 to vector<8000x1xf32>
    %div3A_18 = arith.divf %broadcast_in_dim3A_15, %div3A_17 : vector<8000x1xf32>
    %add3A_19 = arith.constant 9.99999974E-6 : f32
    %add3A_20 = vector.broadcast %add3A_19 : f32 to vector<8000x1xf32>
    %add3A_21 = arith.addf %div3A_18, %add3A_20 : vector<8000x1xf32>
    %rsqrt3A = math.rsqrt %add3A_21 : vector<8000x1xf32>
    %mul3A_22 = vector.broadcast %rsqrt3A : vector<8000x1xf32> to vector<8000x128xf32>
    %mul3A_23 = arith.mulf %sub3A_12, %mul3A_22 : vector<8000x128xf32>
    %get3A_24 = arith.constant 0 : index
    %get3A_25 = arith.constant 0 : index
    %get3A_26 = vector.load %arg4[%get3A_24, %get3A_25] : memref<1x128xf32, #tpu.memory_space<vmem>>, vector<1x128xf32>
    %mul3A_27 = vector.broadcast %get3A_26 : vector<1x128xf32> to vector<8000x128xf32>
    %mul3A_28 = arith.mulf %mul3A_23, %mul3A_27 : vector<8000x128xf32>
    %get3A_29 = arith.constant 0 : index
    %get3A_30 = arith.constant 0 : index
    %get3A_31 = vector.load %arg5[%get3A_29, %get3A_30] : memref<1x128xf32, #tpu.memory_space<vmem>>, vector<1x128xf32>
    %add3A_32 = vector.broadcast %get3A_31 : vector<1x128xf32> to vector<8000x128xf32>
    %add3A_33 = arith.addf %mul3A_28, %add3A_32 : vector<8000x128xf32>
    %max3A = arith.constant 0.000000e+00 : f32
    %max3A_34 = vector.broadcast %max3A : f32 to vector<8000x128xf32>
    %max3A_35 = arith.maximumf %add3A_33, %max3A_34 : vector<8000x128xf32>
    %swap3A = arith.constant 0 : index
    %swap3A_36 = arith.constant 0 : index
    %swap3A_37 = vector.load %arg6[%swap3A, %swap3A_36] : memref<8000x128xf32, #tpu.memory_space<vmem>>, vector<8000x128xf32>
    tpu.vector_store %arg6[%swap3A, %swap3A_36], %max3A_35 {strides = array<i32>} : memref<8000x128xf32, #tpu.memory_space<vmem>>, vector<8000x128xf32>,
    return
  }
  func.func @transform_0(%arg0: i32) -> (i32, i32) {
    %c0_i32 = arith.constant 0 : i32
    %c0_i32_0 = arith.constant 0 : i32
    return %arg0, %c0_i32 : i32, i32
  }
  func.func @transform_1(%arg0: i32) -> (i32, i32) {
    %c0_i32 = arith.constant 0 : i32
    %c0_i32_0 = arith.constant 0 : i32
    return %arg0, %c0_i32 : i32, i32
  }
  func.func @transform_2(%arg0: i32) -> (i32, i32) {
    %c0_i32 = arith.constant 0 : i32
    %c0_i32_0 = arith.constant 0 : i32
    %c0_i32_1 = arith.constant 0 : i32
    return %c0_i32, %c0_i32_0 : i32, i32
  }
  func.func @transform_3(%arg0: i32) -> (i32, i32) {
    %c0_i32 = arith.constant 0 : i32
    %c0_i32_0 = arith.constant 0 : i32
    %c0_i32_1 = arith.constant 0 : i32
    return %c0_i32, %c0_i32_0 : i32, i32
  }
  func.func @transform_4(%arg0: i32) -> (i32, i32) {
    %c0_i32 = arith.constant 0 : i32
    %c0_i32_0 = arith.constant 0 : i32
    %c0_i32_1 = arith.constant 0 : i32
    return %c0_i32, %c0_i32_0 : i32, i32
  }
  func.func @transform_5(%arg0: i32) -> (i32, i32) {
    %c0_i32 = arith.constant 0 : i32
    %c0_i32_0 = arith.constant 0 : i32
    return %arg0, %c0_i32 : i32, i32
  }
}

module attributes {stable_mosaic.version = 14 : i64} {
  func.func @_node_body(%arg0: memref<2x10112x128xf32, #tpu.memory_space<vmem>>, %arg1: memref<128x128xf32, #tpu.memory_space<vmem>>, %arg2: memref<1x128xf32, #tpu.memory_space<vmem>>, %arg3: memref<1x128xf32, #tpu.memory_space<vmem>>, %arg4: memref<1x128xf32, #tpu.memory_space<vmem>>, %arg5: memref<10000x128xf32, #tpu.memory_space<vmem>>) attributes {dimension_semantics = [], scalar_prefetch = 0 : i64, scratch_operands = 0 : i64, tpu.core_type = #tpu.core_type<tc>} {
    %get3A = arith.constant 0 : index
    %get3A_0 = arith.constant 0 : index
    %get3A_1 = arith.constant 0 : index
    %get3A_2 = vector.load %arg0[%get3A, %get3A_0, %get3A_1] : memref<2x10112x128xf32, #tpu.memory_space<vmem>>, vector<1x10000x128xf32>
    %get3A_3 = vector.shape_cast %get3A_2 : vector<1x10000x128xf32> to vector<10000x128xf32>
    %get3A_4 = arith.constant 1 : index
    %get3A_5 = arith.constant 0 : index
    %get3A_6 = arith.constant 0 : index
    %get3A_7 = vector.load %arg0[%get3A_4, %get3A_5, %get3A_6] : memref<2x10112x128xf32, #tpu.memory_space<vmem>>, vector<1x10000x128xf32>
    %get3A_8 = vector.shape_cast %get3A_7 : vector<1x10000x128xf32> to vector<10000x128xf32>
    %add3A = arith.addf %get3A_3, %get3A_8 : vector<10000x128xf32>
    %get3A_9 = arith.constant 0 : index
    %get3A_10 = arith.constant 0 : index
    %get3A_11 = vector.load %arg1[%get3A_9, %get3A_10] : memref<128x128xf32, #tpu.memory_space<vmem>>, vector<128x128xf32>
    %dot_general3A = arith.constant dense<0.000000e+00> : vector<10000x128xf32>
    %dot_general3A_12 = tpu.matmul %add3A, %get3A_11, %dot_general3A {dimension_numbers = #tpu.dot_dimension_numbers<[1], [0], [0], [1], [0, 0, 1, 1], [], []>, transpose_lhs_hint = false} : vector<10000x128xf32>, vector<128x128xf32>, vector<10000x128xf32> -> vector<10000x128xf32>
    %get3A_13 = arith.constant 0 : index
    %get3A_14 = arith.constant 0 : index
    %get3A_15 = vector.load %arg2[%get3A_13, %get3A_14] : memref<1x128xf32, #tpu.memory_space<vmem>>, vector<1x128xf32>
    %add3A_16 = vector.broadcast %get3A_15 : vector<1x128xf32> to vector<10000x128xf32>
    %add3A_17 = arith.addf %dot_general3A_12, %add3A_16 : vector<10000x128xf32>
    %reduce_sum3A = arith.constant dense<0.000000e+00> : vector<10000xf32>
    %reduce_sum3A_18 = vector.multi_reduction <add>, %add3A_17, %reduce_sum3A [1] : vector<10000x128xf32> to vector<10000xf32>
    %broadcast_in_dim3A = vector.shape_cast %reduce_sum3A_18 : vector<10000xf32> to vector<10000x1xf32>
    %div3A = arith.constant 1.280000e+02 : f32
    %div3A_19 = vector.broadcast %div3A : f32 to vector<10000x1xf32>
    %div3A_20 = arith.divf %broadcast_in_dim3A, %div3A_19 : vector<10000x1xf32>
    %sub3A = vector.broadcast %div3A_20 : vector<10000x1xf32> to vector<10000x128xf32>
    %sub3A_21 = arith.subf %add3A_17, %sub3A : vector<10000x128xf32>
    %mul3A = arith.mulf %sub3A_21, %sub3A_21 : vector<10000x128xf32>
    %reduce_sum3A_22 = arith.constant dense<0.000000e+00> : vector<10000xf32>
    %reduce_sum3A_23 = vector.multi_reduction <add>, %mul3A, %reduce_sum3A_22 [1] : vector<10000x128xf32> to vector<10000xf32>
    %broadcast_in_dim3A_24 = vector.shape_cast %reduce_sum3A_23 : vector<10000xf32> to vector<10000x1xf32>
    %div3A_25 = arith.constant 1.280000e+02 : f32
    %div3A_26 = vector.broadcast %div3A_25 : f32 to vector<10000x1xf32>
    %div3A_27 = arith.divf %broadcast_in_dim3A_24, %div3A_26 : vector<10000x1xf32>
    %add3A_28 = arith.constant 9.99999974E-6 : f32
    %add3A_29 = vector.broadcast %add3A_28 : f32 to vector<10000x1xf32>
    %add3A_30 = arith.addf %div3A_27, %add3A_29 : vector<10000x1xf32>
    %rsqrt3A = math.rsqrt %add3A_30 : vector<10000x1xf32>
    %mul3A_31 = vector.broadcast %rsqrt3A : vector<10000x1xf32> to vector<10000x128xf32>
    %mul3A_32 = arith.mulf %sub3A_21, %mul3A_31 : vector<10000x128xf32>
    %get3A_33 = arith.constant 0 : index
    %get3A_34 = arith.constant 0 : index
    %get3A_35 = vector.load %arg3[%get3A_33, %get3A_34] : memref<1x128xf32, #tpu.memory_space<vmem>>, vector<1x128xf32>
    %mul3A_36 = vector.broadcast %get3A_35 : vector<1x128xf32> to vector<10000x128xf32>
    %mul3A_37 = arith.mulf %mul3A_32, %mul3A_36 : vector<10000x128xf32>
    %get3A_38 = arith.constant 0 : index
    %get3A_39 = arith.constant 0 : index
    %get3A_40 = vector.load %arg4[%get3A_38, %get3A_39] : memref<1x128xf32, #tpu.memory_space<vmem>>, vector<1x128xf32>
    %add3A_41 = vector.broadcast %get3A_40 : vector<1x128xf32> to vector<10000x128xf32>
    %add3A_42 = arith.addf %mul3A_37, %add3A_41 : vector<10000x128xf32>
    %max3A = arith.constant 0.000000e+00 : f32
    %max3A_43 = vector.broadcast %max3A : f32 to vector<10000x128xf32>
    %max3A_44 = arith.maximumf %add3A_42, %max3A_43 : vector<10000x128xf32>
    %swap3A = arith.constant 0 : index
    %swap3A_45 = arith.constant 0 : index
    %swap3A_46 = vector.load %arg5[%swap3A, %swap3A_45] : memref<10000x128xf32, #tpu.memory_space<vmem>>, vector<10000x128xf32>
    tpu.vector_store %arg5[%swap3A, %swap3A_45], %max3A_44 {strides = array<i32>} : memref<10000x128xf32, #tpu.memory_space<vmem>>, vector<10000x128xf32>,
    return
  }
}

</mosaic_0001>

<sc_bundles>
// kernel: kernel.10.cloned.1.call-start
scs
__scs_entry_jumppad:
0x0: {  	(pc) =	sbr.rel $0x88, $3  }
0x1: {  	(tag) =	ssettag $0x0;
	lr =	simm.s32 $0x1  }
0x2: {  	[smem:$0x3F96] =	sst lr;
	_ =	strace $0xD0000000  }
0x3: {  	_ = 	snop  }
0x4: {  	_ = 	snop  }
0x5: {  	_ = 	snop  }
0x6: {  	_ = 	snop  }
0x7: {  	_ = 	snop  }
__scs_overlays_trampoline_lowered:
0x8: {  	[smem:$0x3FA5] =	sst s0  }
0x9: {  	[smem:$0x3FA6] =	sst s1  }
0xa: {  	[smem:$0x3FA7] =	sst s2  }
0xb: {  	[smem:$0x3FA8] =	sst s3  }
0xc: {  	[smem:$0x3FA9] =	sst s4  }
0xd: {  	[smem:$0x3FAA] =	sst s5  }
0xe: {  	[smem:$0x3FAB] =	sst s6  }
0xf: {  	[smem:$0x3FAC] =	sst s7  }
0x10: {  	[smem:$0x3FAD] =	sst s8  }
0x11: {  	[smem:$0x3FAE] =	sst s9;
	s0 =	simm.s32 @!p0 $0x0  }
0x12: {  	s1 =	sld [smem:$0x3F94];
	s0 =	simm.s32 @p0 $0x1  }
0x13: {  	[smem:$0x3FAF] =	sst s0;
	s0 =	simm.s32 @!p1 $0x0  }
0x14: {  	s2 =	sld [smem:$0x3F93];
	s0 =	simm.s32 @p1 $0x1  }
0x15: {  	[smem:$0x3FB0] =	sst s0;
	s0 =	simm.s32 @!p2 $0x0  }
0x16: {  	s3 =	sld [smem:$0x3FDB];
	s0 =	simm.s32 @p2 $0x1  }
0x17: {  	s4 =	simm.s32 $0x1BF5;
	[smem:$0x3FB2] =	sst s0  }
0x18: {  	s0 =	sld [smem:$0x3F95];
	_ =	swait.ge [sflag:s4], $0x0  }
0x19: {  	s7 =	sld [smem:$0x3F96]  }
0x1a: {  	s8 =	sadd.s32 $0xFFFFE003, lr  }
0x1b: {  	s9 =	sadd.s32 $0xFFFFFEF7, lr;
	s5 =	simm.s32 $0xFFFFFFFF;
	p2 =	slt.u32 s8, $0xFFFFF086  }
0x1c: {  	p1 =	slt.u32 s9, $0xF7A;
	s5 =	simm.s32 @!p2 $0x0  }
0x1d: {  	s5 =	simm.s32 @p1 $0x1;
	p0 =	seq.s32 s7, s2  }
0x1e: {  	s7 =	smul.u32 @!p0 $0xF7A, s2;
	p2 =	seq.s32 @!p0 s5, $0x0  }
0x1f: {  	s9 =	smul.u32 $0xF7A, s1;
	s8 =	simm.s32 @!p0 $0x1BF5;
	p2 =	por !p2, p0  }
0x20: {  	[sflag:s8] =	ssyncset.s32 @!p0 $0xFFFFF086;
	s6 =	sadd.s32 @!p0 s3, s7;
	s7 =	simm.s32 @!p0 $0x108  }
0x21: {  	s3 =	sadd.s32 s3, s9;
	s6 =	sadd.s32 @!p0 $0x88, s6;
	s7 =	simm.s32 @p2 $0x1082  }
0x22: {  	[simem:s7], [sflag:s8] =	dma.local @!p0 [hbm:s6], $0xF7A  }
0x23: {  	s9 =	sor.u32 $0xD0000000, s2;
	s6 =	simm.s32 $0x108;
	_ =	swait.ge @!p0 [sflag:s8], $0x0  }
0x24: {  	s3 =	sadd.s32 $0x88, s3;
	s6 =	simm.s32 @!p1 $0x1082;
	[sflag:s4] =	ssyncset.s32 $0xFFFFF086  }
0x25: {  	[simem:s6], [sflag:s4] =	dma.local [hbm:s3], $0xF7A  }
0x26: {  	[smem:$0x3F96] =	sst s1;
	(tag) =	ssettag s2;
	_ =	strace s9  }
0x27: {  	s1 =	sld [smem:$0x3FA6]  }
0x28: {  	s2 =	sld [smem:$0x3FA7]  }
0x29: {  	s4 =	sld [smem:$0x3FA9]  }
0x2a: {  	p0 =	seq.s32 s5, $0x0;
	s5 =	sld [smem:$0x3FAA]  }
0x2b: {  	s6 =	sld [smem:$0x3FAB]  }
0x2c: {  	s7 =	sld [smem:$0x3FAC]  }
0x2d: {  	s3 =	simm.s32 $0x108;
	s8 =	sld [smem:$0x3FAD]  }
0x2e: {  	s3 =	simm.s32 @!p0 $0x1082;
	s9 =	sld [smem:$0x3FAE]  }
0x2f: {  	lr =	sadd.s32 s0, s3;
	s0 =	sld [smem:$0x3FA5]  }
0x30: {  	s3 =	sld [smem:$0x3FA8]  }
0x31: {  	[smem:$0x3FB1] =	sst s10  }
0x32: {  	s10 =	sld [smem:$0x3FAF];
	_ =	sdelay $0x3  }
0x33: {  	p0 =	seq.s32 s10, $0x1;
	s10 =	sld [smem:$0x3FB1];
	_ =	sdelay $0x3  }
0x34: {  	[smem:$0x3FB1] =	sst s10  }
0x35: {  	s10 =	sld [smem:$0x3FB0];
	_ =	sdelay $0x3  }
0x36: {  	p1 =	seq.s32 s10, $0x1;
	s10 =	sld [smem:$0x3FB1];
	_ =	sdelay $0x3  }
0x37: {  	[smem:$0x3FB1] =	sst s10  }
0x38: {  	s10 =	sld [smem:$0x3FB2]  }
0x39: {  	_ = 	snop;
	(pc) =	sbr.ind lr, $3  }
0x3a: {  	_ = 	snop  }
0x3b: {  	_ = 	snop  }
0x3c: {  	p2 =	seq.s32 s10, $0x1;
	s10 =	sld [smem:$0x3FB1]  }
0x3d: {  	_ =	shalt  }
0x3e: {  	_ =	shalt  }
0x3f: {  	_ =	shalt  }
0x40: {  	_ =	shalt  }
0x41: {  	_ =	shalt  }
0x42: {  	_ =	shalt  }
0x43: {  	_ =	shalt  }
0x44: {  	_ =	shalt  }
0x45: {  	_ =	shalt  }
0x46: {  	_ =	shalt  }
0x47: {  	_ =	shalt  }
0x48: {  	_ =	shalt  }
0x49: {  	_ =	shalt  }
0x4a: {  	_ =	shalt  }
0x4b: {  	_ =	shalt  }
0x4c: {  	_ =	shalt  }
0x4d: {  	_ =	shalt  }
0x4e: {  	_ =	shalt  }
0x4f: {  	_ =	shalt  }
0x50: {  	_ =	shalt  }
0x51: {  	_ =	shalt  }
0x52: {  	_ =	shalt  }
0x53: {  	_ =	shalt  }
0x54: {  	_ =	shalt  }
0x55: {  	_ =	shalt  }
0x56: {  	_ =	shalt  }
0x57: {  	_ =	shalt  }
0x58: {  	_ =	shalt  }
0x59: {  	_ =	shalt  }
0x5a: {  	_ =	shalt  }
0x5b: {  	_ =	shalt  }
0x5c: {  	_ =	shalt  }
0x5d: {  	_ =	shalt  }
0x5e: {  	_ =	shalt  }
0x5f: {  	_ =	shalt  }
0x60: {  	_ =	shalt  }
0x61: {  	_ =	shalt  }
0x62: {  	_ =	shalt  }
0x63: {  	_ =	shalt  }
0x64: {  	_ =	shalt  }
0x65: {  	_ =	shalt  }
0x66: {  	_ =	shalt  }
0x67: {  	_ =	shalt  }
0x68: {  	_ =	shalt  }
0x69: {  	_ =	shalt  }
0x6a: {  	_ =	shalt  }
0x6b: {  	_ =	shalt  }
0x6c: {  	_ =	shalt  }
0x6d: {  	_ =	shalt  }
0x6e: {  	_ =	shalt  }
0x6f: {  	_ =	shalt  }
0x70: {  	_ =	shalt  }
0x71: {  	_ =	shalt  }
0x72: {  	_ =	shalt  }
0x73: {  	_ =	shalt  }
0x74: {  	_ =	shalt  }
0x75: {  	_ =	shalt  }
0x76: {  	_ =	shalt  }
0x77: {  	_ =	shalt  }
0x78: {  	_ =	shalt  }
0x79: {  	_ =	shalt  }
0x7a: {  	_ =	shalt  }
0x7b: {  	_ =	shalt  }
0x7c: {  	_ =	shalt  }
0x7d: {  	_ =	shalt  }
0x7e: {  	_ =	shalt  }
0x7f: {  	_ =	shalt  }
0x80: {  	_ =	shalt  }
0x81: {  	_ =	shalt  }
0x82: {  	_ =	shalt  }
0x83: {  	_ =	shalt  }
0x84: {  	_ =	shalt  }
0x85: {  	_ =	shalt  }
0x86: {  	_ =	shalt  }
0x87: {  	_ =	shalt  }
.Lfunc_end0:
.L_simem_size_0:
called_computation.1_lowered:
.L_overlay_start_0:
0x88: {  	s2 =	sld [smem:$0x3FD9]  }
0x89: {  	s3 =	sld [smem:$0x3FFE];
	_ =	sdelay $0x1  }
0x8a: {  	s1 =	srdreg.scid  }
0x8b: {  	s0 =	sand.u32 $0x1, s1  }
0x8c: {  	s17 =	sshll.u32 s0, $0xA;
	s2 =	sadd.s32 s3, s2  }
0x8d: {  	s2 =	sadd.s32 s2, s17  }
0x8e: {  	[smem:$0x3FBD] =	sst s2  }
0x8f: {  	_ = 	snop  }
0x90: {  	s2 =	sld [smem:$0x3FD0];
	(tm) =	ssettm $0x1  }
0x91: {  	s18 =	sld [smem:$0x3FFB];
	_ =	sdelay $0x3  }
0x92: {  	_ =	strace s18  }
0x93: {  	s3 =	sld [smem:$0x3FFC];
	_ =	sdelay $0x3  }
0x94: {  	_ =	strace s3  }
0x95: {  	s3 =	sld [smem:$0x3FFD];
	_ =	sdelay $0x3  }
0x96: {  	_ =	strace s3  }
0x97: {  	_ =	strace $0x8FFFFFFF  }
0x98: {  	s19 =	sld [smem:$0x3FDB];
	_ =	sdelay $0x1  }
0x99: {  	s4 =	simm.s32 $_scs_section_size  }
0x9a: {  	s5 =	simm.s32 $_size__tile_overlayer_lowered;
	s6 =	simm.s32 $_tile_overlayer_lowered  }
0x9b: {  	s22 =	simm.s32 $0x1BFF;
	s21 =	sshll.u32 s6, $0x1;
	s3 =	sadd.s32 s4, s19  }
0x9c: {  	s7 =	simm.s32 $0x0;
	s20 =	sshll.u32 s5, $0x1;
	s5 =	sadd.s32 s21, s3  }
0x9d: {  	[timem:s7], [sflag:s22] =	dma.local [hbm:s5], s20  }
0x9e: {  	_ =	swait.ge [sflag:s22], s20  }
0x9f: {  	s4 =	ssub.s32 $0x0, s20;
	[sflag:s22] =	ssyncset.done $0x0  }
0xa0: {  	[sflag:s22] =	ssyncadd.s32 s4;
	_ =	sdelay $0x1  }
0xa1: {  	s23 =	simm.s32 $0x1B8B  }
0xa2: {  	_ =	swait.ge [sflag:s23], $0x1  }
0xa3: {  	[sflag:s23] =	ssyncset.done $0x0  }
0xa4: {  	s25 =	simm.s32 $0x1B8E;
	s24 =	sld [smem:$0x3FFE];
	[sflag:s23] =	ssyncadd.s32 $0xFFFFFFFF  }
0xa5: {  	s26 =	simm.s32 $execute0_lowered;
	[smem:$0x3FD2] =	sst s25  }
0xa6: {  	s5 =	sshll.u32 s26, $0x1;
	_ =	strace $0x80000049;
	[dreg:$0x1] =	wrdreg $0xFFFFFFFF  }
0xa7: {  	s28 =	simm.s32 $_size_execute0_lowered;
	s3 =	sadd.s32 s3, s5;
	[dreg:$0x0] =	wrdreg $0x0  }
0xa8: {  	s5 =	sshll.u32 s28, $0x1;
	[dreg:$0x2] =	wrdreg s3  }
0xa9: {  	[dreg:$0x3] =	wrdreg s5  }
0xaa: {  	[dreg:$0x4] =	wrdreg $0xC0  }
0xab: {  	_ =	task [dreg:s7], $0x5FFFF  }
0xac: {  	[dreg:$0x1] =	wrdreg $0xFFFFFFFF  }
0xad: {  	[dreg:$0x0] =	wrdreg $0x60  }
0xae: {  	[dreg:$0x2] =	wrdreg s24  }
0xaf: {  	[dreg:$0x3] =	wrdreg s2  }
0xb0: {  	[dreg:$0x4] =	wrdreg $0xC4000  }
0xb1: {  	[dreg:$0x5] =	wrdreg $0x9  }
0xb2: {  	_ =	task.clear_ibuf [dreg:s7], $0x6FFFF;
	_ =	strace $0x90000049  }
0xb3: {  	s29 =	simm.s32 $0x9;
	_ =	strace $0x8000004B  }
0xb4: {  	_ =	swait.ge [sflag:s29], $0x1  }
0xb5: {  	[sflag:s29] =	ssyncadd.s32 $0xFFFFFFFF  }
0xb6: {  	_ =	strace $0x9000004B  }
0xb7: {  	_ =	sfence  }
0xb8: {  	s30 =	sld [smem:$0x0];
	_ =	sdelay $0x2  }
0xb9: {  	s31 =	sshll.u32 s1, $0xD;
	s1 =	sshrl.u32 s1, $0x2  }
0xba: {  	s3 =	sand.u32 $0x4000, s31;
	s1 =	sadd.s32 s1, s30  }
0xbb: {  	s0 =	sor.u32 s3, s0;
	s1 =	sshll.u32 s1, $0x11  }
0xbc: {  	s0 =	sor.u32 s1, s0  }
0xbd: {  	s0 =	sadd.s32 $0x8F2B, s0  }
0xbe: {  	[sflag:s0] =	ssyncadd.remote.s32 $0x1  }
0xbf: {  	_ =	sfence.sel $0xFFFF  }
0xc0: {  	[dreg:$0x0] =	wrdreg $0xFFFFFFFF;
	(pc) =	sbr.abs _section_cstart, $3  }
0xc1: {  	[dreg:$0x1] =	wrdreg $0xFFFFFFFF  }
0xc2: {  	_ =	task.clear_ibuf [dreg:s7], $0x2FFFF;
	_ =	strace $0x9FFFFFFF  }
0xc3: {  	(tm) =	ssettm $0x7FFFFFFF  }
tec
execute0_lowered:
.L_overlay_start_1:
0x0: {  	(tag) =	ssettag $0x1  }
0x1: {  	s0 =	rddreg [dreg:$0x0]  }
0x2: {  	s2 =	rddreg [dreg:$0x2]  }
0x3: {  	s4 =	simm.s32 $0x0;
	s1 =	srdreg.scid;
	s11 =	stileid.u32  }
0x4: {  	s28 =	simm.s32 $0x5;
	s29 =	simm.s32 $0x3;
	s30 =	simm.s32 $0x6  }
0x5: {  	s31 =	simm.s32 $0x7;
	[smem:$0x7FF] =	sst s4;
	s5 =	smul.u32 $0x13C00, s11  }
0x6: {  	s1 =	sand.u32 $0x1, s1;
	s7 =	sadd.s32 $0x9D9200, s0;
	s8 =	smul.u32 $0x4F000, s11  }
0x7: {  	s10 =	sadd.s32 $0x1600, s0;
	s12 =	sadd.s32 $0xB400, s0;
	s3 =	smul.u32 $0x13C000, s1  }
0x8: {  	s26 =	sshll.u32 s11, $0x6;
	p0 =	sgt.u32 s11, $0x1;
	s22 =	smul.u32 $0x4E2, s1  }
0x9: {  	_ =	strace $0x8000004A;
	s6 =	ssub.s32 $0x2, s1;
	s19 =	smul.u32 $0x271000, s1  }
0xa: {  	s1 =	smul.u32 $0x4E20, s1;
	s23 =	sshrl.u32 s6, $0x1;
	s24 =	sshrl.u32 s8, $0x2  }
0xb: {  	s3 =	sadd.s32 s5, s3;
	s5 =	sadd.s32 s11, s22;
	s22 =	sadd.s32 s19, s7  }
0xc: {  	s19 =	simm.s32 $0x180;
	s3 =	sshrl.u32 s3, $0x3;
	s25 =	sadd.s32 $0x4E0, s5  }
0xd: {  	s0 =	sadd.s32 s3, s0;
	s3 =	ssub.s32 s6, s23;
	s6 =	sadd.s32 s24, s2  }
0xe: {  	s9 =	sshll.u32 s25, $0x4;
	s8 =	sshll.u32 s25, $0xB;
	s23 =	sadd.s32 s1, s12  }
0xf: {  	s24 =	sshll.u32 s11, $0x4;
	[dreg:$0xa] =	wrdreg s6;
	s13 =	sadd.s32 s10, s9  }
0x10: {  	s25 =	sshll.u32 s11, $0xB;
	s9 =	sadd.s32 s12, s9;
	[dreg:$0xb] =	wrdreg s13  }
0x11: {  	s1 =	sadd.s32 s1, s10;
	s8 =	sadd.s32 s7, s8;
	[dreg:$0xc] =	wrdreg s9  }
0x12: {  	s6 =	sor.u32 $0x1C0A, s26;
	s0 =	sadd.s32 $0x15200, s0;
	[dreg:$0xd] =	wrdreg s8  }
0x13: {  	s3 =	smax.u32 s3, $0x1;
	s26 =	sadd.s32 s24, s1;
	[dreg:$0xe] =	wrdreg s0  }
0x14: {  	s1 =	simm.s32 $0x0;
	s9 =	sshll.u32 s5, $0x4;
	[dreg:$0xf] =	wrdreg s3  }
0x15: {  	s13 =	sshll.u32 s5, $0xB;
	s3 =	sadd.s32 s24, s23;
	[dreg:$0x9] =	wrdreg s26  }
0x16: {  	s23 =	simm.s32 $0x8400;
	s24 =	simm.s32 $0x1;
	s14 =	sadd.s32 $0x200, s9  }
0x17: {  	s26 =	simm.s32 $0x2;
	[dreg:$0x8] =	wrdreg s3;
	s15 =	sadd.s32 s14, s10  }
0x18: {  	s17 =	sadd.s32 $0x100, s9;
	s16 =	sadd.s32 s14, s12;
	[dreg:$0x4] =	wrdreg s15  }
0x19: {  	s0 =	sadd.s32 s7, s13;
	s18 =	sadd.s32 s17, s10;
	[dreg:$0x5] =	wrdreg s16  }
0x1a: {  	s7 =	sadd.s32 s25, s22;
	s21 =	sadd.s32 $0x10000, s0;
	[dreg:$0x6] =	wrdreg s18  }
0x1b: {  	s22 =	simm.s32 $0x280;
	s0 =	sadd.s32 $0x8000, s0;
	[dreg:$0x10] =	wrdreg s21  }
0x1c: {  	s25 =	simm.s32 $0x4;
	s20 =	sadd.s32 s17, s12;
	[dreg:$0x11] =	wrdreg s0  }
0x1d: {  	s3 =	simm.s32 $0x9;
	s17 =	simm.s32 $0x400;
	[dreg:$0x7] =	wrdreg s20  }
0x1e: {  	s15 =	simm.s32 $0xA;
	s16 =	simm.s32 $0x80;
	s18 =	simm.s32 $0x100  }
0x1f: {  	s20 =	simm.s32 $0x4400;
	s21 =	simm.s32 $0x200;
	s0 =	simm.s32 $0x8  }
.LBB2_1:
0x20: {  	s5 =	rddreg [dreg:$0xa]  }
0x21: {  	s8 =	rddreg [dreg:$0x1];
	s5 =	sshrl.u32 s5, $0x3  }
0x22: {  	[spmem:s5], [sflag:s6] =	dma.local [hbm:s8], $0x2780  }
0x23: {  	_ =	swait.ge [sflag:s15], $0x2780  }
0x24: {  	[sflag:s15] =	ssyncset.done $0x0  }
0x25: {  	[sflag:s15] =	ssyncadd.s32 $0xFFFFD880  }
0x26: {  	[bflag:$0x0] =	sbarrier.arrive $0xFFFF  }
0x27: {  	s13 =	rddreg [dreg:$0x11]  }
0x28: {  	s14 =	smov.u32 s7;
	s10 =	simm.s32 $0x0;
	s12 =	rddreg [dreg:$0x10]  }
.LBB2_2:
0x29: {  	p1 =	seq.s32 s10, $0x0  }
0x2a: {  	s11 =	simm.s32 @!p1 $0x7  }
0x2b: {  	_ =	swait.ge @!p1 [sflag:s11], $0x4000  }
0x2c: {  	s9 =	rddreg [dreg:$0x9];
	[sflag:s11] =	ssyncset.done @!p1 $0x0  }
0x2d: {  	s8 =	rddreg [dreg:$0x8];
	[sflag:s11] =	ssyncadd.s32 @!p1 $0xFFFFC000;
	s9 =	sadd.s32 s10, s9  }
0x2e: {  	[tilespmem:s4], [sflag:$0x1] =	stream.linear.gather [hbm4b:s9+s4], $0x80, $0x38;
	v63 =	vld [tilespmem:$0x0]  }
0x2f: {  	s8 =	sadd.s32 s10, s8  }
0x30: {  	[tilespmem:s16], [sflag:$0x1] =	stream.linear.gather [hbm4b:s8+s4], $0x80, $0x38;
	v63 =	vld [tilespmem:$0x0]  }
0x31: {  	s8 =	simm.s32 @!p1 $0x8  }
0x32: {  	[tilespmem:s17], [sflag:$0x4] =	stream.linear.gather [hbm4b:s14+s4], $0x4000, $0x38;
	v63 =	vld [tilespmem:$0x0]  }
0x33: {  	_ =	swait.ge @!p1 [sflag:s8], $0x4000  }
0x34: {  	s9 =	rddreg [dreg:$0x6];
	[sflag:s8] =	ssyncset.done @!p1 $0x0  }
0x35: {  	s11 =	rddreg [dreg:$0x7];
	[sflag:s8] =	ssyncadd.s32 @!p1 $0xFFFFC000;
	s9 =	sadd.s32 s10, s9  }
0x36: {  	[tilespmem:s18], [sflag:$0x2] =	stream.linear.gather [hbm4b:s9+s4], $0x80, $0x38;
	v63 =	vld [tilespmem:$0x0]  }
0x37: {  	s11 =	sadd.s32 s10, s11  }
0x38: {  	[tilespmem:s19], [sflag:$0x2] =	stream.linear.gather [hbm4b:s11+s4], $0x80, $0x38;
	v63 =	vld [tilespmem:$0x0]  }
0x39: {  	s8 =	simm.s32 @!p1 $0x9  }
0x3a: {  	[tilespmem:s20], [sflag:$0x5] =	stream.linear.gather [hbm4b:s13+s4], $0x4000, $0x38;
	v63 =	vld [tilespmem:$0x0]  }
0x3b: {  	_ =	swait.ge @!p1 [sflag:s8], $0x4000  }
0x3c: {  	s9 =	rddreg [dreg:$0x4];
	[sflag:s8] =	ssyncset.done @!p1 $0x0  }
0x3d: {  	s11 =	rddreg [dreg:$0x5];
	[sflag:s8] =	ssyncadd.s32 @!p1 $0xFFFFC000;
	s9 =	sadd.s32 s10, s9  }
0x3e: {  	[tilespmem:s21], [sflag:$0x3] =	stream.linear.gather [hbm4b:s9+s4], $0x80, $0x38;
	v63 =	vld [tilespmem:$0x0]  }
0x3f: {  	s11 =	sadd.s32 s10, s11  }
0x40: {  	[tilespmem:s22], [sflag:$0x3] =	stream.linear.gather [hbm4b:s11+s4], $0x80, $0x38;
	v63 =	vld [tilespmem:$0x0]  }
0x41: {  	_ = 	snop  }
0x42: {  	[tilespmem:s23], [sflag:$0x6] =	stream.linear.gather [hbm4b:s12+s4], $0x4000, $0x38;
	v63 =	vld [tilespmem:$0x0]  }
0x43: {  	_ =	swait.ge [sflag:s24], $0x80  }
0x44: {  	[sflag:s24] =	ssyncset.done $0x0  }
0x45: {  	[sflag:s24] =	ssyncadd.s32 $0xFFFFFF80  }
0x46: {  	_ =	swait.ge [sflag:s24], $0x80  }
0x47: {  	[sflag:s24] =	ssyncset.done $0x0  }
0x48: {  	[sflag:s24] =	ssyncadd.s32 $0xFFFFFF80  }
0x49: {  	v0 =	vld [tilespmem:$0x0]  }
0x4a: {  	v1 =	vld [tilespmem:$0x80]  }
0x4b: {  	v2 =	vld [tilespmem:$0x10]  }
0x4c: {  	v3 =	vld [tilespmem:$0x90]  }
0x4d: {  	v4 =	vld [tilespmem:$0x20]  }
0x4e: {  	v5 =	vld [tilespmem:$0xA0]  }
0x4f: {  	v6 =	vld [tilespmem:$0x30]  }
0x50: {  	v7 =	vld [tilespmem:$0xB0]  }
0x51: {  	v8 =	vld [tilespmem:$0x40]  }
0x52: {  	v9 =	vld [tilespmem:$0xC0]  }
0x53: {  	v10 =	vld [tilespmem:$0x50]  }
0x54: {  	v11 =	vld [tilespmem:$0xD0]  }
0x55: {  	v12 =	vld [tilespmem:$0x60]  }
0x56: {  	v59 =	vld [tilespmem:$0xE0];
	vm0 =	veq.s32 v0, v1  }
0x57: {  	v60 =	vld [tilespmem:$0x70];
	vm5 =	veq.s32 v2, v3;
	v0 =	vsel vm0, $0x2710, v0  }
0x58: {  	v62 =	vld [tilespmem:$0xF0];
	vm6 =	veq.s32 v4, v5;
	v61 =	vsel vm5, $0x2710, v2;
	[tilespmem:$0x0] =	vst v0  }
0x59: {  	vm7 =	veq.s32 v6, v7;
	v5 =	vsel vm6, $0x2710, v4;
	[tilespmem:$0x10] =	vst v61  }
0x5a: {  	vm8 =	veq.s32 v8, v9;
	v7 =	vsel vm7, $0x2710, v6;
	[tilespmem:$0x20] =	vst v5  }
0x5b: {  	vm9 =	veq.s32 v10, v11;
	v13 =	vsel vm8, $0x2710, v8;
	[tilespmem:$0x30] =	vst v7  }
0x5c: {  	vm10 =	veq.s32 v12, v59;
	v14 =	vsel vm9, $0x2710, v10;
	[tilespmem:$0x40] =	vst v13  }
0x5d: {  	vm11 =	veq.s32 v60, v62;
	v15 =	vsel vm10, $0x2710, v12;
	[tilespmem:$0x50] =	vst v14  }
0x5e: {  	v16 =	vsel vm11, $0x2710, v60;
	[tilespmem:$0x60] =	vst v15  }
0x5f: {  	[tilespmem:$0x70] =	vst v16  }
0x60: {  	_ =	swait.ge [sflag:s25], $0x4000  }
0x61: {  	[sflag:s25] =	ssyncset.done $0x0  }
0x62: {  	[sflag:s25] =	ssyncadd.s32 $0xFFFFC000  }
0x63: {  	[spmem:s2] =	stream.indirect.scatter.add.f32 [tilespmem:s17], [sflag:$0x7], $0x80, s4, s16, $0xb8;
	v63 =	vld [tilespmem:$0x0]  }
0x64: {  	_ =	swait.ge [sflag:s26], $0x80  }
0x65: {  	[sflag:s26] =	ssyncset.done $0x0  }
0x66: {  	[sflag:s26] =	ssyncadd.s32 $0xFFFFFF80  }
0x67: {  	_ =	swait.ge [sflag:s26], $0x80  }
0x68: {  	[sflag:s26] =	ssyncset.done $0x0  }
0x69: {  	[sflag:s26] =	ssyncadd.s32 $0xFFFFFF80  }
0x6a: {  	v17 =	vld [tilespmem:$0x100]  }
0x6b: {  	v18 =	vld [tilespmem:$0x180]  }
0x6c: {  	v19 =	vld [tilespmem:$0x110]  }
0x6d: {  	v20 =	vld [tilespmem:$0x190]  }
0x6e: {  	v21 =	vld [tilespmem:$0x120]  }
0x6f: {  	v22 =	vld [tilespmem:$0x1A0]  }
0x70: {  	v23 =	vld [tilespmem:$0x130]  }
0x71: {  	v24 =	vld [tilespmem:$0x1B0]  }
0x72: {  	v25 =	vld [tilespmem:$0x140]  }
0x73: {  	v26 =	vld [tilespmem:$0x1C0]  }
0x74: {  	v27 =	vld [tilespmem:$0x150]  }
0x75: {  	v28 =	vld [tilespmem:$0x1D0]  }
0x76: {  	v29 =	vld [tilespmem:$0x160]  }
0x77: {  	v30 =	vld [tilespmem:$0x1E0];
	vm12 =	veq.s32 v17, v18  }
0x78: {  	v31 =	vld [tilespmem:$0x170];
	vm13 =	veq.s32 v19, v20;
	v0 =	vsel vm12, $0x2710, v17  }
0x79: {  	v33 =	vld [tilespmem:$0x1F0];
	vm14 =	veq.s32 v21, v22;
	v32 =	vsel vm13, $0x2710, v19;
	[tilespmem:$0x100] =	vst v0  }
0x7a: {  	vm15 =	veq.s32 v23, v24;
	v34 =	vsel vm14, $0x2710, v21;
	[tilespmem:$0x110] =	vst v32  }
0x7b: {  	vm4 =	veq.s32 v25, v26;
	v35 =	vsel vm15, $0x2710, v23;
	[tilespmem:$0x120] =	vst v34  }
0x7c: {  	vm5 =	veq.s32 v27, v28;
	v36 =	vsel vm4, $0x2710, v25;
	[tilespmem:$0x130] =	vst v35  }
0x7d: {  	vm6 =	veq.s32 v29, v30;
	v37 =	vsel vm5, $0x2710, v27;
	[tilespmem:$0x140] =	vst v36  }
0x7e: {  	vm7 =	veq.s32 v31, v33;
	v38 =	vsel vm6, $0x2710, v29;
	[tilespmem:$0x150] =	vst v37  }
0x7f: {  	v39 =	vsel vm7, $0x2710, v31;
	[tilespmem:$0x160] =	vst v38  }
0x80: {  	[tilespmem:$0x170] =	vst v39  }
0x81: {  	_ =	swait.ge [sflag:s28], $0x4000  }
0x82: {  	[sflag:s28] =	ssyncset.done $0x0  }
0x83: {  	[sflag:s28] =	ssyncadd.s32 $0xFFFFC000  }
0x84: {  	[spmem:s2] =	stream.indirect.scatter.add.f32 [tilespmem:s20], [sflag:$0x8], $0x80, s18, s16, $0xb8;
	v63 =	vld [tilespmem:$0x0]  }
0x85: {  	_ =	swait.ge [sflag:s29], $0x80  }
0x86: {  	[sflag:s29] =	ssyncset.done $0x0  }
0x87: {  	[sflag:s29] =	ssyncadd.s32 $0xFFFFFF80  }
0x88: {  	_ =	swait.ge [sflag:s29], $0x80  }
0x89: {  	[sflag:s29] =	ssyncset.done $0x0  }
0x8a: {  	[sflag:s29] =	ssyncadd.s32 $0xFFFFFF80  }
0x8b: {  	v40 =	vld [tilespmem:$0x200]  }
0x8c: {  	v41 =	vld [tilespmem:$0x280]  }
0x8d: {  	v42 =	vld [tilespmem:$0x210]  }
0x8e: {  	v43 =	vld [tilespmem:$0x290]  }
0x8f: {  	v44 =	vld [tilespmem:$0x220]  }
0x90: {  	v45 =	vld [tilespmem:$0x2A0]  }
0x91: {  	v46 =	vld [tilespmem:$0x230]  }
0x92: {  	v47 =	vld [tilespmem:$0x2B0]  }
0x93: {  	v48 =	vld [tilespmem:$0x240]  }
0x94: {  	v49 =	vld [tilespmem:$0x2C0]  }
0x95: {  	v50 =	vld [tilespmem:$0x250]  }
0x96: {  	v51 =	vld [tilespmem:$0x2D0]  }
0x97: {  	v52 =	vld [tilespmem:$0x260]  }
0x98: {  	v53 =	vld [tilespmem:$0x2E0];
	vm8 =	veq.s32 v40, v41  }
0x99: {  	v54 =	vld [tilespmem:$0x270];
	vm9 =	veq.s32 v42, v43;
	v0 =	vsel vm8, $0x2710, v40  }
0x9a: {  	v56 =	vld [tilespmem:$0x2F0];
	vm10 =	veq.s32 v44, v45;
	v55 =	vsel vm9, $0x2710, v42;
	[tilespmem:$0x200] =	vst v0  }
0x9b: {  	vm11 =	veq.s32 v46, v47;
	v57 =	vsel vm10, $0x2710, v44;
	[tilespmem:$0x210] =	vst v55  }
0x9c: {  	vm12 =	veq.s32 v48, v49;
	v58 =	vsel vm11, $0x2710, v46;
	[tilespmem:$0x220] =	vst v57  }
0x9d: {  	vm13 =	veq.s32 v50, v51;
	v59 =	vsel vm12, $0x2710, v48;
	[tilespmem:$0x230] =	vst v58  }
0x9e: {  	vm14 =	veq.s32 v52, v53;
	v60 =	vsel vm13, $0x2710, v50;
	[tilespmem:$0x240] =	vst v59  }
0x9f: {  	s10 =	sadd.s32 $0x300, s10;
	vm15 =	veq.s32 v54, v56;
	v61 =	vsel vm14, $0x2710, v52;
	[tilespmem:$0x250] =	vst v60  }
0xa0: {  	p1 =	sne.s32 s10, $0x4E00;
	v62 =	vsel vm15, $0x2710, v54;
	[tilespmem:$0x260] =	vst v61  }
.Ltmp0:
0xa1: {  	[tilespmem:$0x270] =	vst v62;
	(pc) =	sbr.rel @p1 .LBB2_2-.Ltmp0, $4  }
0xa2: {  	_ =	swait.ge [sflag:s30], $0x4000  }
0xa3: {  	s14 =	sadd.s32 $0x18000, s14;
	[sflag:s30] =	ssyncset.done $0x0  }
0xa4: {  	s13 =	sadd.s32 $0x18000, s13;
	s12 =	sadd.s32 $0x18000, s12;
	[sflag:s30] =	ssyncadd.s32 $0xFFFFC000  }
0xa5: {  	[spmem:s2] =	stream.indirect.scatter.add.f32 [tilespmem:s23], [sflag:$0x9], $0x80, s21, s16, $0xb8;
	v63 =	vld [tilespmem:$0x0]  }
0xa6: {  	_ =	swait.ge [sflag:s31], $0x4000  }
0xa7: {  	[sflag:s31] =	ssyncset.done $0x0  }
0xa8: {  	[sflag:s31] =	ssyncadd.s32 $0xFFFFC000  }
0xa9: {  	_ =	swait.ge [sflag:s0], $0x4000  }
0xaa: {  	[sflag:s0] =	ssyncset.done $0x0  }
0xab: {  	[sflag:s0] =	ssyncadd.s32 $0xFFFFC000  }
0xac: {  	_ =	swait.ge [sflag:s3], $0x4000  }
0xad: {  	[sflag:s3] =	ssyncset.done $0x0  }
0xae: {  	s8 =	simm.s32 @!p0 $0x0;
	s9 =	rddreg [dreg:$0xb];
	[sflag:s3] =	ssyncadd.s32 $0xFFFFC000  }
0xaf: {  	[tilespmem:s8], [sflag:$0xA] =	stream.linear.gather @!p0 [hbm4b:s9+s8], $0x80, $0x38;
	v63 =	vld [tilespmem:$0x0]  }
0xb0: {  	s9 =	simm.s32 @!p0 $0xA  }
0xb1: {  	_ =	swait.ge @!p0 [sflag:s9], $0x80  }
0xb2: {  	[sflag:s9] =	ssyncset.done @!p0 $0x0  }
0xb3: {  	s10 =	simm.s32 @!p0 $0x80;
	s11 =	rddreg [dreg:$0xc];
	[sflag:s9] =	ssyncadd.s32 @!p0 $0xFFFFFF80  }
0xb4: {  	[tilespmem:s10], [sflag:$0xA] =	stream.linear.gather @!p0 [hbm4b:s11+s8], $0x80, $0x38;
	v63 =	vld [tilespmem:$0x0]  }
0xb5: {  	_ =	swait.ge @!p0 [sflag:s9], $0x80  }
0xb6: {  	[sflag:s9] =	ssyncset.done @!p0 $0x0  }
0xb7: {  	[sflag:s9] =	ssyncadd.s32 @!p0 $0xFFFFFF80  }
0xb8: {  	v0 =	vld @!p0 [tilespmem:$0x0]  }
0xb9: {  	v1 =	vld @!p0 [tilespmem:$0x80]  }
0xba: {  	v2 =	vld @!p0 [tilespmem:$0x10]  }
0xbb: {  	v3 =	vld @!p0 [tilespmem:$0x90]  }
0xbc: {  	v4 =	vld @!p0 [tilespmem:$0x20]  }
0xbd: {  	v5 =	vld @!p0 [tilespmem:$0xA0]  }
0xbe: {  	v6 =	vld @!p0 [tilespmem:$0x30]  }
0xbf: {  	v7 =	vld @!p0 [tilespmem:$0xB0]  }
0xc0: {  	v8 =	vld @!p0 [tilespmem:$0x40]  }
0xc1: {  	v9 =	vld @!p0 [tilespmem:$0xC0]  }
0xc2: {  	v10 =	vld @!p0 [tilespmem:$0x50]  }
0xc3: {  	v11 =	vld @!p0 [tilespmem:$0xD0]  }
0xc4: {  	v12 =	vld @!p0 [tilespmem:$0x60]  }
0xc5: {  	vm0 =	veq.s32 @!p0 v0, v1;
	v1 =	vld @!p0 [tilespmem:$0xE0]  }
0xc6: {  	v0 =	vsel @!p0 vm0, $0x2710, v0;
	vm0 =	veq.s32 @!p0 v2, v3;
	v3 =	vld @!p0 [tilespmem:$0x70]  }
0xc7: {  	[tilespmem:$0x0] =	vst @!p0 v0;
	v0 =	vsel @!p0 vm0, $0x2710, v2;
	vm0 =	veq.s32 @!p0 v4, v5;
	v2 =	vld @!p0 [tilespmem:$0xF0]  }
0xc8: {  	[tilespmem:$0x10] =	vst @!p0 v0;
	v0 =	vsel @!p0 vm0, $0x2710, v4;
	vm0 =	veq.s32 @!p0 v6, v7  }
0xc9: {  	[tilespmem:$0x20] =	vst @!p0 v0;
	v0 =	vsel @!p0 vm0, $0x2710, v6;
	vm0 =	veq.s32 @!p0 v8, v9  }
0xca: {  	[tilespmem:$0x30] =	vst @!p0 v0;
	v0 =	vsel @!p0 vm0, $0x2710, v8;
	vm0 =	veq.s32 @!p0 v10, v11  }
0xcb: {  	[tilespmem:$0x40] =	vst @!p0 v0;
	v0 =	vsel @!p0 vm0, $0x2710, v10;
	vm0 =	veq.s32 @!p0 v12, v1  }
0xcc: {  	[tilespmem:$0x50] =	vst @!p0 v0;
	v0 =	vsel @!p0 vm0, $0x2710, v12;
	vm0 =	veq.s32 @!p0 v3, v2  }
0xcd: {  	[tilespmem:$0x60] =	vst @!p0 v0;
	v0 =	vsel @!p0 vm0, $0x2710, v3  }
0xce: {  	s11 =	simm.s32 @!p0 $0x400;
	s12 =	rddreg [dreg:$0xd];
	[tilespmem:$0x70] =	vst @!p0 v0  }
0xcf: {  	[tilespmem:s11], [sflag:$0xA] =	stream.linear.gather @!p0 [hbm4b:s12+s8], $0x4000, $0x38;
	v63 =	vld [tilespmem:$0x0]  }
0xd0: {  	_ =	swait.ge @!p0 [sflag:s9], $0x4000  }
0xd1: {  	[sflag:s9] =	ssyncset.done @!p0 $0x0  }
0xd2: {  	[sflag:s9] =	ssyncadd.s32 @!p0 $0xFFFFC000  }
0xd3: {  	[spmem:s2] =	stream.indirect.scatter.add.f32 @!p0 [tilespmem:s11], [sflag:$0xA], $0x80, s8, s10, $0xb8;
	v63 =	vld [tilespmem:$0x0]  }
0xd4: {  	_ =	swait.ge @!p0 [sflag:s9], $0x4000  }
0xd5: {  	[sflag:s9] =	ssyncset.done @!p0 $0x0  }
0xd6: {  	[sflag:s9] =	ssyncadd.s32 @!p0 $0xFFFFC000  }
0xd7: {  	[bflag:$0x0] =	sbarrier.arrive $0xFFFF  }
0xd8: {  	s13 =	rddreg [dreg:$0xe]  }
0xd9: {  	[hbm:s13], [sflag:s6] =	dma.local [spmem:s5], $0x2780  }
0xda: {  	_ =	swait.ge [sflag:s15], $0x2780  }
0xdb: {  	s1 =	sadd.s32 $0x1, s1;
	s14 =	rddreg [dreg:$0xf]  }
0xdc: {  	p1 =	sne.s32 s1, s14  }
.Ltmp1:
0xdd: {  	_ = 	snop;
	(pc) =	sbr.rel @p1 .LBB2_1-.Ltmp1, $3  }
0xde: {  	_ =	sdelay $0x1  }
0xdf: {  	[sflag:s15] =	ssyncset.done $0x0  }
0xe0: {  	[sflag:s15] =	ssyncadd.s32 $0xFFFFD880  }
0xe1: {  	_ =	sfence.sel $0x180000  }
0xe2: {  	[bflag:$0x0] =	sbarrier.arrive $0xFFFF  }
0xe3: {  	_ =	strace $0x9000004A  }
0xe4: {  	s0 =	stileid.u32;
	[bflag:$0x2] =	sbarrier.arrive $0xFFFF  }
0xe5: {  	p0 =	sne.s32 s0, $0x0;
	s0 =	rddreg [dreg:$0x3]  }
0xe6: {  	s0 =	sadd.s32 @!p0 $0x100000, s0  }
0xe7: {  	[sflag:s0] =	ssyncadd.tile.s32 @!p0 $0x1;
	_ =	shalt  }
.Lfunc_end2:
_tile_overlayer_lowered:
.L_overlay_start_2:
0xe8: {  	(tag) =	ssettag $0x2  }
0xe9: {  	s0 =	rddreg [dreg:$0x0];
	s2 =	stileid.u32  }
0xea: {  	s1 =	rddreg [dreg:$0x1];
	p0 =	sne.s32 s2, $0x0  }
0xeb: {  	s3 =	rddreg [dreg:$0x2];
	[bflag:$0x3] =	sbarrier.arrive $0xFFFF;
	s2 =	simm.s32 @!p0 $0x1C0A  }
0xec: {  	[timem:s3], [sflag:s2] =	dma.local @!p0 [hbm:s0], s1  }
0xed: {  	s0 =	simm.s32 @!p0 $0xA  }
0xee: {  	_ =	swait.ge @!p0 [sflag:s0], s1  }
0xef: {  	s1 =	ssub.s32 @!p0 $0x0, s1;
	[sflag:s0] =	ssyncset.done @!p0 $0x0  }
0xf0: {  	[sflag:s0] =	ssyncadd.s32 @!p0 s1  }
0xf1: {  	[bflag:$0x3] =	sbarrier.arrive $0xFFFF  }
0xf2: {  	_ =	shalt  }

// kernel: kernel.7.cloned.1.call-start
scs
__scs_entry_jumppad:
0x0: {  	(pc) =	sbr.rel $0x88, $3  }
0x1: {  	(tag) =	ssettag $0x0;
	lr =	simm.s32 $0x1  }
0x2: {  	[smem:$0x3F96] =	sst lr;
	_ =	strace $0xD0000000  }
0x3: {  	_ = 	snop  }
0x4: {  	_ = 	snop  }
0x5: {  	_ = 	snop  }
0x6: {  	_ = 	snop  }
0x7: {  	_ = 	snop  }
__scs_overlays_trampoline_lowered:
0x8: {  	[smem:$0x3FA5] =	sst s0  }
0x9: {  	[smem:$0x3FA6] =	sst s1  }
0xa: {  	[smem:$0x3FA7] =	sst s2  }
0xb: {  	[smem:$0x3FA8] =	sst s3  }
0xc: {  	[smem:$0x3FA9] =	sst s4  }
0xd: {  	[smem:$0x3FAA] =	sst s5  }
0xe: {  	[smem:$0x3FAB] =	sst s6  }
0xf: {  	[smem:$0x3FAC] =	sst s7  }
0x10: {  	[smem:$0x3FAD] =	sst s8  }
0x11: {  	[smem:$0x3FAE] =	sst s9;
	s0 =	simm.s32 @!p0 $0x0  }
0x12: {  	s1 =	sld [smem:$0x3F94];
	s0 =	simm.s32 @p0 $0x1  }
0x13: {  	[smem:$0x3FAF] =	sst s0;
	s0 =	simm.s32 @!p1 $0x0  }
0x14: {  	s2 =	sld [smem:$0x3F93];
	s0 =	simm.s32 @p1 $0x1  }
0x15: {  	[smem:$0x3FB0] =	sst s0;
	s0 =	simm.s32 @!p2 $0x0  }
0x16: {  	s3 =	sld [smem:$0x3FDB];
	s0 =	simm.s32 @p2 $0x1  }
0x17: {  	s4 =	simm.s32 $0x1BF5;
	[smem:$0x3FB2] =	sst s0  }
0x18: {  	s0 =	sld [smem:$0x3F95];
	_ =	swait.ge [sflag:s4], $0x0  }
0x19: {  	s7 =	sld [smem:$0x3F96]  }
0x1a: {  	s8 =	sadd.s32 $0xFFFFE003, lr  }
0x1b: {  	s9 =	sadd.s32 $0xFFFFFEF7, lr;
	s5 =	simm.s32 $0xFFFFFFFF;
	p2 =	slt.u32 s8, $0xFFFFF086  }
0x1c: {  	p1 =	slt.u32 s9, $0xF7A;
	s5 =	simm.s32 @!p2 $0x0  }
0x1d: {  	s5 =	simm.s32 @p1 $0x1;
	p0 =	seq.s32 s7, s2  }
0x1e: {  	s7 =	smul.u32 @!p0 $0xF7A, s2;
	p2 =	seq.s32 @!p0 s5, $0x0  }
0x1f: {  	s9 =	smul.u32 $0xF7A, s1;
	s8 =	simm.s32 @!p0 $0x1BF5;
	p2 =	por !p2, p0  }
0x20: {  	[sflag:s8] =	ssyncset.s32 @!p0 $0xFFFFF086;
	s6 =	sadd.s32 @!p0 s3, s7;
	s7 =	simm.s32 @!p0 $0x108  }
0x21: {  	s3 =	sadd.s32 s3, s9;
	s6 =	sadd.s32 @!p0 $0x88, s6;
	s7 =	simm.s32 @p2 $0x1082  }
0x22: {  	[simem:s7], [sflag:s8] =	dma.local @!p0 [hbm:s6], $0xF7A  }
0x23: {  	s9 =	sor.u32 $0xD0000000, s2;
	s6 =	simm.s32 $0x108;
	_ =	swait.ge @!p0 [sflag:s8], $0x0  }
0x24: {  	s3 =	sadd.s32 $0x88, s3;
	s6 =	simm.s32 @!p1 $0x1082;
	[sflag:s4] =	ssyncset.s32 $0xFFFFF086  }
0x25: {  	[simem:s6], [sflag:s4] =	dma.local [hbm:s3], $0xF7A  }
0x26: {  	[smem:$0x3F96] =	sst s1;
	(tag) =	ssettag s2;
	_ =	strace s9  }
0x27: {  	s1 =	sld [smem:$0x3FA6]  }
0x28: {  	s2 =	sld [smem:$0x3FA7]  }
0x29: {  	s4 =	sld [smem:$0x3FA9]  }
0x2a: {  	p0 =	seq.s32 s5, $0x0;
	s5 =	sld [smem:$0x3FAA]  }
0x2b: {  	s6 =	sld [smem:$0x3FAB]  }
0x2c: {  	s7 =	sld [smem:$0x3FAC]  }
0x2d: {  	s3 =	simm.s32 $0x108;
	s8 =	sld [smem:$0x3FAD]  }
0x2e: {  	s3 =	simm.s32 @!p0 $0x1082;
	s9 =	sld [smem:$0x3FAE]  }
0x2f: {  	lr =	sadd.s32 s0, s3;
	s0 =	sld [smem:$0x3FA5]  }
0x30: {  	s3 =	sld [smem:$0x3FA8]  }
0x31: {  	[smem:$0x3FB1] =	sst s10  }
0x32: {  	s10 =	sld [smem:$0x3FAF];
	_ =	sdelay $0x3  }
0x33: {  	p0 =	seq.s32 s10, $0x1;
	s10 =	sld [smem:$0x3FB1];
	_ =	sdelay $0x3  }
0x34: {  	[smem:$0x3FB1] =	sst s10  }
0x35: {  	s10 =	sld [smem:$0x3FB0];
	_ =	sdelay $0x3  }
0x36: {  	p1 =	seq.s32 s10, $0x1;
	s10 =	sld [smem:$0x3FB1];
	_ =	sdelay $0x3  }
0x37: {  	[smem:$0x3FB1] =	sst s10  }
0x38: {  	s10 =	sld [smem:$0x3FB2]  }
0x39: {  	_ = 	snop;
	(pc) =	sbr.ind lr, $3  }
0x3a: {  	_ = 	snop  }
0x3b: {  	_ = 	snop  }
0x3c: {  	p2 =	seq.s32 s10, $0x1;
	s10 =	sld [smem:$0x3FB1]  }
0x3d: {  	_ =	shalt  }
0x3e: {  	_ =	shalt  }
0x3f: {  	_ =	shalt  }
0x40: {  	_ =	shalt  }
0x41: {  	_ =	shalt  }
0x42: {  	_ =	shalt  }
0x43: {  	_ =	shalt  }
0x44: {  	_ =	shalt  }
0x45: {  	_ =	shalt  }
0x46: {  	_ =	shalt  }
0x47: {  	_ =	shalt  }
0x48: {  	_ =	shalt  }
0x49: {  	_ =	shalt  }
0x4a: {  	_ =	shalt  }
0x4b: {  	_ =	shalt  }
0x4c: {  	_ =	shalt  }
0x4d: {  	_ =	shalt  }
0x4e: {  	_ =	shalt  }
0x4f: {  	_ =	shalt  }
0x50: {  	_ =	shalt  }
0x51: {  	_ =	shalt  }
0x52: {  	_ =	shalt  }
0x53: {  	_ =	shalt  }
0x54: {  	_ =	shalt  }
0x55: {  	_ =	shalt  }
0x56: {  	_ =	shalt  }
0x57: {  	_ =	shalt  }
0x58: {  	_ =	shalt  }
0x59: {  	_ =	shalt  }
0x5a: {  	_ =	shalt  }
0x5b: {  	_ =	shalt  }
0x5c: {  	_ =	shalt  }
0x5d: {  	_ =	shalt  }
0x5e: {  	_ =	shalt  }
0x5f: {  	_ =	shalt  }
0x60: {  	_ =	shalt  }
0x61: {  	_ =	shalt  }
0x62: {  	_ =	shalt  }
0x63: {  	_ =	shalt  }
0x64: {  	_ =	shalt  }
0x65: {  	_ =	shalt  }
0x66: {  	_ =	shalt  }
0x67: {  	_ =	shalt  }
0x68: {  	_ =	shalt  }
0x69: {  	_ =	shalt  }
0x6a: {  	_ =	shalt  }
0x6b: {  	_ =	shalt  }
0x6c: {  	_ =	shalt  }
0x6d: {  	_ =	shalt  }
0x6e: {  	_ =	shalt  }
0x6f: {  	_ =	shalt  }
0x70: {  	_ =	shalt  }
0x71: {  	_ =	shalt  }
0x72: {  	_ =	shalt  }
0x73: {  	_ =	shalt  }
0x74: {  	_ =	shalt  }
0x75: {  	_ =	shalt  }
0x76: {  	_ =	shalt  }
0x77: {  	_ =	shalt  }
0x78: {  	_ =	shalt  }
0x79: {  	_ =	shalt  }
0x7a: {  	_ =	shalt  }
0x7b: {  	_ =	shalt  }
0x7c: {  	_ =	shalt  }
0x7d: {  	_ =	shalt  }
0x7e: {  	_ =	shalt  }
0x7f: {  	_ =	shalt  }
0x80: {  	_ =	shalt  }
0x81: {  	_ =	shalt  }
0x82: {  	_ =	shalt  }
0x83: {  	_ =	shalt  }
0x84: {  	_ =	shalt  }
0x85: {  	_ =	shalt  }
0x86: {  	_ =	shalt  }
0x87: {  	_ =	shalt  }
.Lfunc_end0:
.L_simem_size_0:
called_computation_lowered:
.L_overlay_start_0:
0x88: {  	s2 =	sld [smem:$0x3FD9]  }
0x89: {  	s3 =	sld [smem:$0x3FFE];
	_ =	sdelay $0x1  }
0x8a: {  	s1 =	srdreg.scid  }
0x8b: {  	s0 =	sand.u32 $0x1, s1  }
0x8c: {  	s17 =	sshll.u32 s0, $0xA;
	s2 =	sadd.s32 s3, s2  }
0x8d: {  	s2 =	sadd.s32 s2, s17  }
0x8e: {  	[smem:$0x3FBD] =	sst s2  }
0x8f: {  	_ = 	snop  }
0x90: {  	s2 =	sld [smem:$0x3FD0];
	(tm) =	ssettm $0x1  }
0x91: {  	s18 =	sld [smem:$0x3FFB];
	_ =	sdelay $0x3  }
0x92: {  	_ =	strace s18  }
0x93: {  	s3 =	sld [smem:$0x3FFC];
	_ =	sdelay $0x3  }
0x94: {  	_ =	strace s3  }
0x95: {  	s3 =	sld [smem:$0x3FFD];
	_ =	sdelay $0x3  }
0x96: {  	_ =	strace s3  }
0x97: {  	_ =	strace $0x8FFFFFFF  }
0x98: {  	s19 =	sld [smem:$0x3FDB];
	_ =	sdelay $0x1  }
0x99: {  	s4 =	simm.s32 $_scs_section_size  }
0x9a: {  	s5 =	simm.s32 $_size__tile_overlayer_lowered;
	s6 =	simm.s32 $_tile_overlayer_lowered  }
0x9b: {  	s22 =	simm.s32 $0x1BFF;
	s21 =	sshll.u32 s6, $0x1;
	s3 =	sadd.s32 s4, s19  }
0x9c: {  	s7 =	simm.s32 $0x0;
	s20 =	sshll.u32 s5, $0x1;
	s5 =	sadd.s32 s21, s3  }
0x9d: {  	[timem:s7], [sflag:s22] =	dma.local [hbm:s5], s20  }
0x9e: {  	_ =	swait.ge [sflag:s22], s20  }
0x9f: {  	s4 =	ssub.s32 $0x0, s20;
	[sflag:s22] =	ssyncset.done $0x0  }
0xa0: {  	[sflag:s22] =	ssyncadd.s32 s4;
	_ =	sdelay $0x1  }
0xa1: {  	s23 =	simm.s32 $0x1B8B  }
0xa2: {  	_ =	swait.ge [sflag:s23], $0x1  }
0xa3: {  	[sflag:s23] =	ssyncset.done $0x0  }
0xa4: {  	s25 =	simm.s32 $0x1B8E;
	s24 =	sld [smem:$0x3FFE];
	[sflag:s23] =	ssyncadd.s32 $0xFFFFFFFF  }
0xa5: {  	s26 =	simm.s32 $execute0_lowered;
	[smem:$0x3FD2] =	sst s25  }
0xa6: {  	s5 =	sshll.u32 s26, $0x1;
	_ =	strace $0x80000046;
	[dreg:$0x1] =	wrdreg $0xFFFFFFFF  }
0xa7: {  	s28 =	simm.s32 $_size_execute0_lowered;
	s3 =	sadd.s32 s3, s5;
	[dreg:$0x0] =	wrdreg $0x0  }
0xa8: {  	s5 =	sshll.u32 s28, $0x1;
	[dreg:$0x2] =	wrdreg s3  }
0xa9: {  	[dreg:$0x3] =	wrdreg s5  }
0xaa: {  	[dreg:$0x4] =	wrdreg $0xC0  }
0xab: {  	_ =	task [dreg:s7], $0x5FFFF  }
0xac: {  	[dreg:$0x1] =	wrdreg $0xFFFFFFFF  }
0xad: {  	[dreg:$0x0] =	wrdreg $0x60  }
0xae: {  	[dreg:$0x2] =	wrdreg s2  }
0xaf: {  	[dreg:$0x3] =	wrdreg s24  }
0xb0: {  	[dreg:$0x4] =	wrdreg $0x9  }
0xb1: {  	_ =	task.clear_ibuf [dreg:s7], $0x5FFFF;
	_ =	strace $0x90000046  }
0xb2: {  	s29 =	simm.s32 $0x9;
	_ =	strace $0x80000048  }
0xb3: {  	_ =	swait.ge [sflag:s29], $0x1  }
0xb4: {  	[sflag:s29] =	ssyncadd.s32 $0xFFFFFFFF  }
0xb5: {  	_ =	strace $0x90000048  }
0xb6: {  	_ =	sfence  }
0xb7: {  	s30 =	sld [smem:$0x0];
	_ =	sdelay $0x2  }
0xb8: {  	s31 =	sshll.u32 s1, $0xD;
	s1 =	sshrl.u32 s1, $0x2  }
0xb9: {  	s3 =	sand.u32 $0x4000, s31;
	s1 =	sadd.s32 s1, s30  }
0xba: {  	s0 =	sor.u32 s3, s0;
	s1 =	sshll.u32 s1, $0x11  }
0xbb: {  	s0 =	sor.u32 s1, s0  }
0xbc: {  	s0 =	sadd.s32 $0x8F2B, s0  }
0xbd: {  	[sflag:s0] =	ssyncadd.remote.s32 $0x1  }
0xbe: {  	_ =	sfence.sel $0xFFFF  }
0xbf: {  	[dreg:$0x0] =	wrdreg $0xFFFFFFFF;
	(pc) =	sbr.abs _section_cstart, $3  }
0xc0: {  	[dreg:$0x1] =	wrdreg $0xFFFFFFFF  }
0xc1: {  	_ =	task.clear_ibuf [dreg:s7], $0x2FFFF;
	_ =	strace $0x9FFFFFFF  }
0xc2: {  	(tm) =	ssettm $0x7FFFFFFF  }
0xc3: {  	_ =	shalt  }
tec
execute0_lowered:
.L_overlay_start_1:
0x0: {  	(tag) =	ssettag $0x1  }
0x1: {  	s1 =	rddreg [dreg:$0x0]  }
0x2: {  	s0 =	rddreg [dreg:$0x1];
	s2 =	srdreg.scid;
	s3 =	simm.s32 $0x0  }
0x3: {  	s26 =	stileid.u32;
	s8 =	simm.s32 $0x80;
	s9 =	simm.s32 $0x100  }
0x4: {  	s10 =	simm.s32 $0x180;
	s11 =	simm.s32 $0x200;
	s12 =	simm.s32 $0x280  }
0x5: {  	s13 =	simm.s32 $0x1;
	s14 =	simm.s32 $0x400;
	s15 =	simm.s32 $0x2  }
0x6: {  	s16 =	simm.s32 $0x4400;
	s17 =	simm.s32 $0x3;
	s18 =	simm.s32 $0x8400  }
0x7: {  	s28 =	simm.s32 $0x9;
	s29 =	simm.s32 $0xA;
	s30 =	simm.s32 $0xB  }
0x8: {  	s31 =	simm.s32 $0xC;
	s2 =	sand.u32 $0x1, s2;
	[smem:$0x7FF] =	sst s3  }
0x9: {  	s4 =	sshll.u32 s26, $0x8;
	s19 =	sadd.s32 $0xB400, s0;
	s0 =	sadd.s32 $0x15200, s0  }
0xa: {  	s21 =	sshll.u32 s26, $0xC;
	s22 =	sshll.u32 s26, $0x5;
	p0 =	sgt.u32 s26, $0x1  }
0xb: {  	s26 =	simm.s32 $0x8;
	s5 =	sshll.u32 s2, $0x7;
	_ =	strace $0x80000047  }
0xc: {  	s6 =	ssub.s32 $0x2, s2;
	s23 =	sshll.u32 s2, $0xB;
	s4 =	sor.u32 s5, s4  }
0xd: {  	s2 =	sshll.u32 s2, $0x4;
	s7 =	sshrl.u32 s6, $0x1;
	s4 =	sor.u32 $0x4E000, s4  }
0xe: {  	s6 =	ssub.s32 s6, s7;
	s20 =	sshrl.u32 s4, $0x3;
	s4 =	sshll.u32 s4, $0x4  }
0xf: {  	s24 =	smax.u32 s6, $0x1;
	s7 =	sadd.s32 s19, s20;
	s4 =	sadd.s32 s0, s4  }
0x10: {  	s0 =	sadd.s32 s21, s0;
	[dreg:$0x6] =	wrdreg s24;
	s20 =	simm.s32 $0xC400  }
0x11: {  	s21 =	simm.s32 $0x5;
	s24 =	simm.s32 $0x14400;
	[dreg:$0x4] =	wrdreg s7  }
0x12: {  	[dreg:$0x5] =	wrdreg s4;
	s4 =	sadd.s32 s22, s19;
	s0 =	sadd.s32 s23, s0  }
0x13: {  	s19 =	simm.s32 $0x4;
	s22 =	simm.s32 $0x10400;
	s2 =	sadd.s32 s2, s4  }
0x14: {  	s23 =	simm.s32 $0x6;
	[dreg:$0x3] =	wrdreg s0;
	s25 =	sadd.s32 $0xA00, s2  }
0x15: {  	s2 =	simm.s32 $0x0;
	[dreg:$0x7] =	wrdreg s25;
	s25 =	simm.s32 $0x7  }
.LBB2_1:
0x16: {  	s7 =	rddreg [dreg:$0x7]  }
0x17: {  	s0 =	sadd.s32 $0xFFFFF600, s7  }
0x18: {  	[tilespmem:s3], [sflag:$0x1] =	stream.linear.gather [hbm4b:s0+s3], $0x80, $0x38;
	[tilespmem:$0x18400] =	vst v63  }
0x19: {  	s6 =	sadd.s32 $0xFFFFF800, s7  }
0x1a: {  	[tilespmem:s8], [sflag:$0x2] =	stream.linear.gather [hbm4b:s6+s3], $0x80, $0x38;
	[tilespmem:$0x18400] =	vst v63  }
0x1b: {  	s4 =	sadd.s32 $0xFFFFFA00, s7  }
0x1c: {  	[tilespmem:s9], [sflag:$0x3] =	stream.linear.gather [hbm4b:s4+s3], $0x80, $0x38;
	[tilespmem:$0x18400] =	vst v63  }
0x1d: {  	s5 =	sadd.s32 $0xFFFFFC00, s7  }
0x1e: {  	[tilespmem:s10], [sflag:$0x4] =	stream.linear.gather [hbm4b:s5+s3], $0x80, $0x38;
	[tilespmem:$0x18400] =	vst v63  }
0x1f: {  	p1 =	por $0x1, $0x1;
	s6 =	sadd.s32 $0xFFFFFE00, s7  }
0x20: {  	[tilespmem:s11], [sflag:$0x5] =	stream.linear.gather [hbm4b:s6+s3], $0x80, $0x38;
	[tilespmem:$0x18400] =	vst v63  }
0x21: {  	s0 =	simm.s32 @!p1 $0xD  }
0x22: {  	[tilespmem:s12], [sflag:$0x6] =	stream.linear.gather [hbm4b:s7+s3], $0x80, $0x38;
	[tilespmem:$0x18400] =	vst v63  }
0x23: {  	_ =	swait.ge @!p1 [sflag:s0], $0x4000  }
0x24: {  	[sflag:s0] =	ssyncset.done @!p1 $0x0  }
0x25: {  	s4 =	simm.s32 @!p1 $0xE;
	[sflag:s0] =	ssyncadd.s32 @!p1 $0xFFFFC000  }
0x26: {  	_ =	swait.ge @!p1 [sflag:s4], $0x4000  }
0x27: {  	[sflag:s4] =	ssyncset.done @!p1 $0x0  }
0x28: {  	s0 =	simm.s32 @!p1 $0xF;
	[sflag:s4] =	ssyncadd.s32 @!p1 $0xFFFFC000  }
0x29: {  	_ =	swait.ge @!p1 [sflag:s0], $0x4000  }
0x2a: {  	[sflag:s0] =	ssyncset.done @!p1 $0x0  }
0x2b: {  	s4 =	simm.s32 @!p1 $0x10;
	[sflag:s0] =	ssyncadd.s32 @!p1 $0xFFFFC000  }
0x2c: {  	_ =	swait.ge @!p1 [sflag:s4], $0x4000  }
0x2d: {  	[sflag:s4] =	ssyncset.done @!p1 $0x0  }
0x2e: {  	s0 =	simm.s32 @!p1 $0x11;
	[sflag:s4] =	ssyncadd.s32 @!p1 $0xFFFFC000  }
0x2f: {  	_ =	swait.ge @!p1 [sflag:s0], $0x4000  }
0x30: {  	[sflag:s0] =	ssyncset.done @!p1 $0x0  }
0x31: {  	s4 =	simm.s32 @!p1 $0x12;
	[sflag:s0] =	ssyncadd.s32 @!p1 $0xFFFFC000  }
0x32: {  	_ =	swait.ge @!p1 [sflag:s4], $0x4000  }
0x33: {  	[sflag:s4] =	ssyncset.done @!p1 $0x0  }
0x34: {  	[sflag:s4] =	ssyncadd.s32 @!p1 $0xFFFFC000  }
0x35: {  	_ =	swait.ge [sflag:s13], $0x80  }
0x36: {  	[sflag:s13] =	ssyncset.done $0x0  }
0x37: {  	[sflag:s13] =	ssyncadd.s32 $0xFFFFFF80  }
0x38: {  	[tilespmem:s14], [sflag:$0x7] =	stream.indirect.gather [hbm4b:s1+s8], $0x80, s3, s8, $0xb8;
	[tilespmem:$0x18400] =	vst v63  }
0x39: {  	_ =	swait.ge [sflag:s15], $0x80  }
0x3a: {  	[sflag:s15] =	ssyncset.done $0x0  }
0x3b: {  	[sflag:s15] =	ssyncadd.s32 $0xFFFFFF80  }
0x3c: {  	[tilespmem:s16], [sflag:$0x8] =	stream.indirect.gather [hbm4b:s1+s8], $0x80, s8, s8, $0xb8;
	[tilespmem:$0x18400] =	vst v63  }
0x3d: {  	_ =	swait.ge [sflag:s17], $0x80  }
0x3e: {  	[sflag:s17] =	ssyncset.done $0x0  }
0x3f: {  	[sflag:s17] =	ssyncadd.s32 $0xFFFFFF80  }
0x40: {  	[tilespmem:s18], [sflag:$0x9] =	stream.indirect.gather [hbm4b:s1+s8], $0x80, s9, s8, $0xb8;
	[tilespmem:$0x18400] =	vst v63  }
0x41: {  	_ =	swait.ge [sflag:s19], $0x80  }
0x42: {  	[sflag:s19] =	ssyncset.done $0x0  }
0x43: {  	[sflag:s19] =	ssyncadd.s32 $0xFFFFFF80  }
0x44: {  	[tilespmem:s20], [sflag:$0xA] =	stream.indirect.gather [hbm4b:s1+s8], $0x80, s10, s8, $0xb8;
	[tilespmem:$0x18400] =	vst v63  }
0x45: {  	_ =	swait.ge [sflag:s21], $0x80  }
0x46: {  	[sflag:s21] =	ssyncset.done $0x0  }
0x47: {  	[sflag:s21] =	ssyncadd.s32 $0xFFFFFF80  }
0x48: {  	[tilespmem:s22], [sflag:$0xB] =	stream.indirect.gather [hbm4b:s1+s8], $0x80, s11, s8, $0xb8;
	[tilespmem:$0x18400] =	vst v63  }
0x49: {  	_ =	swait.ge [sflag:s23], $0x80  }
0x4a: {  	[sflag:s23] =	ssyncset.done $0x0  }
0x4b: {  	[sflag:s23] =	ssyncadd.s32 $0xFFFFFF80  }
0x4c: {  	[tilespmem:s24], [sflag:$0xC] =	stream.indirect.gather [hbm4b:s1+s8], $0x80, s12, s8, $0xb8;
	[tilespmem:$0x18400] =	vst v63  }
0x4d: {  	_ =	swait.ge [sflag:s25], $0x4000  }
0x4e: {  	s4 =	rddreg [dreg:$0x3];
	[sflag:s25] =	ssyncset.done $0x0  }
0x4f: {  	[sflag:s25] =	ssyncadd.s32 $0xFFFFC000;
	s0 =	sadd.s32 $0x0, s4  }
0x50: {  	[hbm4b:s0+s3] =	stream.linear.scatter [tilespmem:s14], [sflag:$0xD], $0x4000, $0x38;
	[tilespmem:$0x18400] =	vst v63  }
0x51: {  	_ =	swait.ge [sflag:s26], $0x4000  }
0x52: {  	[sflag:s26] =	ssyncset.done $0x0  }
0x53: {  	s5 =	sadd.s32 $0x10000, s0;
	[sflag:s26] =	ssyncadd.s32 $0xFFFFC000  }
0x54: {  	[hbm4b:s5+s3] =	stream.linear.scatter [tilespmem:s16], [sflag:$0xE], $0x4000, $0x38;
	[tilespmem:$0x18400] =	vst v63  }
0x55: {  	_ =	swait.ge [sflag:s28], $0x4000  }
0x56: {  	[sflag:s28] =	ssyncset.done $0x0  }
0x57: {  	s6 =	sadd.s32 $0x20000, s0;
	[sflag:s28] =	ssyncadd.s32 $0xFFFFC000  }
0x58: {  	[hbm4b:s6+s3] =	stream.linear.scatter [tilespmem:s18], [sflag:$0xF], $0x4000, $0x38;
	[tilespmem:$0x18400] =	vst v63  }
0x59: {  	_ =	swait.ge [sflag:s29], $0x4000  }
0x5a: {  	[sflag:s29] =	ssyncset.done $0x0  }
0x5b: {  	s5 =	sadd.s32 $0x30000, s0;
	[sflag:s29] =	ssyncadd.s32 $0xFFFFC000  }
0x5c: {  	[hbm4b:s5+s3] =	stream.linear.scatter [tilespmem:s20], [sflag:$0x10], $0x4000, $0x38;
	[tilespmem:$0x18400] =	vst v63  }
0x5d: {  	_ =	swait.ge [sflag:s30], $0x4000  }
0x5e: {  	[sflag:s30] =	ssyncset.done $0x0  }
0x5f: {  	s6 =	sadd.s32 $0x40000, s0;
	[sflag:s30] =	ssyncadd.s32 $0xFFFFC000  }
0x60: {  	[hbm4b:s6+s3] =	stream.linear.scatter [tilespmem:s22], [sflag:$0x11], $0x4000, $0x38;
	[tilespmem:$0x18400] =	vst v63  }
0x61: {  	_ =	swait.ge [sflag:s31], $0x4000  }
0x62: {  	s4 =	simm.s32 $0x60000;
	s0 =	sadd.s32 $0x50000, s0;
	[sflag:s31] =	ssyncset.done $0x0  }
.LBB2_2:
0x63: {  	[sflag:s31] =	ssyncadd.s32 $0xFFFFC000;
	s7 =	sadd.s32 $0xC00, s7  }
0x64: {  	[hbm4b:s0+s3] =	stream.linear.scatter [tilespmem:s24], [sflag:$0x12], $0x4000, $0x38;
	[tilespmem:$0x18400] =	vst v63  }
0x65: {  	s5 =	sadd.s32 $0xFFFFF600, s7  }
0x66: {  	[tilespmem:s3], [sflag:$0x1] =	stream.linear.gather [hbm4b:s5+s3], $0x80, $0x38;
	[tilespmem:$0x18400] =	vst v63  }
0x67: {  	s5 =	sadd.s32 $0xFFFFF800, s7  }
0x68: {  	[tilespmem:s8], [sflag:$0x2] =	stream.linear.gather [hbm4b:s5+s3], $0x80, $0x38;
	[tilespmem:$0x18400] =	vst v63  }
0x69: {  	s5 =	sadd.s32 $0xFFFFFA00, s7  }
0x6a: {  	[tilespmem:s9], [sflag:$0x3] =	stream.linear.gather [hbm4b:s5+s3], $0x80, $0x38;
	[tilespmem:$0x18400] =	vst v63  }
0x6b: {  	s6 =	smov.u32 s4;
	s5 =	sadd.s32 $0xFFFFFC00, s7  }
0x6c: {  	[tilespmem:s10], [sflag:$0x4] =	stream.linear.gather [hbm4b:s5+s3], $0x80, $0x38;
	[tilespmem:$0x18400] =	vst v63  }
0x6d: {  	p2 =	seq.s32 s6, $0x0;
	s5 =	sadd.s32 $0xFFFFFE00, s7  }
0x6e: {  	[tilespmem:s11], [sflag:$0x5] =	stream.linear.gather [hbm4b:s5+s3], $0x80, $0x38;
	[tilespmem:$0x18400] =	vst v63  }
0x6f: {  	s0 =	simm.s32 @!p2 $0xD  }
0x70: {  	[tilespmem:s12], [sflag:$0x6] =	stream.linear.gather [hbm4b:s7+s3], $0x80, $0x38;
	[tilespmem:$0x18400] =	vst v63  }
0x71: {  	_ =	swait.ge @!p2 [sflag:s0], $0x4000  }
0x72: {  	[sflag:s0] =	ssyncset.done @!p2 $0x0  }
0x73: {  	s5 =	simm.s32 @!p2 $0xE;
	[sflag:s0] =	ssyncadd.s32 @!p2 $0xFFFFC000  }
0x74: {  	_ =	swait.ge @!p2 [sflag:s5], $0x4000  }
0x75: {  	[sflag:s5] =	ssyncset.done @!p2 $0x0  }
0x76: {  	s0 =	simm.s32 @!p2 $0xF;
	[sflag:s5] =	ssyncadd.s32 @!p2 $0xFFFFC000  }
0x77: {  	_ =	swait.ge @!p2 [sflag:s0], $0x4000  }
0x78: {  	[sflag:s0] =	ssyncset.done @!p2 $0x0  }
0x79: {  	s5 =	simm.s32 @!p2 $0x10;
	[sflag:s0] =	ssyncadd.s32 @!p2 $0xFFFFC000  }
0x7a: {  	_ =	swait.ge @!p2 [sflag:s5], $0x4000  }
0x7b: {  	[sflag:s5] =	ssyncset.done @!p2 $0x0  }
0x7c: {  	s0 =	simm.s32 @!p2 $0x11;
	[sflag:s5] =	ssyncadd.s32 @!p2 $0xFFFFC000  }
0x7d: {  	_ =	swait.ge @!p2 [sflag:s0], $0x4000  }
0x7e: {  	[sflag:s0] =	ssyncset.done @!p2 $0x0  }
0x7f: {  	s5 =	simm.s32 @!p2 $0x12;
	[sflag:s0] =	ssyncadd.s32 @!p2 $0xFFFFC000  }
0x80: {  	_ =	swait.ge @!p2 [sflag:s5], $0x4000  }
0x81: {  	[sflag:s5] =	ssyncset.done @!p2 $0x0  }
0x82: {  	[sflag:s5] =	ssyncadd.s32 @!p2 $0xFFFFC000  }
0x83: {  	_ =	swait.ge [sflag:s13], $0x80  }
0x84: {  	[sflag:s13] =	ssyncset.done $0x0  }
0x85: {  	[sflag:s13] =	ssyncadd.s32 $0xFFFFFF80  }
0x86: {  	[tilespmem:s14], [sflag:$0x7] =	stream.indirect.gather [hbm4b:s1+s8], $0x80, s3, s8, $0xb8;
	[tilespmem:$0x18400] =	vst v63  }
0x87: {  	_ =	swait.ge [sflag:s15], $0x80  }
0x88: {  	[sflag:s15] =	ssyncset.done $0x0  }
0x89: {  	[sflag:s15] =	ssyncadd.s32 $0xFFFFFF80  }
0x8a: {  	[tilespmem:s16], [sflag:$0x8] =	stream.indirect.gather [hbm4b:s1+s8], $0x80, s8, s8, $0xb8;
	[tilespmem:$0x18400] =	vst v63  }
0x8b: {  	_ =	swait.ge [sflag:s17], $0x80  }
0x8c: {  	[sflag:s17] =	ssyncset.done $0x0  }
0x8d: {  	[sflag:s17] =	ssyncadd.s32 $0xFFFFFF80  }
0x8e: {  	[tilespmem:s18], [sflag:$0x9] =	stream.indirect.gather [hbm4b:s1+s8], $0x80, s9, s8, $0xb8;
	[tilespmem:$0x18400] =	vst v63  }
0x8f: {  	_ =	swait.ge [sflag:s19], $0x80  }
0x90: {  	[sflag:s19] =	ssyncset.done $0x0  }
0x91: {  	[sflag:s19] =	ssyncadd.s32 $0xFFFFFF80  }
0x92: {  	[tilespmem:s20], [sflag:$0xA] =	stream.indirect.gather [hbm4b:s1+s8], $0x80, s10, s8, $0xb8;
	[tilespmem:$0x18400] =	vst v63  }
0x93: {  	_ =	swait.ge [sflag:s21], $0x80  }
0x94: {  	[sflag:s21] =	ssyncset.done $0x0  }
0x95: {  	[sflag:s21] =	ssyncadd.s32 $0xFFFFFF80  }
0x96: {  	[tilespmem:s22], [sflag:$0xB] =	stream.indirect.gather [hbm4b:s1+s8], $0x80, s11, s8, $0xb8;
	[tilespmem:$0x18400] =	vst v63  }
0x97: {  	_ =	swait.ge [sflag:s23], $0x80  }
0x98: {  	[sflag:s23] =	ssyncset.done $0x0  }
0x99: {  	[sflag:s23] =	ssyncadd.s32 $0xFFFFFF80  }
0x9a: {  	[tilespmem:s24], [sflag:$0xC] =	stream.indirect.gather [hbm4b:s1+s8], $0x80, s12, s8, $0xb8;
	[tilespmem:$0x18400] =	vst v63  }
0x9b: {  	_ =	swait.ge [sflag:s25], $0x4000  }
0x9c: {  	s5 =	rddreg [dreg:$0x3];
	[sflag:s25] =	ssyncset.done $0x0  }
0x9d: {  	[sflag:s25] =	ssyncadd.s32 $0xFFFFC000;
	s0 =	sadd.s32 s6, s5  }
0x9e: {  	[hbm4b:s0+s3] =	stream.linear.scatter [tilespmem:s14], [sflag:$0xD], $0x4000, $0x38;
	[tilespmem:$0x18400] =	vst v63  }
0x9f: {  	_ =	swait.ge [sflag:s26], $0x4000  }
0xa0: {  	[sflag:s26] =	ssyncset.done $0x0  }
0xa1: {  	s6 =	sadd.s32 $0x10000, s0;
	[sflag:s26] =	ssyncadd.s32 $0xFFFFC000  }
0xa2: {  	[hbm4b:s6+s3] =	stream.linear.scatter [tilespmem:s16], [sflag:$0xE], $0x4000, $0x38;
	[tilespmem:$0x18400] =	vst v63  }
0xa3: {  	_ =	swait.ge [sflag:s28], $0x4000  }
0xa4: {  	[sflag:s28] =	ssyncset.done $0x0  }
0xa5: {  	s6 =	sadd.s32 $0x20000, s0;
	[sflag:s28] =	ssyncadd.s32 $0xFFFFC000  }
0xa6: {  	[hbm4b:s6+s3] =	stream.linear.scatter [tilespmem:s18], [sflag:$0xF], $0x4000, $0x38;
	[tilespmem:$0x18400] =	vst v63  }
0xa7: {  	_ =	swait.ge [sflag:s29], $0x4000  }
0xa8: {  	[sflag:s29] =	ssyncset.done $0x0  }
0xa9: {  	s4 =	sadd.s32 $0x60000, s4;
	s6 =	sadd.s32 $0x30000, s0;
	[sflag:s29] =	ssyncadd.s32 $0xFFFFC000  }
0xaa: {  	[hbm4b:s6+s3] =	stream.linear.scatter [tilespmem:s20], [sflag:$0x10], $0x4000, $0x38;
	[tilespmem:$0x18400] =	vst v63  }
0xab: {  	p1 =	sne.s32 s4, $0x4E0000;
	_ =	swait.ge [sflag:s30], $0x4000  }
.Ltmp0:
0xac: {  	[sflag:s30] =	ssyncset.done $0x0;
	(pc) =	sbr.rel @p1 .LBB2_2-.Ltmp0, $4  }
0xad: {  	s6 =	sadd.s32 $0x40000, s0;
	[sflag:s30] =	ssyncadd.s32 $0xFFFFC000  }
0xae: {  	[hbm4b:s6+s3] =	stream.linear.scatter [tilespmem:s22], [sflag:$0x11], $0x4000, $0x38;
	[tilespmem:$0x18400] =	vst v63  }
0xaf: {  	_ =	swait.ge [sflag:s31], $0x4000  }
0xb0: {  	s0 =	sadd.s32 $0x50000, s0;
	[sflag:s31] =	ssyncset.done $0x0  }
0xb1: {  	[sflag:s31] =	ssyncadd.s32 $0xFFFFC000;
	s5 =	simm.s32 $0xD  }
0xb2: {  	[hbm4b:s0+s3] =	stream.linear.scatter [tilespmem:s24], [sflag:$0x12], $0x4000, $0x38;
	[tilespmem:$0x18400] =	vst v63  }
0xb3: {  	_ =	swait.ge [sflag:s5], $0x4000  }
0xb4: {  	[sflag:s5] =	ssyncset.done $0x0  }
0xb5: {  	s6 =	simm.s32 $0xE;
	[sflag:s5] =	ssyncadd.s32 $0xFFFFC000  }
0xb6: {  	_ =	swait.ge [sflag:s6], $0x4000  }
0xb7: {  	[sflag:s6] =	ssyncset.done $0x0  }
0xb8: {  	s7 =	simm.s32 $0xF;
	[sflag:s6] =	ssyncadd.s32 $0xFFFFC000  }
0xb9: {  	_ =	swait.ge [sflag:s7], $0x4000  }
0xba: {  	[sflag:s7] =	ssyncset.done $0x0  }
0xbb: {  	s4 =	simm.s32 $0x10;
	[sflag:s7] =	ssyncadd.s32 $0xFFFFC000  }
0xbc: {  	_ =	swait.ge [sflag:s4], $0x4000  }
0xbd: {  	[sflag:s4] =	ssyncset.done $0x0  }
0xbe: {  	s5 =	simm.s32 $0x11;
	[sflag:s4] =	ssyncadd.s32 $0xFFFFC000  }
0xbf: {  	_ =	swait.ge [sflag:s5], $0x4000  }
0xc0: {  	[sflag:s5] =	ssyncset.done $0x0  }
0xc1: {  	s6 =	simm.s32 $0x12;
	[sflag:s5] =	ssyncadd.s32 $0xFFFFC000  }
0xc2: {  	_ =	swait.ge [sflag:s6], $0x4000  }
0xc3: {  	[sflag:s6] =	ssyncset.done $0x0  }
0xc4: {  	s0 =	simm.s32 @!p0 $0x0;
	s4 =	rddreg [dreg:$0x4];
	[sflag:s6] =	ssyncadd.s32 $0xFFFFC000  }
0xc5: {  	[tilespmem:s0], [sflag:$0x13] =	stream.linear.gather @!p0 [hbm4b:s4+s0], $0x80, $0x38;
	[tilespmem:$0x18400] =	vst v63  }
0xc6: {  	s4 =	simm.s32 @!p0 $0x13  }
0xc7: {  	_ =	swait.ge @!p0 [sflag:s4], $0x80  }
0xc8: {  	[sflag:s4] =	ssyncset.done @!p0 $0x0  }
0xc9: {  	s5 =	simm.s32 @!p0 $0x80;
	s6 =	simm.s32 @!p0 $0x400;
	[sflag:s4] =	ssyncadd.s32 @!p0 $0xFFFFFF80  }
0xca: {  	[tilespmem:s6], [sflag:$0x7] =	stream.indirect.gather @!p0 [hbm4b:s1+s5], $0x80, s0, s5, $0xb8;
	[tilespmem:$0x18400] =	vst v63  }
0xcb: {  	s5 =	simm.s32 @!p0 $0x7  }
0xcc: {  	_ =	swait.ge @!p0 [sflag:s5], $0x4000  }
0xcd: {  	[sflag:s5] =	ssyncset.done @!p0 $0x0  }
0xce: {  	[sflag:s5] =	ssyncadd.s32 @!p0 $0xFFFFC000;
	s5 =	rddreg [dreg:$0x5]  }
0xcf: {  	[hbm4b:s5+s0] =	stream.linear.scatter @!p0 [tilespmem:s6], [sflag:$0x13], $0x4000, $0x38;
	[tilespmem:$0x18400] =	vst v63  }
0xd0: {  	_ =	swait.ge @!p0 [sflag:s4], $0x4000  }
0xd1: {  	s2 =	sadd.s32 $0x1, s2;
	s7 =	rddreg [dreg:$0x6]  }
0xd2: {  	p1 =	sne.s32 s2, s7  }
.Ltmp1:
0xd3: {  	_ = 	snop;
	(pc) =	sbr.rel @p1 .LBB2_1-.Ltmp1, $3  }
0xd4: {  	_ =	sdelay $0x1  }
0xd5: {  	[sflag:s4] =	ssyncset.done @!p0 $0x0  }
0xd6: {  	[sflag:s4] =	ssyncadd.s32 @!p0 $0xFFFFC000  }
0xd7: {  	_ =	sfence.sel $0x180000  }
0xd8: {  	[bflag:$0x0] =	sbarrier.arrive $0xFFFF  }
0xd9: {  	_ =	strace $0x90000047  }
0xda: {  	s0 =	stileid.u32;
	[bflag:$0x2] =	sbarrier.arrive $0xFFFF  }
0xdb: {  	p0 =	sne.s32 s0, $0x0;
	s0 =	rddreg [dreg:$0x2]  }
0xdc: {  	s0 =	sadd.s32 @!p0 $0x100000, s0  }
0xdd: {  	[sflag:s0] =	ssyncadd.tile.s32 @!p0 $0x1;
	_ =	shalt  }
.Lfunc_end2:
_tile_overlayer_lowered:
.L_overlay_start_2:
0xde: {  	(tag) =	ssettag $0x2  }
0xdf: {  	s0 =	rddreg [dreg:$0x0];
	s2 =	stileid.u32  }
0xe0: {  	s1 =	rddreg [dreg:$0x1];
	p0 =	sne.s32 s2, $0x0  }
0xe1: {  	s3 =	rddreg [dreg:$0x2];
	[bflag:$0x3] =	sbarrier.arrive $0xFFFF;
	s2 =	simm.s32 @!p0 $0x1C13  }
0xe2: {  	[timem:s3], [sflag:s2] =	dma.local @!p0 [hbm:s0], s1  }
0xe3: {  	s0 =	simm.s32 @!p0 $0x13  }
0xe4: {  	_ =	swait.ge @!p0 [sflag:s0], s1  }
0xe5: {  	s1 =	ssub.s32 @!p0 $0x0, s1;
	[sflag:s0] =	ssyncset.done @!p0 $0x0  }
0xe6: {  	[sflag:s0] =	ssyncadd.s32 @!p0 s1  }
0xe7: {  	[bflag:$0x3] =	sbarrier.arrive $0xFFFF  }
0xe8: {  	_ =	shalt  }

</sc_bundles>
